<compile_context>
chip_gen: v7x
topology: tpu7x:2x2x1
jax: 0.10.2.dev20260603
libtpu: 0.0.44.dev20260713+nightly
codegen_flags: <defaults>
</compile_context>

<pallas_src>
import functools

import jax
import jax.numpy as jnp
from jax import lax
from jax.experimental import pallas as pl
from jax.experimental.pallas import tpu as pltpu
from jax.experimental.pallas import tpu_sc as plsc

N = 10000
E = 160000
D = 256
HALF = D // 2
NC = 2
NS = 16
CHUNK = 128
RPT = 640
NPAD = NS * RPT
UNROLL_B = 4
BULK = 8
EPAD = 163840
TURNS = EPAD // (CHUNK * BULK * NS)
EIDX = EPAD + 2 * NS * BULK * CHUNK


@functools.cache
def _sc_kernels():
    mesh = plsc.VectorSubcoreMesh(core_axis_name="c", subcore_axis_name="s")

    @functools.partial(
        pl.kernel,
        out_type=jax.ShapeDtypeStruct((NC, NPAD, 16), jnp.float32),
        mesh=mesh,
        scratch_types=[
            pltpu.VMEM((UNROLL_B, CHUNK), jnp.int32),
            pltpu.VMEM((CHUNK, 16), jnp.float32),
            pltpu.VMEM_SHARED((NPAD, 16), jnp.float32),
            pltpu.SemaphoreType.DMA((UNROLL_B,)),
        ],
    )
    def sc_bincount(src_hbm, zeros_hbm, ones_hbm, out_hbm, idxv, onesv, acc,
                    sem):
        c = lax.axis_index("c")
        s = lax.axis_index("s")
        row0 = s * RPT
        pltpu.sync_copy(zeros_hbm, acc.at[pl.ds(row0, RPT)])
        pltpu.sync_copy(ones_hbm, onesv)
        plsc.subcore_barrier()

        ehalf = EPAD // NC
        nch = ehalf // CHUNK
        iters = nch // (NS * UNROLL_B)

        @pl.loop(0, iters)
        def _(t):
            base = c * ehalf + (t * NS * UNROLL_B + s * UNROLL_B) * CHUNK
            for j in range(UNROLL_B):
                pltpu.async_copy(src_hbm.at[pl.ds(base + j * CHUNK, CHUNK)],
                                 idxv.at[j], sem.at[j])
            for j in range(UNROLL_B):
                pltpu.make_async_copy(src_hbm.at[pl.ds(base, CHUNK)],
                                      idxv.at[j], sem.at[j]).wait()
                pltpu.async_copy(onesv, acc.at[idxv.at[j]], sem.at[j],
                                 add=True)
            for j in range(UNROLL_B):
                pltpu.make_async_copy(onesv, acc.at[idxv.at[j]],
                                      sem.at[j]).wait()

        plsc.subcore_barrier()
        pltpu.sync_copy(acc.at[pl.ds(row0, RPT)],
                        out_hbm.at[c, pl.ds(row0, RPT)])

    @functools.partial(
        pl.kernel,
        out_type=jax.ShapeDtypeStruct((NC, NPAD, HALF), jnp.float32),
        mesh=mesh,
        scratch_types=[
            pltpu.VMEM((BULK, CHUNK), jnp.int32),
            pltpu.VMEM((BULK, CHUNK), jnp.int32),
            pltpu.VMEM((BULK, CHUNK), jnp.int32),
            pltpu.VMEM((BULK, CHUNK), jnp.int32),
            pltpu.VMEM((CHUNK, HALF), jnp.float32),
            pltpu.VMEM_SHARED((NPAD, HALF), jnp.float32),
            pltpu.SemaphoreType.DMA((2,)),
            pltpu.SemaphoreType.DMA,
        ],
    )
    def sc_scatter(g0_hbm, g1_hbm, src2_hbm, dst2_hbm, zeros_hbm, out_hbm,
                   srcb0, dstb0, srcb1, dstb1, gbuf, acc, isem, gsem):
        c = lax.axis_index("c")
        s = lax.axis_index("s")
        row0 = s * RPT
        pltpu.sync_copy(zeros_hbm, acc.at[pl.ds(row0, RPT)])
        plsc.subcore_barrier()

        def prefetch(turn, srcb, dstb, p):
            base = (turn * NS + s) * BULK
            pltpu.async_copy(src2_hbm.at[pl.ds(base, BULK)], srcb, isem.at[p])
            pltpu.async_copy(dst2_hbm.at[pl.ds(base, BULK)], dstb, isem.at[p])

        def wait_prefetch(srcb, dstb, p):
            pltpu.make_async_copy(src2_hbm.at[pl.ds(0, BULK)],
                                  srcb, isem.at[p]).wait()
            pltpu.make_async_copy(dst2_hbm.at[pl.ds(0, BULK)],
                                  dstb, isem.at[p]).wait()

        def run(g_hbm):
            prefetch(0, srcb0, dstb0, 0)
            prefetch(1, srcb1, dstb1, 1)

            @pl.loop(0, TURNS // 2)
            def _(u):
                wait_prefetch(srcb0, dstb0, 0)
                for j in range(BULK):
                    pltpu.async_copy(g_hbm.at[srcb0.at[j]], gbuf, gsem).wait()
                    pltpu.sync_copy(gbuf, acc.at[dstb0.at[j]], add=True)
                prefetch(2 * u + 2, srcb0, dstb0, 0)
                wait_prefetch(srcb1, dstb1, 1)
                for j in range(BULK):
                    pltpu.async_copy(g_hbm.at[srcb1.at[j]], gbuf, gsem).wait()
                    pltpu.sync_copy(gbuf, acc.at[dstb1.at[j]], add=True)
                prefetch(2 * u + 3, srcb1, dstb1, 1)

            wait_prefetch(srcb0, dstb0, 0)
            wait_prefetch(srcb1, dstb1, 1)

        @pl.when(c == 0)
        def _():
            run(g0_hbm)

        @pl.when(c == 1)
        def _():
            run(g1_hbm)

        plsc.subcore_barrier()
        pltpu.sync_copy(acc.at[pl.ds(row0, RPT)],
                        out_hbm.at[c, pl.ds(row0, RPT)])

    return sc_bincount, sc_scatter


_ROWS = 1000


def _tc_main_body(counts_ref, x_ref, w_ref, b_ref, root_ref,
                  g0_ref, g1_ref, self_ref):
    cnt = counts_ref[0, :, 0:1] + counts_ref[1, :, 0:1]
    degs = cnt + 1.0
    norm = lax.rsqrt(degs)
    h = jnp.dot(x_ref[...], w_ref[...],
                preferred_element_type=jnp.float32) + b_ref[...]
    g = norm * jnp.maximum(h, 0.0)
    g0_ref[...] = g[:, :HALF]
    g1_ref[...] = g[:, HALF:]
    self_ref[...] = jnp.maximum(h + root_ref[...], 0.0) / degs


def _tc_main(counts, x, w, b2, root):
    return pl.pallas_call(
        _tc_main_body,
        grid=(N // _ROWS,),
        in_specs=[
            pl.BlockSpec((NC, _ROWS, 16), lambda i: (0, i, 0)),
            pl.BlockSpec((_ROWS, D), lambda i: (i, 0)),
            pl.BlockSpec((D, D), lambda i: (0, 0)),
            pl.BlockSpec((1, D), lambda i: (0, 0)),
            pl.BlockSpec((1, D), lambda i: (0, 0)),
        ],
        out_specs=[
            pl.BlockSpec((_ROWS, HALF), lambda i: (i, 0)),
            pl.BlockSpec((_ROWS, HALF), lambda i: (i, 0)),
            pl.BlockSpec((_ROWS, D), lambda i: (i, 0)),
        ],
        out_shape=[
            jax.ShapeDtypeStruct((NPAD, HALF), jnp.float32),
            jax.ShapeDtypeStruct((NPAD, HALF), jnp.float32),
            jax.ShapeDtypeStruct((N, D), jnp.float32),
        ],
    )(counts, x, w, b2, root)


def _tc_out_body(counts_ref, acc_ref, self_ref, o_ref):
    cnt = counts_ref[0, :, 0:1] + counts_ref[1, :, 0:1]
    norm = lax.rsqrt(cnt + 1.0)
    acc = jnp.concatenate([acc_ref[0], acc_ref[1]], axis=1)
    o_ref[...] = norm * acc + self_ref[...]


def _tc_out(counts, acc, self_term):
    return pl.pallas_call(
        _tc_out_body,
        grid=(N // _ROWS,),
        in_specs=[
            pl.BlockSpec((NC, _ROWS, 16), lambda i: (0, i, 0)),
            pl.BlockSpec((NC, _ROWS, HALF), lambda i: (0, i, 0)),
            pl.BlockSpec((_ROWS, D), lambda i: (i, 0)),
        ],
        out_specs=pl.BlockSpec((_ROWS, D), lambda i: (i, 0)),
        out_shape=jax.ShapeDtypeStruct((N, D), jnp.float32),
    )(counts, acc, self_term)


def kernel(x, edge_index, W, b, root_emb):
    sc_bincount, sc_scatter = _sc_kernels()
    pad = jnp.full((EIDX - E,), N, jnp.int32)
    src = jnp.concatenate([edge_index[0], pad])
    dst = jnp.concatenate([edge_index[1], pad])
    zeros16 = jnp.zeros((RPT, 16), jnp.float32)
    ones16 = jnp.ones((CHUNK, 16), jnp.float32)
    zeros128 = jnp.zeros((RPT, HALF), jnp.float32)

    counts = sc_bincount(src, zeros16, ones16)
    g0, g1, self_term = _tc_main(counts, x, W, b.reshape(1, D), root_emb)
    acc = sc_scatter(g0, g1, src.reshape(-1, CHUNK), dst.reshape(-1, CHUNK),
                     zeros128)
    return _tc_out(counts, acc, self_term)

# --- scband reference (transcript-rebuilt; emitter-appended) ---
"""Pipeline reference for scband-tess-21930103014157 (READ-ONLY COPY).

The authoritative reference and input builder live on the scoring server;
editing this copy changes nothing except your own understanding.
"""

import jax, jax.numpy as jnp
import numpy as np

N = 10000
E = 160000
D = 256


def setup_inputs(seed: int = 0) -> dict:
    key = jax.random.key(seed)
    k1, k2, k3, k4 = jax.random.split(key, 4)
    x = jax.random.normal(k1, (N, D), dtype=jnp.float32)
    edge_index = jax.random.randint(k2, (2, E), 0, N, dtype=jnp.int32)
    # Learned parameters sized per init_kwargs (emb_dim=256)
    W = jax.random.normal(k3, (D, D), dtype=jnp.float32) * 0.05  # linear weight
    b = jnp.zeros((D,), dtype=jnp.float32)                        # linear bias
    root_emb = jax.random.normal(k4, (1, D), dtype=jnp.float32) * 0.05  # nn.Embedding(1, emb_dim).weight
    return {"x": x, "edge_index": edge_index, "W": W, "b": b, "root_emb": root_emb}


def reference(x, edge_index, W, b, root_emb):
    # x = self.linear(x)
    h = x @ W + b
    src = edge_index[0]
    dst = edge_index[1]
    # degs = out_degrees + 1 (out-degree = count of node as src)
    degs = jnp.bincount(src, length=N).astype(jnp.float32) + 1.0
    norm = degs ** -0.5
    # apply_edges u_mul_v: norm[src] * norm[dst]
    enorm = norm[src] * norm[dst]
    # m = copy_u(x) -> h[src]; edata m = enorm * relu(m)
    m = enorm[:, None] * jax.nn.relu(h[src])
    # update_all copy_e + sum to dst
    new_x = jax.ops.segment_sum(m, dst, num_segments=N)
    out = new_x + jax.nn.relu(h + root_emb) / degs[:, None]
    return out

if __name__ == "__main__":
    import jax
    _d = setup_inputs()
    print(jax.jit(kernel)(*tuple(_d.values())))

</pallas_src>

<mosaic_0001>
#map = affine_map<(d0, d1) -> (0)>
#map1 = affine_map<(d0, d1) -> (0, 0)>
#map2 = affine_map<(d0, d1) -> (0, 0, 0)>
module attributes {stable_mosaic.version = 14 : i64} {
  func.func @sc_bincount(%arg0: i32, %arg1: i32, %arg2: memref<196608xi32, #tpu.memory_space<hbm>>, %arg3: memref<640x16xf32, #tpu.memory_space<hbm>>, %arg4: memref<128x16xf32, #tpu.memory_space<hbm>>, %arg5: memref<2x10240x16xf32, #tpu.memory_space<hbm>>, %arg6: memref<4x128xi32, #tpu.memory_space<vmem>>, %arg7: memref<128x16xf32, #tpu.memory_space<vmem>>, %arg8: memref<10240x16xf32, #tpu.memory_space<vmem_shared>>, %arg9: memref<4x!tpu.dma_semaphore, #tpu.memory_space<semaphore_mem>>) attributes {dimension_semantics = [#tpu.dimension_semantics<core_parallel>, #tpu.dimension_semantics<subcore_parallel>], iteration_bounds = array<i64: 2, 16>, scalar_prefetch = 0 : i64, scratch_operands = 4 : i64, tpu.core_type = #tpu.core_type<sc_vector_subcore>, window_params = [{transform_indices = #map}, {transform_indices = #map1}, {transform_indices = #map1}, {transform_indices = #map2}]} {
    %mul3A = arith.constant 640 : i32
    %mul3A_0 = arith.muli %arg1, %mul3A : i32
    "tpu.region"() ({
      %run_scoped3A = tpu.sem_alloc : memref<!tpu.dma_semaphore, #tpu.memory_space<semaphore_mem>>
      %dma_start3A = arith.constant 0 : i32
      %dma_start3A_6 = tpu.memref_slice %arg8[%mul3A_0, %dma_start3A] : memref<10240x16xf32, #tpu.memory_space<vmem_shared>> -> memref<640x16xf32, #tpu.memory_space<vmem_shared>>
      tpu.enqueue_dma source(%arg3 : memref<640x16xf32, #tpu.memory_space<hbm>>) target(%dma_start3A_6 : memref<640x16xf32, #tpu.memory_space<vmem_shared>>) target_semaphore(%run_scoped3A : memref<!tpu.dma_semaphore, #tpu.memory_space<semaphore_mem>>)
      %dma_wait3A = arith.constant 0 : i32
      %dma_wait3A_7 = tpu.memref_slice %arg8[%mul3A_0, %dma_wait3A] : memref<10240x16xf32, #tpu.memory_space<vmem_shared>> -> memref<640x16xf32, #tpu.memory_space<vmem_shared>>
      tpu.wait_dma2 semaphore(%run_scoped3A : memref<!tpu.dma_semaphore, #tpu.memory_space<semaphore_mem>>) src(%arg3 : memref<640x16xf32, #tpu.memory_space<hbm>>) dst(%dma_wait3A_7 : memref<640x16xf32, #tpu.memory_space<vmem_shared>>)
      tpu.yield
    }) : () -> ()
    "tpu.region"() ({
      %run_scoped3A = tpu.sem_alloc : memref<!tpu.dma_semaphore, #tpu.memory_space<semaphore_mem>>
      tpu.enqueue_dma source(%arg4 : memref<128x16xf32, #tpu.memory_space<hbm>>) target(%arg7 : memref<128x16xf32, #tpu.memory_space<vmem>>) target_semaphore(%run_scoped3A : memref<!tpu.dma_semaphore, #tpu.memory_space<semaphore_mem>>)
      tpu.wait_dma2 semaphore(%run_scoped3A : memref<!tpu.dma_semaphore, #tpu.memory_space<semaphore_mem>>) src(%arg4 : memref<128x16xf32, #tpu.memory_space<hbm>>) dst(%arg7 : memref<128x16xf32, #tpu.memory_space<vmem>>)
      tpu.yield
    }) : () -> ()
    %barrier3A = arith.constant 0 : index
    tpu.barrier barrier_id(%barrier3A)
    %scan3A = arith.constant 0 : i32
    %scan3A_1 = arith.constant 10 : i32
    %scan3A_2 = arith.addi %scan3A, %scan3A_1 : i32
    %scan3A_3 = arith.constant 1 : i32
    scf.for %scan3A_6 = %scan3A to %scan3A_2 step %scan3A_3  : i32 {
      %mul3A_7 = arith.constant 1 : i32
      %mul3A_8 = arith.muli %scan3A_6, %mul3A_7 : i32
      %add3A = arith.constant 0 : i32
      %add3A_9 = arith.addi %add3A, %mul3A_8 : i32
      %mul3A_10 = arith.constant 81920 : i32
      %mul3A_11 = arith.muli %arg0, %mul3A_10 : i32
      %mul3A_12 = arith.constant 16 : i32
      %mul3A_13 = arith.muli %add3A_9, %mul3A_12 : i32
      %mul3A_14 = arith.constant 4 : i32
      %mul3A_15 = arith.muli %mul3A_13, %mul3A_14 : i32
      %mul3A_16 = arith.constant 4 : i32
      %mul3A_17 = arith.muli %arg1, %mul3A_16 : i32
      %add3A_18 = arith.addi %mul3A_15, %mul3A_17 : i32
      %mul3A_19 = arith.constant 128 : i32
      %mul3A_20 = arith.muli %add3A_18, %mul3A_19 : i32
      %add3A_21 = arith.addi %mul3A_11, %mul3A_20 : i32
      %add3A_22 = arith.constant 0 : i32
      %add3A_23 = arith.addi %add3A_21, %add3A_22 : i32
      %dma_start3A = arith.constant 0 : i32
      %dma_start3A_24 = arith.constant 0 : i32
      %dma_start3A_25 = arith.constant 0 : i32
      %dma_start3A_26 = tpu.memref_slice %arg6[%dma_start3A, %dma_start3A_25] : memref<4x128xi32, #tpu.memory_space<vmem>> -> memref<1x128xi32, #tpu.memory_space<vmem>>
      %dma_start3A_27 = tpu.memref_squeeze %dma_start3A_26 : memref<1x128xi32, #tpu.memory_space<vmem>> -> memref<128xi32, #tpu.memory_space<vmem>>
      %dma_start3A_28 = tpu.memref_slice %arg2[%add3A_23] : memref<196608xi32, #tpu.memory_space<hbm>> -> memref<128xi32, #tpu.memory_space<hbm>>
      %dma_start3A_29 = tpu.memref_slice %arg9[%dma_start3A_24] : memref<4x!tpu.dma_semaphore, #tpu.memory_space<semaphore_mem>> -> memref<1x!tpu.dma_semaphore, #tpu.memory_space<semaphore_mem>>
      %dma_start3A_30 = tpu.memref_squeeze %dma_start3A_29 : memref<1x!tpu.dma_semaphore, #tpu.memory_space<semaphore_mem>> -> memref<!tpu.dma_semaphore, #tpu.memory_space<semaphore_mem>>
      %dma_start3A_31 = arith.constant 0 : i32
      %dma_start3A_32 = tpu.memref_slice %arg6[%dma_start3A, %dma_start3A_31] : memref<4x128xi32, #tpu.memory_space<vmem>> -> memref<1x128xi32, #tpu.memory_space<vmem>>
      %dma_start3A_33 = tpu.memref_squeeze %dma_start3A_32 : memref<1x128xi32, #tpu.memory_space<vmem>> -> memref<128xi32, #tpu.memory_space<vmem>>
      %dma_start3A_34 = tpu.memref_slice %arg2[%add3A_23] : memref<196608xi32, #tpu.memory_space<hbm>> -> memref<128xi32, #tpu.memory_space<hbm>>
      tpu.enqueue_dma source(%dma_start3A_34 : memref<128xi32, #tpu.memory_space<hbm>>) target(%dma_start3A_33 : memref<128xi32, #tpu.memory_space<vmem>>) target_semaphore(%dma_start3A_30 : memref<!tpu.dma_semaphore, #tpu.memory_space<semaphore_mem>>)
      %add3A_35 = arith.constant 128 : i32
      %add3A_36 = arith.addi %add3A_21, %add3A_35 : i32
      %dma_start3A_37 = arith.constant 1 : i32
      %dma_start3A_38 = arith.constant 1 : i32
      %dma_start3A_39 = arith.constant 0 : i32
      %dma_start3A_40 = tpu.memref_slice %arg6[%dma_start3A_37, %dma_start3A_39] : memref<4x128xi32, #tpu.memory_space<vmem>> -> memref<1x128xi32, #tpu.memory_space<vmem>>
      %dma_start3A_41 = tpu.memref_squeeze %dma_start3A_40 : memref<1x128xi32, #tpu.memory_space<vmem>> -> memref<128xi32, #tpu.memory_space<vmem>>
      %dma_start3A_42 = tpu.memref_slice %arg2[%add3A_36] : memref<196608xi32, #tpu.memory_space<hbm>> -> memref<128xi32, #tpu.memory_space<hbm>>
      %dma_start3A_43 = tpu.memref_slice %arg9[%dma_start3A_38] : memref<4x!tpu.dma_semaphore, #tpu.memory_space<semaphore_mem>> -> memref<1x!tpu.dma_semaphore, #tpu.memory_space<semaphore_mem>>
      %dma_start3A_44 = tpu.memref_squeeze %dma_start3A_43 : memref<1x!tpu.dma_semaphore, #tpu.memory_space<semaphore_mem>> -> memref<!tpu.dma_semaphore, #tpu.memory_space<semaphore_mem>>
      %dma_start3A_45 = arith.constant 0 : i32
      %dma_start3A_46 = tpu.memref_slice %arg6[%dma_start3A_37, %dma_start3A_45] : memref<4x128xi32, #tpu.memory_space<vmem>> -> memref<1x128xi32, #tpu.memory_space<vmem>>
      %dma_start3A_47 = tpu.memref_squeeze %dma_start3A_46 : memref<1x128xi32, #tpu.memory_space<vmem>> -> memref<128xi32, #tpu.memory_space<vmem>>
      %dma_start3A_48 = tpu.memref_slice %arg2[%add3A_36] : memref<196608xi32, #tpu.memory_space<hbm>> -> memref<128xi32, #tpu.memory_space<hbm>>
      tpu.enqueue_dma source(%dma_start3A_48 : memref<128xi32, #tpu.memory_space<hbm>>) target(%dma_start3A_47 : memref<128xi32, #tpu.memory_space<vmem>>) target_semaphore(%dma_start3A_44 : memref<!tpu.dma_semaphore, #tpu.memory_space<semaphore_mem>>)
      %add3A_49 = arith.constant 256 : i32
      %add3A_50 = arith.addi %add3A_21, %add3A_49 : i32
      %dma_start3A_51 = arith.constant 2 : i32
      %dma_start3A_52 = arith.constant 2 : i32
      %dma_start3A_53 = arith.constant 0 : i32
      %dma_start3A_54 = tpu.memref_slice %arg6[%dma_start3A_51, %dma_start3A_53] : memref<4x128xi32, #tpu.memory_space<vmem>> -> memref<1x128xi32, #tpu.memory_space<vmem>>
      %dma_start3A_55 = tpu.memref_squeeze %dma_start3A_54 : memref<1x128xi32, #tpu.memory_space<vmem>> -> memref<128xi32, #tpu.memory_space<vmem>>
      %dma_start3A_56 = tpu.memref_slice %arg2[%add3A_50] : memref<196608xi32, #tpu.memory_space<hbm>> -> memref<128xi32, #tpu.memory_space<hbm>>
      %dma_start3A_57 = tpu.memref_slice %arg9[%dma_start3A_52] : memref<4x!tpu.dma_semaphore, #tpu.memory_space<semaphore_mem>> -> memref<1x!tpu.dma_semaphore, #tpu.memory_space<semaphore_mem>>
      %dma_start3A_58 = tpu.memref_squeeze %dma_start3A_57 : memref<1x!tpu.dma_semaphore, #tpu.memory_space<semaphore_mem>> -> memref<!tpu.dma_semaphore, #tpu.memory_space<semaphore_mem>>
      %dma_start3A_59 = arith.constant 0 : i32
      %dma_start3A_60 = tpu.memref_slice %arg6[%dma_start3A_51, %dma_start3A_59] : memref<4x128xi32, #tpu.memory_space<vmem>> -> memref<1x128xi32, #tpu.memory_space<vmem>>
      %dma_start3A_61 = tpu.memref_squeeze %dma_start3A_60 : memref<1x128xi32, #tpu.memory_space<vmem>> -> memref<128xi32, #tpu.memory_space<vmem>>
      %dma_start3A_62 = tpu.memref_slice %arg2[%add3A_50] : memref<196608xi32, #tpu.memory_space<hbm>> -> memref<128xi32, #tpu.memory_space<hbm>>
      tpu.enqueue_dma source(%dma_start3A_62 : memref<128xi32, #tpu.memory_space<hbm>>) target(%dma_start3A_61 : memref<128xi32, #tpu.memory_space<vmem>>) target_semaphore(%dma_start3A_58 : memref<!tpu.dma_semaphore, #tpu.memory_space<semaphore_mem>>)
      %add3A_63 = arith.constant 384 : i32
      %add3A_64 = arith.addi %add3A_21, %add3A_63 : i32
      %dma_start3A_65 = arith.constant 3 : i32
      %dma_start3A_66 = arith.constant 3 : i32
      %dma_start3A_67 = arith.constant 0 : i32
      %dma_start3A_68 = tpu.memref_slice %arg6[%dma_start3A_65, %dma_start3A_67] : memref<4x128xi32, #tpu.memory_space<vmem>> -> memref<1x128xi32, #tpu.memory_space<vmem>>
      %dma_start3A_69 = tpu.memref_squeeze %dma_start3A_68 : memref<1x128xi32, #tpu.memory_space<vmem>> -> memref<128xi32, #tpu.memory_space<vmem>>
      %dma_start3A_70 = tpu.memref_slice %arg2[%add3A_64] : memref<196608xi32, #tpu.memory_space<hbm>> -> memref<128xi32, #tpu.memory_space<hbm>>
      %dma_start3A_71 = tpu.memref_slice %arg9[%dma_start3A_66] : memref<4x!tpu.dma_semaphore, #tpu.memory_space<semaphore_mem>> -> memref<1x!tpu.dma_semaphore, #tpu.memory_space<semaphore_mem>>
      %dma_start3A_72 = tpu.memref_squeeze %dma_start3A_71 : memref<1x!tpu.dma_semaphore, #tpu.memory_space<semaphore_mem>> -> memref<!tpu.dma_semaphore, #tpu.memory_space<semaphore_mem>>
      %dma_start3A_73 = arith.constant 0 : i32
      %dma_start3A_74 = tpu.memref_slice %arg6[%dma_start3A_65, %dma_start3A_73] : memref<4x128xi32, #tpu.memory_space<vmem>> -> memref<1x128xi32, #tpu.memory_space<vmem>>
      %dma_start3A_75 = tpu.memref_squeeze %dma_start3A_74 : memref<1x128xi32, #tpu.memory_space<vmem>> -> memref<128xi32, #tpu.memory_space<vmem>>
      %dma_start3A_76 = tpu.memref_slice %arg2[%add3A_64] : memref<196608xi32, #tpu.memory_space<hbm>> -> memref<128xi32, #tpu.memory_space<hbm>>
      tpu.enqueue_dma source(%dma_start3A_76 : memref<128xi32, #tpu.memory_space<hbm>>) target(%dma_start3A_75 : memref<128xi32, #tpu.memory_space<vmem>>) target_semaphore(%dma_start3A_72 : memref<!tpu.dma_semaphore, #tpu.memory_space<semaphore_mem>>)
      %dma_wait3A = arith.constant 0 : i32
      %dma_wait3A_77 = arith.constant 0 : i32
      %dma_wait3A_78 = arith.constant 0 : i32
      %dma_wait3A_79 = tpu.memref_slice %arg6[%dma_wait3A, %dma_wait3A_78] : memref<4x128xi32, #tpu.memory_space<vmem>> -> memref<1x128xi32, #tpu.memory_space<vmem>>
      %dma_wait3A_80 = tpu.memref_squeeze %dma_wait3A_79 : memref<1x128xi32, #tpu.memory_space<vmem>> -> memref<128xi32, #tpu.memory_space<vmem>>
      %dma_wait3A_81 = tpu.memref_slice %arg2[%add3A_21] : memref<196608xi32, #tpu.memory_space<hbm>> -> memref<128xi32, #tpu.memory_space<hbm>>
      %dma_wait3A_82 = tpu.memref_slice %arg9[%dma_wait3A_77] : memref<4x!tpu.dma_semaphore, #tpu.memory_space<semaphore_mem>> -> memref<1x!tpu.dma_semaphore, #tpu.memory_space<semaphore_mem>>
      %dma_wait3A_83 = tpu.memref_squeeze %dma_wait3A_82 : memref<1x!tpu.dma_semaphore, #tpu.memory_space<semaphore_mem>> -> memref<!tpu.dma_semaphore, #tpu.memory_space<semaphore_mem>>
      %dma_wait3A_84 = arith.constant 0 : i32
      %dma_wait3A_85 = tpu.memref_slice %arg6[%dma_wait3A, %dma_wait3A_84] : memref<4x128xi32, #tpu.memory_space<vmem>> -> memref<1x128xi32, #tpu.memory_space<vmem>>
      %dma_wait3A_86 = tpu.memref_squeeze %dma_wait3A_85 : memref<1x128xi32, #tpu.memory_space<vmem>> -> memref<128xi32, #tpu.memory_space<vmem>>
      %dma_wait3A_87 = tpu.memref_slice %arg2[%add3A_21] : memref<196608xi32, #tpu.memory_space<hbm>> -> memref<128xi32, #tpu.memory_space<hbm>>
      tpu.wait_dma2 semaphore(%dma_wait3A_83 : memref<!tpu.dma_semaphore, #tpu.memory_space<semaphore_mem>>) src(%dma_wait3A_87 : memref<128xi32, #tpu.memory_space<hbm>>) dst(%dma_wait3A_86 : memref<128xi32, #tpu.memory_space<vmem>>)
      %dma_start3A_88 = arith.constant 0 : i32
      %dma_start3A_89 = arith.constant 0 : i32
      %dma_start3A_90 = arith.constant 0 : i32
      %dma_start3A_91 = tpu.memref_slice %arg6[%dma_start3A_88, %dma_start3A_90] : memref<4x128xi32, #tpu.memory_space<vmem>> -> memref<1x128xi32, #tpu.memory_space<vmem>>
      %dma_start3A_92 = tpu.memref_squeeze %dma_start3A_91 : memref<1x128xi32, #tpu.memory_space<vmem>> -> memref<128xi32, #tpu.memory_space<vmem>>
      %dma_start3A_93 = arith.constant 0 : i32
      %dma_start3A_94 = arith.constant 0 : i32
      %dma_start3A_95 = tpu.memref_slice %arg8[%dma_start3A_93, %dma_start3A_94] : memref<10240x16xf32, #tpu.memory_space<vmem_shared>> -> memref<10240x16xf32, #tpu.memory_space<vmem_shared>>
      %dma_start3A_96 = tpu.memref_slice %arg9[%dma_start3A_89] : memref<4x!tpu.dma_semaphore, #tpu.memory_space<semaphore_mem>> -> memref<1x!tpu.dma_semaphore, #tpu.memory_space<semaphore_mem>>
      %dma_start3A_97 = tpu.memref_squeeze %dma_start3A_96 : memref<1x!tpu.dma_semaphore, #tpu.memory_space<semaphore_mem>> -> memref<!tpu.dma_semaphore, #tpu.memory_space<semaphore_mem>>
      tpu.enqueue_indirect_dma source(%arg7 : memref<128x16xf32, #tpu.memory_space<vmem>>) target(%dma_start3A_95 : memref<10240x16xf32, #tpu.memory_space<vmem_shared>>) offsets(%dma_start3A_92 : memref<128xi32, #tpu.memory_space<vmem>>) semaphore(%dma_start3A_97 : memref<!tpu.dma_semaphore, #tpu.memory_space<semaphore_mem>>) {add = true}
      %dma_wait3A_98 = arith.constant 1 : i32
      %dma_wait3A_99 = arith.constant 1 : i32
      %dma_wait3A_100 = arith.constant 0 : i32
      %dma_wait3A_101 = tpu.memref_slice %arg6[%dma_wait3A_98, %dma_wait3A_100] : memref<4x128xi32, #tpu.memory_space<vmem>> -> memref<1x128xi32, #tpu.memory_space<vmem>>
      %dma_wait3A_102 = tpu.memref_squeeze %dma_wait3A_101 : memref<1x128xi32, #tpu.memory_space<vmem>> -> memref<128xi32, #tpu.memory_space<vmem>>
      %dma_wait3A_103 = tpu.memref_slice %arg2[%add3A_21] : memref<196608xi32, #tpu.memory_space<hbm>> -> memref<128xi32, #tpu.memory_space<hbm>>
      %dma_wait3A_104 = tpu.memref_slice %arg9[%dma_wait3A_99] : memref<4x!tpu.dma_semaphore, #tpu.memory_space<semaphore_mem>> -> memref<1x!tpu.dma_semaphore, #tpu.memory_space<semaphore_mem>>
      %dma_wait3A_105 = tpu.memref_squeeze %dma_wait3A_104 : memref<1x!tpu.dma_semaphore, #tpu.memory_space<semaphore_mem>> -> memref<!tpu.dma_semaphore, #tpu.memory_space<semaphore_mem>>
      %dma_wait3A_106 = arith.constant 0 : i32
      %dma_wait3A_107 = tpu.memref_slice %arg6[%dma_wait3A_98, %dma_wait3A_106] : memref<4x128xi32, #tpu.memory_space<vmem>> -> memref<1x128xi32, #tpu.memory_space<vmem>>
      %dma_wait3A_108 = tpu.memref_squeeze %dma_wait3A_107 : memref<1x128xi32, #tpu.memory_space<vmem>> -> memref<128xi32, #tpu.memory_space<vmem>>
      %dma_wait3A_109 = tpu.memref_slice %arg2[%add3A_21] : memref<196608xi32, #tpu.memory_space<hbm>> -> memref<128xi32, #tpu.memory_space<hbm>>
      tpu.wait_dma2 semaphore(%dma_wait3A_105 : memref<!tpu.dma_semaphore, #tpu.memory_space<semaphore_mem>>) src(%dma_wait3A_109 : memref<128xi32, #tpu.memory_space<hbm>>) dst(%dma_wait3A_108 : memref<128xi32, #tpu.memory_space<vmem>>)
      %dma_start3A_110 = arith.constant 1 : i32
      %dma_start3A_111 = arith.constant 1 : i32
      %dma_start3A_112 = arith.constant 0 : i32
      %dma_start3A_113 = tpu.memref_slice %arg6[%dma_start3A_110, %dma_start3A_112] : memref<4x128xi32, #tpu.memory_space<vmem>> -> memref<1x128xi32, #tpu.memory_space<vmem>>
      %dma_start3A_114 = tpu.memref_squeeze %dma_start3A_113 : memref<1x128xi32, #tpu.memory_space<vmem>> -> memref<128xi32, #tpu.memory_space<vmem>>
      %dma_start3A_115 = arith.constant 0 : i32
      %dma_start3A_116 = arith.constant 0 : i32
      %dma_start3A_117 = tpu.memref_slice %arg8[%dma_start3A_115, %dma_start3A_116] : memref<10240x16xf32, #tpu.memory_space<vmem_shared>> -> memref<10240x16xf32, #tpu.memory_space<vmem_shared>>
      %dma_start3A_118 = tpu.memref_slice %arg9[%dma_start3A_111] : memref<4x!tpu.dma_semaphore, #tpu.memory_space<semaphore_mem>> -> memref<1x!tpu.dma_semaphore, #tpu.memory_space<semaphore_mem>>
      %dma_start3A_119 = tpu.memref_squeeze %dma_start3A_118 : memref<1x!tpu.dma_semaphore, #tpu.memory_space<semaphore_mem>> -> memref<!tpu.dma_semaphore, #tpu.memory_space<semaphore_mem>>
      tpu.enqueue_indirect_dma source(%arg7 : memref<128x16xf32, #tpu.memory_space<vmem>>) target(%dma_start3A_117 : memref<10240x16xf32, #tpu.memory_space<vmem_shared>>) offsets(%dma_start3A_114 : memref<128xi32, #tpu.memory_space<vmem>>) semaphore(%dma_start3A_119 : memref<!tpu.dma_semaphore, #tpu.memory_space<semaphore_mem>>) {add = true}
      %dma_wait3A_120 = arith.constant 2 : i32
      %dma_wait3A_121 = arith.constant 2 : i32
      %dma_wait3A_122 = arith.constant 0 : i32
      %dma_wait3A_123 = tpu.memref_slice %arg6[%dma_wait3A_120, %dma_wait3A_122] : memref<4x128xi32, #tpu.memory_space<vmem>> -> memref<1x128xi32, #tpu.memory_space<vmem>>
      %dma_wait3A_124 = tpu.memref_squeeze %dma_wait3A_123 : memref<1x128xi32, #tpu.memory_space<vmem>> -> memref<128xi32, #tpu.memory_space<vmem>>
      %dma_wait3A_125 = tpu.memref_slice %arg2[%add3A_21] : memref<196608xi32, #tpu.memory_space<hbm>> -> memref<128xi32, #tpu.memory_space<hbm>>
      %dma_wait3A_126 = tpu.memref_slice %arg9[%dma_wait3A_121] : memref<4x!tpu.dma_semaphore, #tpu.memory_space<semaphore_mem>> -> memref<1x!tpu.dma_semaphore, #tpu.memory_space<semaphore_mem>>
      %dma_wait3A_127 = tpu.memref_squeeze %dma_wait3A_126 : memref<1x!tpu.dma_semaphore, #tpu.memory_space<semaphore_mem>> -> memref<!tpu.dma_semaphore, #tpu.memory_space<semaphore_mem>>
      %dma_wait3A_128 = arith.constant 0 : i32
      %dma_wait3A_129 = tpu.memref_slice %arg6[%dma_wait3A_120, %dma_wait3A_128] : memref<4x128xi32, #tpu.memory_space<vmem>> -> memref<1x128xi32, #tpu.memory_space<vmem>>
      %dma_wait3A_130 = tpu.memref_squeeze %dma_wait3A_129 : memref<1x128xi32, #tpu.memory_space<vmem>> -> memref<128xi32, #tpu.memory_space<vmem>>
      %dma_wait3A_131 = tpu.memref_slice %arg2[%add3A_21] : memref<196608xi32, #tpu.memory_space<hbm>> -> memref<128xi32, #tpu.memory_space<hbm>>
      tpu.wait_dma2 semaphore(%dma_wait3A_127 : memref<!tpu.dma_semaphore, #tpu.memory_space<semaphore_mem>>) src(%dma_wait3A_131 : memref<128xi32, #tpu.memory_space<hbm>>) dst(%dma_wait3A_130 : memref<128xi32, #tpu.memory_space<vmem>>)
      %dma_start3A_132 = arith.constant 2 : i32
      %dma_start3A_133 = arith.constant 2 : i32
      %dma_start3A_134 = arith.constant 0 : i32
      %dma_start3A_135 = tpu.memref_slice %arg6[%dma_start3A_132, %dma_start3A_134] : memref<4x128xi32, #tpu.memory_space<vmem>> -> memref<1x128xi32, #tpu.memory_space<vmem>>
      %dma_start3A_136 = tpu.memref_squeeze %dma_start3A_135 : memref<1x128xi32, #tpu.memory_space<vmem>> -> memref<128xi32, #tpu.memory_space<vmem>>
      %dma_start3A_137 = arith.constant 0 : i32
      %dma_start3A_138 = arith.constant 0 : i32
      %dma_start3A_139 = tpu.memref_slice %arg8[%dma_start3A_137, %dma_start3A_138] : memref<10240x16xf32, #tpu.memory_space<vmem_shared>> -> memref<10240x16xf32, #tpu.memory_space<vmem_shared>>
      %dma_start3A_140 = tpu.memref_slice %arg9[%dma_start3A_133] : memref<4x!tpu.dma_semaphore, #tpu.memory_space<semaphore_mem>> -> memref<1x!tpu.dma_semaphore, #tpu.memory_space<semaphore_mem>>
      %dma_start3A_141 = tpu.memref_squeeze %dma_start3A_140 : memref<1x!tpu.dma_semaphore, #tpu.memory_space<semaphore_mem>> -> memref<!tpu.dma_semaphore, #tpu.memory_space<semaphore_mem>>
      tpu.enqueue_indirect_dma source(%arg7 : memref<128x16xf32, #tpu.memory_space<vmem>>) target(%dma_start3A_139 : memref<10240x16xf32, #tpu.memory_space<vmem_shared>>) offsets(%dma_start3A_136 : memref<128xi32, #tpu.memory_space<vmem>>) semaphore(%dma_start3A_141 : memref<!tpu.dma_semaphore, #tpu.memory_space<semaphore_mem>>) {add = true}
      %dma_wait3A_142 = arith.constant 3 : i32
      %dma_wait3A_143 = arith.constant 3 : i32
      %dma_wait3A_144 = arith.constant 0 : i32
      %dma_wait3A_145 = tpu.memref_slice %arg6[%dma_wait3A_142, %dma_wait3A_144] : memref<4x128xi32, #tpu.memory_space<vmem>> -> memref<1x128xi32, #tpu.memory_space<vmem>>
      %dma_wait3A_146 = tpu.memref_squeeze %dma_wait3A_145 : memref<1x128xi32, #tpu.memory_space<vmem>> -> memref<128xi32, #tpu.memory_space<vmem>>
      %dma_wait3A_147 = tpu.memref_slice %arg2[%add3A_21] : memref<196608xi32, #tpu.memory_space<hbm>> -> memref<128xi32, #tpu.memory_space<hbm>>
      %dma_wait3A_148 = tpu.memref_slice %arg9[%dma_wait3A_143] : memref<4x!tpu.dma_semaphore, #tpu.memory_space<semaphore_mem>> -> memref<1x!tpu.dma_semaphore, #tpu.memory_space<semaphore_mem>>
      %dma_wait3A_149 = tpu.memref_squeeze %dma_wait3A_148 : memref<1x!tpu.dma_semaphore, #tpu.memory_space<semaphore_mem>> -> memref<!tpu.dma_semaphore, #tpu.memory_space<semaphore_mem>>
      %dma_wait3A_150 = arith.constant 0 : i32
      %dma_wait3A_151 = tpu.memref_slice %arg6[%dma_wait3A_142, %dma_wait3A_150] : memref<4x128xi32, #tpu.memory_space<vmem>> -> memref<1x128xi32, #tpu.memory_space<vmem>>
      %dma_wait3A_152 = tpu.memref_squeeze %dma_wait3A_151 : memref<1x128xi32, #tpu.memory_space<vmem>> -> memref<128xi32, #tpu.memory_space<vmem>>
      %dma_wait3A_153 = tpu.memref_slice %arg2[%add3A_21] : memref<196608xi32, #tpu.memory_space<hbm>> -> memref<128xi32, #tpu.memory_space<hbm>>
      tpu.wait_dma2 semaphore(%dma_wait3A_149 : memref<!tpu.dma_semaphore, #tpu.memory_space<semaphore_mem>>) src(%dma_wait3A_153 : memref<128xi32, #tpu.memory_space<hbm>>) dst(%dma_wait3A_152 : memref<128xi32, #tpu.memory_space<vmem>>)
      %dma_start3A_154 = arith.constant 3 : i32
      %dma_start3A_155 = arith.constant 3 : i32
      %dma_start3A_156 = arith.constant 0 : i32
      %dma_start3A_157 = tpu.memref_slice %arg6[%dma_start3A_154, %dma_start3A_156] : memref<4x128xi32, #tpu.memory_space<vmem>> -> memref<1x128xi32, #tpu.memory_space<vmem>>
      %dma_start3A_158 = tpu.memref_squeeze %dma_start3A_157 : memref<1x128xi32, #tpu.memory_space<vmem>> -> memref<128xi32, #tpu.memory_space<vmem>>
      %dma_start3A_159 = arith.constant 0 : i32
      %dma_start3A_160 = arith.constant 0 : i32
      %dma_start3A_161 = tpu.memref_slice %arg8[%dma_start3A_159, %dma_start3A_160] : memref<10240x16xf32, #tpu.memory_space<vmem_shared>> -> memref<10240x16xf32, #tpu.memory_space<vmem_shared>>
      %dma_start3A_162 = tpu.memref_slice %arg9[%dma_start3A_155] : memref<4x!tpu.dma_semaphore, #tpu.memory_space<semaphore_mem>> -> memref<1x!tpu.dma_semaphore, #tpu.memory_space<semaphore_mem>>
      %dma_start3A_163 = tpu.memref_squeeze %dma_start3A_162 : memref<1x!tpu.dma_semaphore, #tpu.memory_space<semaphore_mem>> -> memref<!tpu.dma_semaphore, #tpu.memory_space<semaphore_mem>>
      tpu.enqueue_indirect_dma source(%arg7 : memref<128x16xf32, #tpu.memory_space<vmem>>) target(%dma_start3A_161 : memref<10240x16xf32, #tpu.memory_space<vmem_shared>>) offsets(%dma_start3A_158 : memref<128xi32, #tpu.memory_space<vmem>>) semaphore(%dma_start3A_163 : memref<!tpu.dma_semaphore, #tpu.memory_space<semaphore_mem>>) {add = true}
      %dma_wait3A_164 = arith.constant 0 : i32
      %dma_wait3A_165 = arith.constant 0 : i32
      %dma_wait3A_166 = arith.constant 0 : i32
      %dma_wait3A_167 = tpu.memref_slice %arg6[%dma_wait3A_164, %dma_wait3A_166] : memref<4x128xi32, #tpu.memory_space<vmem>> -> memref<1x128xi32, #tpu.memory_space<vmem>>
      %dma_wait3A_168 = tpu.memref_squeeze %dma_wait3A_167 : memref<1x128xi32, #tpu.memory_space<vmem>> -> memref<128xi32, #tpu.memory_space<vmem>>
      %dma_wait3A_169 = arith.constant 0 : i32
      %dma_wait3A_170 = arith.constant 0 : i32
      %dma_wait3A_171 = tpu.memref_slice %arg8[%dma_wait3A_169, %dma_wait3A_170] : memref<10240x16xf32, #tpu.memory_space<vmem_shared>> -> memref<10240x16xf32, #tpu.memory_space<vmem_shared>>
      %dma_wait3A_172 = tpu.memref_slice %arg9[%dma_wait3A_165] : memref<4x!tpu.dma_semaphore, #tpu.memory_space<semaphore_mem>> -> memref<1x!tpu.dma_semaphore, #tpu.memory_space<semaphore_mem>>
      %dma_wait3A_173 = tpu.memref_squeeze %dma_wait3A_172 : memref<1x!tpu.dma_semaphore, #tpu.memory_space<semaphore_mem>> -> memref<!tpu.dma_semaphore, #tpu.memory_space<semaphore_mem>>
      tpu.wait_indirect_dma semaphore(%dma_wait3A_173 : memref<!tpu.dma_semaphore, #tpu.memory_space<semaphore_mem>>) src(%arg7 : memref<128x16xf32, #tpu.memory_space<vmem>>) dst(%dma_wait3A_171 : memref<10240x16xf32, #tpu.memory_space<vmem_shared>>)
      %dma_wait3A_174 = arith.constant 1 : i32
      %dma_wait3A_175 = arith.constant 1 : i32
      %dma_wait3A_176 = arith.constant 0 : i32
      %dma_wait3A_177 = tpu.memref_slice %arg6[%dma_wait3A_174, %dma_wait3A_176] : memref<4x128xi32, #tpu.memory_space<vmem>> -> memref<1x128xi32, #tpu.memory_space<vmem>>
      %dma_wait3A_178 = tpu.memref_squeeze %dma_wait3A_177 : memref<1x128xi32, #tpu.memory_space<vmem>> -> memref<128xi32, #tpu.memory_space<vmem>>
      %dma_wait3A_179 = arith.constant 0 : i32
      %dma_wait3A_180 = arith.constant 0 : i32
      %dma_wait3A_181 = tpu.memref_slice %arg8[%dma_wait3A_179, %dma_wait3A_180] : memref<10240x16xf32, #tpu.memory_space<vmem_shared>> -> memref<10240x16xf32, #tpu.memory_space<vmem_shared>>
      %dma_wait3A_182 = tpu.memref_slice %arg9[%dma_wait3A_175] : memref<4x!tpu.dma_semaphore, #tpu.memory_space<semaphore_mem>> -> memref<1x!tpu.dma_semaphore, #tpu.memory_space<semaphore_mem>>
      %dma_wait3A_183 = tpu.memref_squeeze %dma_wait3A_182 : memref<1x!tpu.dma_semaphore, #tpu.memory_space<semaphore_mem>> -> memref<!tpu.dma_semaphore, #tpu.memory_space<semaphore_mem>>
      tpu.wait_indirect_dma semaphore(%dma_wait3A_183 : memref<!tpu.dma_semaphore, #tpu.memory_space<semaphore_mem>>) src(%arg7 : memref<128x16xf32, #tpu.memory_space<vmem>>) dst(%dma_wait3A_181 : memref<10240x16xf32, #tpu.memory_space<vmem_shared>>)
      %dma_wait3A_184 = arith.constant 2 : i32
      %dma_wait3A_185 = arith.constant 2 : i32
      %dma_wait3A_186 = arith.constant 0 : i32
      %dma_wait3A_187 = tpu.memref_slice %arg6[%dma_wait3A_184, %dma_wait3A_186] : memref<4x128xi32, #tpu.memory_space<vmem>> -> memref<1x128xi32, #tpu.memory_space<vmem>>
      %dma_wait3A_188 = tpu.memref_squeeze %dma_wait3A_187 : memref<1x128xi32, #tpu.memory_space<vmem>> -> memref<128xi32, #tpu.memory_space<vmem>>
      %dma_wait3A_189 = arith.constant 0 : i32
      %dma_wait3A_190 = arith.constant 0 : i32
      %dma_wait3A_191 = tpu.memref_slice %arg8[%dma_wait3A_189, %dma_wait3A_190] : memref<10240x16xf32, #tpu.memory_space<vmem_shared>> -> memref<10240x16xf32, #tpu.memory_space<vmem_shared>>
      %dma_wait3A_192 = tpu.memref_slice %arg9[%dma_wait3A_185] : memref<4x!tpu.dma_semaphore, #tpu.memory_space<semaphore_mem>> -> memref<1x!tpu.dma_semaphore, #tpu.memory_space<semaphore_mem>>
      %dma_wait3A_193 = tpu.memref_squeeze %dma_wait3A_192 : memref<1x!tpu.dma_semaphore, #tpu.memory_space<semaphore_mem>> -> memref<!tpu.dma_semaphore, #tpu.memory_space<semaphore_mem>>
      tpu.wait_indirect_dma semaphore(%dma_wait3A_193 : memref<!tpu.dma_semaphore, #tpu.memory_space<semaphore_mem>>) src(%arg7 : memref<128x16xf32, #tpu.memory_space<vmem>>) dst(%dma_wait3A_191 : memref<10240x16xf32, #tpu.memory_space<vmem_shared>>)
      %dma_wait3A_194 = arith.constant 3 : i32
      %dma_wait3A_195 = arith.constant 3 : i32
      %dma_wait3A_196 = arith.constant 0 : i32
      %dma_wait3A_197 = tpu.memref_slice %arg6[%dma_wait3A_194, %dma_wait3A_196] : memref<4x128xi32, #tpu.memory_space<vmem>> -> memref<1x128xi32, #tpu.memory_space<vmem>>
      %dma_wait3A_198 = tpu.memref_squeeze %dma_wait3A_197 : memref<1x128xi32, #tpu.memory_space<vmem>> -> memref<128xi32, #tpu.memory_space<vmem>>
      %dma_wait3A_199 = arith.constant 0 : i32
      %dma_wait3A_200 = arith.constant 0 : i32
      %dma_wait3A_201 = tpu.memref_slice %arg8[%dma_wait3A_199, %dma_wait3A_200] : memref<10240x16xf32, #tpu.memory_space<vmem_shared>> -> memref<10240x16xf32, #tpu.memory_space<vmem_shared>>
      %dma_wait3A_202 = tpu.memref_slice %arg9[%dma_wait3A_195] : memref<4x!tpu.dma_semaphore, #tpu.memory_space<semaphore_mem>> -> memref<1x!tpu.dma_semaphore, #tpu.memory_space<semaphore_mem>>
      %dma_wait3A_203 = tpu.memref_squeeze %dma_wait3A_202 : memref<1x!tpu.dma_semaphore, #tpu.memory_space<semaphore_mem>> -> memref<!tpu.dma_semaphore, #tpu.memory_space<semaphore_mem>>
      tpu.wait_indirect_dma semaphore(%dma_wait3A_203 : memref<!tpu.dma_semaphore, #tpu.memory_space<semaphore_mem>>) src(%arg7 : memref<128x16xf32, #tpu.memory_space<vmem>>) dst(%dma_wait3A_201 : memref<10240x16xf32, #tpu.memory_space<vmem_shared>>)
    }
    %scan3A_4 = arith.constant 10 : i32
    %barrier3A_5 = arith.constant 0 : index
    tpu.barrier barrier_id(%barrier3A_5)
    "tpu.region"() ({
      %run_scoped3A = tpu.sem_alloc : memref<!tpu.dma_semaphore, #tpu.memory_space<semaphore_mem>>
      %dma_start3A = arith.constant 0 : i32
      %dma_start3A_6 = tpu.memref_slice %arg5[%arg0, %mul3A_0, %dma_start3A] : memref<2x10240x16xf32, #tpu.memory_space<hbm>> -> memref<1x640x16xf32, #tpu.memory_space<hbm>>
      %dma_start3A_7 = tpu.memref_squeeze %dma_start3A_6 : memref<1x640x16xf32, #tpu.memory_space<hbm>> -> memref<640x16xf32, #tpu.memory_space<hbm>>
      %dma_start3A_8 = arith.constant 0 : i32
      %dma_start3A_9 = tpu.memref_slice %arg8[%mul3A_0, %dma_start3A_8] : memref<10240x16xf32, #tpu.memory_space<vmem_shared>> -> memref<640x16xf32, #tpu.memory_space<vmem_shared>>
      tpu.enqueue_dma source(%dma_start3A_9 : memref<640x16xf32, #tpu.memory_space<vmem_shared>>) target(%dma_start3A_7 : memref<640x16xf32, #tpu.memory_space<hbm>>) target_semaphore(%run_scoped3A : memref<!tpu.dma_semaphore, #tpu.memory_space<semaphore_mem>>)
      %dma_wait3A = arith.constant 0 : i32
      %dma_wait3A_10 = tpu.memref_slice %arg5[%arg0, %mul3A_0, %dma_wait3A] : memref<2x10240x16xf32, #tpu.memory_space<hbm>> -> memref<1x640x16xf32, #tpu.memory_space<hbm>>
      %dma_wait3A_11 = tpu.memref_squeeze %dma_wait3A_10 : memref<1x640x16xf32, #tpu.memory_space<hbm>> -> memref<640x16xf32, #tpu.memory_space<hbm>>
      %dma_wait3A_12 = arith.constant 0 : i32
      %dma_wait3A_13 = tpu.memref_slice %arg8[%mul3A_0, %dma_wait3A_12] : memref<10240x16xf32, #tpu.memory_space<vmem_shared>> -> memref<640x16xf32, #tpu.memory_space<vmem_shared>>
      tpu.wait_dma2 semaphore(%run_scoped3A : memref<!tpu.dma_semaphore, #tpu.memory_space<semaphore_mem>>) src(%dma_wait3A_13 : memref<640x16xf32, #tpu.memory_space<vmem_shared>>) dst(%dma_wait3A_11 : memref<640x16xf32, #tpu.memory_space<hbm>>)
      tpu.yield
    }) : () -> ()
    return
  }
}

#map = affine_map<(d0, d1) -> (0, 0)>
#map1 = affine_map<(d0, d1) -> (0, 0, 0)>
module attributes {stable_mosaic.version = 14 : i64} {
  func.func @sc_scatter(%arg0: i32, %arg1: i32, %arg2: memref<10240x128xf32, #tpu.memory_space<hbm>>, %arg3: memref<10240x128xf32, #tpu.memory_space<hbm>>, %arg4: memref<1536x128xi32, #tpu.memory_space<hbm>>, %arg5: memref<1536x128xi32, #tpu.memory_space<hbm>>, %arg6: memref<640x128xf32, #tpu.memory_space<hbm>>, %arg7: memref<2x10240x128xf32, #tpu.memory_space<hbm>>, %arg8: memref<8x128xi32, #tpu.memory_space<vmem>>, %arg9: memref<8x128xi32, #tpu.memory_space<vmem>>, %arg10: memref<8x128xi32, #tpu.memory_space<vmem>>, %arg11: memref<8x128xi32, #tpu.memory_space<vmem>>, %arg12: memref<128x128xf32, #tpu.memory_space<vmem>>, %arg13: memref<10240x128xf32, #tpu.memory_space<vmem_shared>>, %arg14: memref<2x!tpu.dma_semaphore, #tpu.memory_space<semaphore_mem>>, %arg15: memref<!tpu.dma_semaphore, #tpu.memory_space<semaphore_mem>>) attributes {dimension_semantics = [#tpu.dimension_semantics<core_parallel>, #tpu.dimension_semantics<subcore_parallel>], iteration_bounds = array<i64: 2, 16>, scalar_prefetch = 0 : i64, scratch_operands = 8 : i64, tpu.core_type = #tpu.core_type<sc_vector_subcore>, window_params = [{transform_indices = #map}, {transform_indices = #map}, {transform_indices = #map}, {transform_indices = #map}, {transform_indices = #map}, {transform_indices = #map1}]} {
    %mul3A = arith.constant 640 : i32
    %mul3A_0 = arith.muli %arg1, %mul3A : i32
    "tpu.region"() ({
      %run_scoped3A = tpu.sem_alloc : memref<!tpu.dma_semaphore, #tpu.memory_space<semaphore_mem>>
      %dma_start3A = arith.constant 0 : i32
      %dma_start3A_9 = tpu.memref_slice %arg13[%mul3A_0, %dma_start3A] : memref<10240x128xf32, #tpu.memory_space<vmem_shared>> -> memref<640x128xf32, #tpu.memory_space<vmem_shared>>
      tpu.enqueue_dma source(%arg6 : memref<640x128xf32, #tpu.memory_space<hbm>>) target(%dma_start3A_9 : memref<640x128xf32, #tpu.memory_space<vmem_shared>>) target_semaphore(%run_scoped3A : memref<!tpu.dma_semaphore, #tpu.memory_space<semaphore_mem>>)
      %dma_wait3A = arith.constant 0 : i32
      %dma_wait3A_10 = tpu.memref_slice %arg13[%mul3A_0, %dma_wait3A] : memref<10240x128xf32, #tpu.memory_space<vmem_shared>> -> memref<640x128xf32, #tpu.memory_space<vmem_shared>>
      tpu.wait_dma2 semaphore(%run_scoped3A : memref<!tpu.dma_semaphore, #tpu.memory_space<semaphore_mem>>) src(%arg6 : memref<640x128xf32, #tpu.memory_space<hbm>>) dst(%dma_wait3A_10 : memref<640x128xf32, #tpu.memory_space<vmem_shared>>)
      tpu.yield
    }) : () -> ()
    %barrier3A = arith.constant 0 : index
    tpu.barrier barrier_id(%barrier3A)
    %eq3A = arith.constant 0 : i32
    %eq3A_1 = arith.cmpi eq, %arg0, %eq3A : i32
    %convert_element_type3A = arith.extui %eq3A_1 : i1 to i32
    %cond3A = arith.constant 0 : i32
    %cond3A_2 = arith.cmpi ne, %convert_element_type3A, %cond3A : i32
    scf.if %cond3A_2 {
      %add3A = arith.constant 0 : i32
      %add3A_9 = arith.addi %add3A, %arg1 : i32
      %mul3A_10 = arith.constant 8 : i32
      %mul3A_11 = arith.muli %add3A_9, %mul3A_10 : i32
      %dma_start3A = arith.constant 0 : i32
      %dma_start3A_12 = arith.constant 0 : i32
      %dma_start3A_13 = tpu.memref_slice %arg4[%mul3A_11, %dma_start3A_12] : memref<1536x128xi32, #tpu.memory_space<hbm>> -> memref<8x128xi32, #tpu.memory_space<hbm>>
      %dma_start3A_14 = tpu.memref_slice %arg14[%dma_start3A] : memref<2x!tpu.dma_semaphore, #tpu.memory_space<semaphore_mem>> -> memref<1x!tpu.dma_semaphore, #tpu.memory_space<semaphore_mem>>
      %dma_start3A_15 = tpu.memref_squeeze %dma_start3A_14 : memref<1x!tpu.dma_semaphore, #tpu.memory_space<semaphore_mem>> -> memref<!tpu.dma_semaphore, #tpu.memory_space<semaphore_mem>>
      %dma_start3A_16 = arith.constant 0 : i32
      %dma_start3A_17 = tpu.memref_slice %arg4[%mul3A_11, %dma_start3A_16] : memref<1536x128xi32, #tpu.memory_space<hbm>> -> memref<8x128xi32, #tpu.memory_space<hbm>>
      tpu.enqueue_dma source(%dma_start3A_17 : memref<8x128xi32, #tpu.memory_space<hbm>>) target(%arg8 : memref<8x128xi32, #tpu.memory_space<vmem>>) target_semaphore(%dma_start3A_15 : memref<!tpu.dma_semaphore, #tpu.memory_space<semaphore_mem>>)
      %dma_start3A_18 = arith.constant 0 : i32
      %dma_start3A_19 = arith.constant 0 : i32
      %dma_start3A_20 = tpu.memref_slice %arg5[%mul3A_11, %dma_start3A_19] : memref<1536x128xi32, #tpu.memory_space<hbm>> -> memref<8x128xi32, #tpu.memory_space<hbm>>
      %dma_start3A_21 = tpu.memref_slice %arg14[%dma_start3A_18] : memref<2x!tpu.dma_semaphore, #tpu.memory_space<semaphore_mem>> -> memref<1x!tpu.dma_semaphore, #tpu.memory_space<semaphore_mem>>
      %dma_start3A_22 = tpu.memref_squeeze %dma_start3A_21 : memref<1x!tpu.dma_semaphore, #tpu.memory_space<semaphore_mem>> -> memref<!tpu.dma_semaphore, #tpu.memory_space<semaphore_mem>>
      %dma_start3A_23 = arith.constant 0 : i32
      %dma_start3A_24 = tpu.memref_slice %arg5[%mul3A_11, %dma_start3A_23] : memref<1536x128xi32, #tpu.memory_space<hbm>> -> memref<8x128xi32, #tpu.memory_space<hbm>>
      tpu.enqueue_dma source(%dma_start3A_24 : memref<8x128xi32, #tpu.memory_space<hbm>>) target(%arg9 : memref<8x128xi32, #tpu.memory_space<vmem>>) target_semaphore(%dma_start3A_22 : memref<!tpu.dma_semaphore, #tpu.memory_space<semaphore_mem>>)
      %add3A_25 = arith.constant 16 : i32
      %add3A_26 = arith.addi %add3A_25, %arg1 : i32
      %mul3A_27 = arith.constant 8 : i32
      %mul3A_28 = arith.muli %add3A_26, %mul3A_27 : i32
      %dma_start3A_29 = arith.constant 1 : i32
      %dma_start3A_30 = arith.constant 0 : i32
      %dma_start3A_31 = tpu.memref_slice %arg4[%mul3A_28, %dma_start3A_30] : memref<1536x128xi32, #tpu.memory_space<hbm>> -> memref<8x128xi32, #tpu.memory_space<hbm>>
      %dma_start3A_32 = tpu.memref_slice %arg14[%dma_start3A_29] : memref<2x!tpu.dma_semaphore, #tpu.memory_space<semaphore_mem>> -> memref<1x!tpu.dma_semaphore, #tpu.memory_space<semaphore_mem>>
      %dma_start3A_33 = tpu.memref_squeeze %dma_start3A_32 : memref<1x!tpu.dma_semaphore, #tpu.memory_space<semaphore_mem>> -> memref<!tpu.dma_semaphore, #tpu.memory_space<semaphore_mem>>
      %dma_start3A_34 = arith.constant 0 : i32
      %dma_start3A_35 = tpu.memref_slice %arg4[%mul3A_28, %dma_start3A_34] : memref<1536x128xi32, #tpu.memory_space<hbm>> -> memref<8x128xi32, #tpu.memory_space<hbm>>
      tpu.enqueue_dma source(%dma_start3A_35 : memref<8x128xi32, #tpu.memory_space<hbm>>) target(%arg10 : memref<8x128xi32, #tpu.memory_space<vmem>>) target_semaphore(%dma_start3A_33 : memref<!tpu.dma_semaphore, #tpu.memory_space<semaphore_mem>>)
      %dma_start3A_36 = arith.constant 1 : i32
      %dma_start3A_37 = arith.constant 0 : i32
      %dma_start3A_38 = tpu.memref_slice %arg5[%mul3A_28, %dma_start3A_37] : memref<1536x128xi32, #tpu.memory_space<hbm>> -> memref<8x128xi32, #tpu.memory_space<hbm>>
      %dma_start3A_39 = tpu.memref_slice %arg14[%dma_start3A_36] : memref<2x!tpu.dma_semaphore, #tpu.memory_space<semaphore_mem>> -> memref<1x!tpu.dma_semaphore, #tpu.memory_space<semaphore_mem>>
      %dma_start3A_40 = tpu.memref_squeeze %dma_start3A_39 : memref<1x!tpu.dma_semaphore, #tpu.memory_space<semaphore_mem>> -> memref<!tpu.dma_semaphore, #tpu.memory_space<semaphore_mem>>
      %dma_start3A_41 = arith.constant 0 : i32
      %dma_start3A_42 = tpu.memref_slice %arg5[%mul3A_28, %dma_start3A_41] : memref<1536x128xi32, #tpu.memory_space<hbm>> -> memref<8x128xi32, #tpu.memory_space<hbm>>
      tpu.enqueue_dma source(%dma_start3A_42 : memref<8x128xi32, #tpu.memory_space<hbm>>) target(%arg11 : memref<8x128xi32, #tpu.memory_space<vmem>>) target_semaphore(%dma_start3A_40 : memref<!tpu.dma_semaphore, #tpu.memory_space<semaphore_mem>>)
      %scan3A = arith.constant 0 : i32
      %scan3A_43 = arith.constant 5 : i32
      %scan3A_44 = arith.addi %scan3A, %scan3A_43 : i32
      %scan3A_45 = arith.constant 1 : i32
      scf.for %scan3A_82 = %scan3A to %scan3A_44 step %scan3A_45  : i32 {
        %mul3A_83 = arith.constant 1 : i32
        %mul3A_84 = arith.muli %scan3A_82, %mul3A_83 : i32
        %add3A_85 = arith.constant 0 : i32
        %add3A_86 = arith.addi %add3A_85, %mul3A_84 : i32
        %dma_wait3A_87 = arith.constant 0 : i32
        %dma_wait3A_88 = arith.constant 0 : i32
        %dma_wait3A_89 = arith.constant 0 : i32
        %dma_wait3A_90 = tpu.memref_slice %arg4[%dma_wait3A_88, %dma_wait3A_89] : memref<1536x128xi32, #tpu.memory_space<hbm>> -> memref<8x128xi32, #tpu.memory_space<hbm>>
        %dma_wait3A_91 = tpu.memref_slice %arg14[%dma_wait3A_87] : memref<2x!tpu.dma_semaphore, #tpu.memory_space<semaphore_mem>> -> memref<1x!tpu.dma_semaphore, #tpu.memory_space<semaphore_mem>>
        %dma_wait3A_92 = tpu.memref_squeeze %dma_wait3A_91 : memref<1x!tpu.dma_semaphore, #tpu.memory_space<semaphore_mem>> -> memref<!tpu.dma_semaphore, #tpu.memory_space<semaphore_mem>>
        %dma_wait3A_93 = arith.constant 0 : i32
        %dma_wait3A_94 = arith.constant 0 : i32
        %dma_wait3A_95 = tpu.memref_slice %arg4[%dma_wait3A_93, %dma_wait3A_94] : memref<1536x128xi32, #tpu.memory_space<hbm>> -> memref<8x128xi32, #tpu.memory_space<hbm>>
        tpu.wait_dma2 semaphore(%dma_wait3A_92 : memref<!tpu.dma_semaphore, #tpu.memory_space<semaphore_mem>>) src(%dma_wait3A_95 : memref<8x128xi32, #tpu.memory_space<hbm>>) dst(%arg8 : memref<8x128xi32, #tpu.memory_space<vmem>>)
        %dma_wait3A_96 = arith.constant 0 : i32
        %dma_wait3A_97 = arith.constant 0 : i32
        %dma_wait3A_98 = arith.constant 0 : i32
        %dma_wait3A_99 = tpu.memref_slice %arg5[%dma_wait3A_97, %dma_wait3A_98] : memref<1536x128xi32, #tpu.memory_space<hbm>> -> memref<8x128xi32, #tpu.memory_space<hbm>>
        %dma_wait3A_100 = tpu.memref_slice %arg14[%dma_wait3A_96] : memref<2x!tpu.dma_semaphore, #tpu.memory_space<semaphore_mem>> -> memref<1x!tpu.dma_semaphore, #tpu.memory_space<semaphore_mem>>
        %dma_wait3A_101 = tpu.memref_squeeze %dma_wait3A_100 : memref<1x!tpu.dma_semaphore, #tpu.memory_space<semaphore_mem>> -> memref<!tpu.dma_semaphore, #tpu.memory_space<semaphore_mem>>
        %dma_wait3A_102 = arith.constant 0 : i32
        %dma_wait3A_103 = arith.constant 0 : i32
        %dma_wait3A_104 = tpu.memref_slice %arg5[%dma_wait3A_102, %dma_wait3A_103] : memref<1536x128xi32, #tpu.memory_space<hbm>> -> memref<8x128xi32, #tpu.memory_space<hbm>>
        tpu.wait_dma2 semaphore(%dma_wait3A_101 : memref<!tpu.dma_semaphore, #tpu.memory_space<semaphore_mem>>) src(%dma_wait3A_104 : memref<8x128xi32, #tpu.memory_space<hbm>>) dst(%arg9 : memref<8x128xi32, #tpu.memory_space<vmem>>)
        %dma_start3A_105 = arith.constant 0 : i32
        %dma_start3A_106 = arith.constant 0 : i32
        %dma_start3A_107 = tpu.memref_slice %arg8[%dma_start3A_105, %dma_start3A_106] : memref<8x128xi32, #tpu.memory_space<vmem>> -> memref<1x128xi32, #tpu.memory_space<vmem>>
        %dma_start3A_108 = tpu.memref_squeeze %dma_start3A_107 : memref<1x128xi32, #tpu.memory_space<vmem>> -> memref<128xi32, #tpu.memory_space<vmem>>
        %dma_start3A_109 = arith.constant 0 : i32
        %dma_start3A_110 = arith.constant 0 : i32
        %dma_start3A_111 = tpu.memref_slice %arg2[%dma_start3A_109, %dma_start3A_110] : memref<10240x128xf32, #tpu.memory_space<hbm>> -> memref<10240x128xf32, #tpu.memory_space<hbm>>
        tpu.enqueue_indirect_dma source(%dma_start3A_111 : memref<10240x128xf32, #tpu.memory_space<hbm>>) target(%arg12 : memref<128x128xf32, #tpu.memory_space<vmem>>) offsets(%dma_start3A_108 : memref<128xi32, #tpu.memory_space<vmem>>) semaphore(%arg15 : memref<!tpu.dma_semaphore, #tpu.memory_space<semaphore_mem>>)
        %dma_wait3A_112 = arith.constant 0 : i32
        %dma_wait3A_113 = arith.constant 0 : i32
        %dma_wait3A_114 = tpu.memref_slice %arg8[%dma_wait3A_112, %dma_wait3A_113] : memref<8x128xi32, #tpu.memory_space<vmem>> -> memref<1x128xi32, #tpu.memory_space<vmem>>
        %dma_wait3A_115 = tpu.memref_squeeze %dma_wait3A_114 : memref<1x128xi32, #tpu.memory_space<vmem>> -> memref<128xi32, #tpu.memory_space<vmem>>
        %dma_wait3A_116 = arith.constant 0 : i32
        %dma_wait3A_117 = arith.constant 0 : i32
        %dma_wait3A_118 = tpu.memref_slice %arg2[%dma_wait3A_116, %dma_wait3A_117] : memref<10240x128xf32, #tpu.memory_space<hbm>> -> memref<10240x128xf32, #tpu.memory_space<hbm>>
        tpu.wait_indirect_dma semaphore(%arg15 : memref<!tpu.dma_semaphore, #tpu.memory_space<semaphore_mem>>) src(%dma_wait3A_118 : memref<10240x128xf32, #tpu.memory_space<hbm>>) dst(%arg12 : memref<128x128xf32, #tpu.memory_space<vmem>>)
        %run_scoped3A = arith.constant 0 : i32
        "tpu.region"() ({
          %run_scoped3A_408 = tpu.sem_alloc : memref<!tpu.dma_semaphore, #tpu.memory_space<semaphore_mem>>
          %dma_start3A_409 = arith.constant 0 : i32
          %dma_start3A_410 = tpu.memref_slice %arg9[%run_scoped3A, %dma_start3A_409] : memref<8x128xi32, #tpu.memory_space<vmem>> -> memref<1x128xi32, #tpu.memory_space<vmem>>
          %dma_start3A_411 = tpu.memref_squeeze %dma_start3A_410 : memref<1x128xi32, #tpu.memory_space<vmem>> -> memref<128xi32, #tpu.memory_space<vmem>>
          %dma_start3A_412 = arith.constant 0 : i32
          %dma_start3A_413 = arith.constant 0 : i32
          %dma_start3A_414 = tpu.memref_slice %arg13[%dma_start3A_412, %dma_start3A_413] : memref<10240x128xf32, #tpu.memory_space<vmem_shared>> -> memref<10240x128xf32, #tpu.memory_space<vmem_shared>>
          tpu.enqueue_indirect_dma source(%arg12 : memref<128x128xf32, #tpu.memory_space<vmem>>) target(%dma_start3A_414 : memref<10240x128xf32, #tpu.memory_space<vmem_shared>>) offsets(%dma_start3A_411 : memref<128xi32, #tpu.memory_space<vmem>>) semaphore(%run_scoped3A_408 : memref<!tpu.dma_semaphore, #tpu.memory_space<semaphore_mem>>) {add = true}
          %dma_wait3A_415 = arith.constant 0 : i32
          %dma_wait3A_416 = tpu.memref_slice %arg9[%run_scoped3A, %dma_wait3A_415] : memref<8x128xi32, #tpu.memory_space<vmem>> -> memref<1x128xi32, #tpu.memory_space<vmem>>
          %dma_wait3A_417 = tpu.memref_squeeze %dma_wait3A_416 : memref<1x128xi32, #tpu.memory_space<vmem>> -> memref<128xi32, #tpu.memory_space<vmem>>
          %dma_wait3A_418 = arith.constant 0 : i32
          %dma_wait3A_419 = arith.constant 0 : i32
          %dma_wait3A_420 = tpu.memref_slice %arg13[%dma_wait3A_418, %dma_wait3A_419] : memref<10240x128xf32, #tpu.memory_space<vmem_shared>> -> memref<10240x128xf32, #tpu.memory_space<vmem_shared>>
          tpu.wait_indirect_dma semaphore(%run_scoped3A_408 : memref<!tpu.dma_semaphore, #tpu.memory_space<semaphore_mem>>) src(%arg12 : memref<128x128xf32, #tpu.memory_space<vmem>>) dst(%dma_wait3A_420 : memref<10240x128xf32, #tpu.memory_space<vmem_shared>>)
          tpu.yield
        }) : () -> ()
        %dma_start3A_119 = arith.constant 1 : i32
        %dma_start3A_120 = arith.constant 0 : i32
        %dma_start3A_121 = tpu.memref_slice %arg8[%dma_start3A_119, %dma_start3A_120] : memref<8x128xi32, #tpu.memory_space<vmem>> -> memref<1x128xi32, #tpu.memory_space<vmem>>
        %dma_start3A_122 = tpu.memref_squeeze %dma_start3A_121 : memref<1x128xi32, #tpu.memory_space<vmem>> -> memref<128xi32, #tpu.memory_space<vmem>>
        %dma_start3A_123 = arith.constant 0 : i32
        %dma_start3A_124 = arith.constant 0 : i32
        %dma_start3A_125 = tpu.memref_slice %arg2[%dma_start3A_123, %dma_start3A_124] : memref<10240x128xf32, #tpu.memory_space<hbm>> -> memref<10240x128xf32, #tpu.memory_space<hbm>>
        tpu.enqueue_indirect_dma source(%dma_start3A_125 : memref<10240x128xf32, #tpu.memory_space<hbm>>) target(%arg12 : memref<128x128xf32, #tpu.memory_space<vmem>>) offsets(%dma_start3A_122 : memref<128xi32, #tpu.memory_space<vmem>>) semaphore(%arg15 : memref<!tpu.dma_semaphore, #tpu.memory_space<semaphore_mem>>)
        %dma_wait3A_126 = arith.constant 1 : i32
        %dma_wait3A_127 = arith.constant 0 : i32
        %dma_wait3A_128 = tpu.memref_slice %arg8[%dma_wait3A_126, %dma_wait3A_127] : memref<8x128xi32, #tpu.memory_space<vmem>> -> memref<1x128xi32, #tpu.memory_space<vmem>>
        %dma_wait3A_129 = tpu.memref_squeeze %dma_wait3A_128 : memref<1x128xi32, #tpu.memory_space<vmem>> -> memref<128xi32, #tpu.memory_space<vmem>>
        %dma_wait3A_130 = arith.constant 0 : i32
        %dma_wait3A_131 = arith.constant 0 : i32
        %dma_wait3A_132 = tpu.memref_slice %arg2[%dma_wait3A_130, %dma_wait3A_131] : memref<10240x128xf32, #tpu.memory_space<hbm>> -> memref<10240x128xf32, #tpu.memory_space<hbm>>
        tpu.wait_indirect_dma semaphore(%arg15 : memref<!tpu.dma_semaphore, #tpu.memory_space<semaphore_mem>>) src(%dma_wait3A_132 : memref<10240x128xf32, #tpu.memory_space<hbm>>) dst(%arg12 : memref<128x128xf32, #tpu.memory_space<vmem>>)
        %run_scoped3A_133 = arith.constant 1 : i32
        "tpu.region"() ({
          %run_scoped3A_408 = tpu.sem_alloc : memref<!tpu.dma_semaphore, #tpu.memory_space<semaphore_mem>>
          %dma_start3A_409 = arith.constant 0 : i32
          %dma_start3A_410 = tpu.memref_slice %arg9[%run_scoped3A_133, %dma_start3A_409] : memref<8x128xi32, #tpu.memory_space<vmem>> -> memref<1x128xi32, #tpu.memory_space<vmem>>
          %dma_start3A_411 = tpu.memref_squeeze %dma_start3A_410 : memref<1x128xi32, #tpu.memory_space<vmem>> -> memref<128xi32, #tpu.memory_space<vmem>>
          %dma_start3A_412 = arith.constant 0 : i32
          %dma_start3A_413 = arith.constant 0 : i32
          %dma_start3A_414 = tpu.memref_slice %arg13[%dma_start3A_412, %dma_start3A_413] : memref<10240x128xf32, #tpu.memory_space<vmem_shared>> -> memref<10240x128xf32, #tpu.memory_space<vmem_shared>>
          tpu.enqueue_indirect_dma source(%arg12 : memref<128x128xf32, #tpu.memory_space<vmem>>) target(%dma_start3A_414 : memref<10240x128xf32, #tpu.memory_space<vmem_shared>>) offsets(%dma_start3A_411 : memref<128xi32, #tpu.memory_space<vmem>>) semaphore(%run_scoped3A_408 : memref<!tpu.dma_semaphore, #tpu.memory_space<semaphore_mem>>) {add = true}
          %dma_wait3A_415 = arith.constant 0 : i32
          %dma_wait3A_416 = tpu.memref_slice %arg9[%run_scoped3A_133, %dma_wait3A_415] : memref<8x128xi32, #tpu.memory_space<vmem>> -> memref<1x128xi32, #tpu.memory_space<vmem>>
          %dma_wait3A_417 = tpu.memref_squeeze %dma_wait3A_416 : memref<1x128xi32, #tpu.memory_space<vmem>> -> memref<128xi32, #tpu.memory_space<vmem>>
          %dma_wait3A_418 = arith.constant 0 : i32
          %dma_wait3A_419 = arith.constant 0 : i32
          %dma_wait3A_420 = tpu.memref_slice %arg13[%dma_wait3A_418, %dma_wait3A_419] : memref<10240x128xf32, #tpu.memory_space<vmem_shared>> -> memref<10240x128xf32, #tpu.memory_space<vmem_shared>>
          tpu.wait_indirect_dma semaphore(%run_scoped3A_408 : memref<!tpu.dma_semaphore, #tpu.memory_space<semaphore_mem>>) src(%arg12 : memref<128x128xf32, #tpu.memory_space<vmem>>) dst(%dma_wait3A_420 : memref<10240x128xf32, #tpu.memory_space<vmem_shared>>)
          tpu.yield
        }) : () -> ()
        %dma_start3A_134 = arith.constant 2 : i32
        %dma_start3A_135 = arith.constant 0 : i32
        %dma_start3A_136 = tpu.memref_slice %arg8[%dma_start3A_134, %dma_start3A_135] : memref<8x128xi32, #tpu.memory_space<vmem>> -> memref<1x128xi32, #tpu.memory_space<vmem>>
        %dma_start3A_137 = tpu.memref_squeeze %dma_start3A_136 : memref<1x128xi32, #tpu.memory_space<vmem>> -> memref<128xi32, #tpu.memory_space<vmem>>
        %dma_start3A_138 = arith.constant 0 : i32
        %dma_start3A_139 = arith.constant 0 : i32
        %dma_start3A_140 = tpu.memref_slice %arg2[%dma_start3A_138, %dma_start3A_139] : memref<10240x128xf32, #tpu.memory_space<hbm>> -> memref<10240x128xf32, #tpu.memory_space<hbm>>
        tpu.enqueue_indirect_dma source(%dma_start3A_140 : memref<10240x128xf32, #tpu.memory_space<hbm>>) target(%arg12 : memref<128x128xf32, #tpu.memory_space<vmem>>) offsets(%dma_start3A_137 : memref<128xi32, #tpu.memory_space<vmem>>) semaphore(%arg15 : memref<!tpu.dma_semaphore, #tpu.memory_space<semaphore_mem>>)
        %dma_wait3A_141 = arith.constant 2 : i32
        %dma_wait3A_142 = arith.constant 0 : i32
        %dma_wait3A_143 = tpu.memref_slice %arg8[%dma_wait3A_141, %dma_wait3A_142] : memref<8x128xi32, #tpu.memory_space<vmem>> -> memref<1x128xi32, #tpu.memory_space<vmem>>
        %dma_wait3A_144 = tpu.memref_squeeze %dma_wait3A_143 : memref<1x128xi32, #tpu.memory_space<vmem>> -> memref<128xi32, #tpu.memory_space<vmem>>
        %dma_wait3A_145 = arith.constant 0 : i32
        %dma_wait3A_146 = arith.constant 0 : i32
        %dma_wait3A_147 = tpu.memref_slice %arg2[%dma_wait3A_145, %dma_wait3A_146] : memref<10240x128xf32, #tpu.memory_space<hbm>> -> memref<10240x128xf32, #tpu.memory_space<hbm>>
        tpu.wait_indirect_dma semaphore(%arg15 : memref<!tpu.dma_semaphore, #tpu.memory_space<semaphore_mem>>) src(%dma_wait3A_147 : memref<10240x128xf32, #tpu.memory_space<hbm>>) dst(%arg12 : memref<128x128xf32, #tpu.memory_space<vmem>>)
        %run_scoped3A_148 = arith.constant 2 : i32
        "tpu.region"() ({
          %run_scoped3A_408 = tpu.sem_alloc : memref<!tpu.dma_semaphore, #tpu.memory_space<semaphore_mem>>
          %dma_start3A_409 = arith.constant 0 : i32
          %dma_start3A_410 = tpu.memref_slice %arg9[%run_scoped3A_148, %dma_start3A_409] : memref<8x128xi32, #tpu.memory_space<vmem>> -> memref<1x128xi32, #tpu.memory_space<vmem>>
          %dma_start3A_411 = tpu.memref_squeeze %dma_start3A_410 : memref<1x128xi32, #tpu.memory_space<vmem>> -> memref<128xi32, #tpu.memory_space<vmem>>
          %dma_start3A_412 = arith.constant 0 : i32
          %dma_start3A_413 = arith.constant 0 : i32
          %dma_start3A_414 = tpu.memref_slice %arg13[%dma_start3A_412, %dma_start3A_413] : memref<10240x128xf32, #tpu.memory_space<vmem_shared>> -> memref<10240x128xf32, #tpu.memory_space<vmem_shared>>
          tpu.enqueue_indirect_dma source(%arg12 : memref<128x128xf32, #tpu.memory_space<vmem>>) target(%dma_start3A_414 : memref<10240x128xf32, #tpu.memory_space<vmem_shared>>) offsets(%dma_start3A_411 : memref<128xi32, #tpu.memory_space<vmem>>) semaphore(%run_scoped3A_408 : memref<!tpu.dma_semaphore, #tpu.memory_space<semaphore_mem>>) {add = true}
          %dma_wait3A_415 = arith.constant 0 : i32
          %dma_wait3A_416 = tpu.memref_slice %arg9[%run_scoped3A_148, %dma_wait3A_415] : memref<8x128xi32, #tpu.memory_space<vmem>> -> memref<1x128xi32, #tpu.memory_space<vmem>>
          %dma_wait3A_417 = tpu.memref_squeeze %dma_wait3A_416 : memref<1x128xi32, #tpu.memory_space<vmem>> -> memref<128xi32, #tpu.memory_space<vmem>>
          %dma_wait3A_418 = arith.constant 0 : i32
          %dma_wait3A_419 = arith.constant 0 : i32
          %dma_wait3A_420 = tpu.memref_slice %arg13[%dma_wait3A_418, %dma_wait3A_419] : memref<10240x128xf32, #tpu.memory_space<vmem_shared>> -> memref<10240x128xf32, #tpu.memory_space<vmem_shared>>
          tpu.wait_indirect_dma semaphore(%run_scoped3A_408 : memref<!tpu.dma_semaphore, #tpu.memory_space<semaphore_mem>>) src(%arg12 : memref<128x128xf32, #tpu.memory_space<vmem>>) dst(%dma_wait3A_420 : memref<10240x128xf32, #tpu.memory_space<vmem_shared>>)
          tpu.yield
        }) : () -> ()
        %dma_start3A_149 = arith.constant 3 : i32
        %dma_start3A_150 = arith.constant 0 : i32
        %dma_start3A_151 = tpu.memref_slice %arg8[%dma_start3A_149, %dma_start3A_150] : memref<8x128xi32, #tpu.memory_space<vmem>> -> memref<1x128xi32, #tpu.memory_space<vmem>>
        %dma_start3A_152 = tpu.memref_squeeze %dma_start3A_151 : memref<1x128xi32, #tpu.memory_space<vmem>> -> memref<128xi32, #tpu.memory_space<vmem>>
        %dma_start3A_153 = arith.constant 0 : i32
        %dma_start3A_154 = arith.constant 0 : i32
        %dma_start3A_155 = tpu.memref_slice %arg2[%dma_start3A_153, %dma_start3A_154] : memref<10240x128xf32, #tpu.memory_space<hbm>> -> memref<10240x128xf32, #tpu.memory_space<hbm>>
        tpu.enqueue_indirect_dma source(%dma_start3A_155 : memref<10240x128xf32, #tpu.memory_space<hbm>>) target(%arg12 : memref<128x128xf32, #tpu.memory_space<vmem>>) offsets(%dma_start3A_152 : memref<128xi32, #tpu.memory_space<vmem>>) semaphore(%arg15 : memref<!tpu.dma_semaphore, #tpu.memory_space<semaphore_mem>>)
        %dma_wait3A_156 = arith.constant 3 : i32
        %dma_wait3A_157 = arith.constant 0 : i32
        %dma_wait3A_158 = tpu.memref_slice %arg8[%dma_wait3A_156, %dma_wait3A_157] : memref<8x128xi32, #tpu.memory_space<vmem>> -> memref<1x128xi32, #tpu.memory_space<vmem>>
        %dma_wait3A_159 = tpu.memref_squeeze %dma_wait3A_158 : memref<1x128xi32, #tpu.memory_space<vmem>> -> memref<128xi32, #tpu.memory_space<vmem>>
        %dma_wait3A_160 = arith.constant 0 : i32
        %dma_wait3A_161 = arith.constant 0 : i32
        %dma_wait3A_162 = tpu.memref_slice %arg2[%dma_wait3A_160, %dma_wait3A_161] : memref<10240x128xf32, #tpu.memory_space<hbm>> -> memref<10240x128xf32, #tpu.memory_space<hbm>>
        tpu.wait_indirect_dma semaphore(%arg15 : memref<!tpu.dma_semaphore, #tpu.memory_space<semaphore_mem>>) src(%dma_wait3A_162 : memref<10240x128xf32, #tpu.memory_space<hbm>>) dst(%arg12 : memref<128x128xf32, #tpu.memory_space<vmem>>)
        %run_scoped3A_163 = arith.constant 3 : i32
        "tpu.region"() ({
          %run_scoped3A_408 = tpu.sem_alloc : memref<!tpu.dma_semaphore, #tpu.memory_space<semaphore_mem>>
          %dma_start3A_409 = arith.constant 0 : i32
          %dma_start3A_410 = tpu.memref_slice %arg9[%run_scoped3A_163, %dma_start3A_409] : memref<8x128xi32, #tpu.memory_space<vmem>> -> memref<1x128xi32, #tpu.memory_space<vmem>>
          %dma_start3A_411 = tpu.memref_squeeze %dma_start3A_410 : memref<1x128xi32, #tpu.memory_space<vmem>> -> memref<128xi32, #tpu.memory_space<vmem>>
          %dma_start3A_412 = arith.constant 0 : i32
          %dma_start3A_413 = arith.constant 0 : i32
          %dma_start3A_414 = tpu.memref_slice %arg13[%dma_start3A_412, %dma_start3A_413] : memref<10240x128xf32, #tpu.memory_space<vmem_shared>> -> memref<10240x128xf32, #tpu.memory_space<vmem_shared>>
          tpu.enqueue_indirect_dma source(%arg12 : memref<128x128xf32, #tpu.memory_space<vmem>>) target(%dma_start3A_414 : memref<10240x128xf32, #tpu.memory_space<vmem_shared>>) offsets(%dma_start3A_411 : memref<128xi32, #tpu.memory_space<vmem>>) semaphore(%run_scoped3A_408 : memref<!tpu.dma_semaphore, #tpu.memory_space<semaphore_mem>>) {add = true}
          %dma_wait3A_415 = arith.constant 0 : i32
          %dma_wait3A_416 = tpu.memref_slice %arg9[%run_scoped3A_163, %dma_wait3A_415] : memref<8x128xi32, #tpu.memory_space<vmem>> -> memref<1x128xi32, #tpu.memory_space<vmem>>
          %dma_wait3A_417 = tpu.memref_squeeze %dma_wait3A_416 : memref<1x128xi32, #tpu.memory_space<vmem>> -> memref<128xi32, #tpu.memory_space<vmem>>
          %dma_wait3A_418 = arith.constant 0 : i32
          %dma_wait3A_419 = arith.constant 0 : i32
          %dma_wait3A_420 = tpu.memref_slice %arg13[%dma_wait3A_418, %dma_wait3A_419] : memref<10240x128xf32, #tpu.memory_space<vmem_shared>> -> memref<10240x128xf32, #tpu.memory_space<vmem_shared>>
          tpu.wait_indirect_dma semaphore(%run_scoped3A_408 : memref<!tpu.dma_semaphore, #tpu.memory_space<semaphore_mem>>) src(%arg12 : memref<128x128xf32, #tpu.memory_space<vmem>>) dst(%dma_wait3A_420 : memref<10240x128xf32, #tpu.memory_space<vmem_shared>>)
          tpu.yield
        }) : () -> ()
        %dma_start3A_164 = arith.constant 4 : i32
        %dma_start3A_165 = arith.constant 0 : i32
        %dma_start3A_166 = tpu.memref_slice %arg8[%dma_start3A_164, %dma_start3A_165] : memref<8x128xi32, #tpu.memory_space<vmem>> -> memref<1x128xi32, #tpu.memory_space<vmem>>
        %dma_start3A_167 = tpu.memref_squeeze %dma_start3A_166 : memref<1x128xi32, #tpu.memory_space<vmem>> -> memref<128xi32, #tpu.memory_space<vmem>>
        %dma_start3A_168 = arith.constant 0 : i32
        %dma_start3A_169 = arith.constant 0 : i32
        %dma_start3A_170 = tpu.memref_slice %arg2[%dma_start3A_168, %dma_start3A_169] : memref<10240x128xf32, #tpu.memory_space<hbm>> -> memref<10240x128xf32, #tpu.memory_space<hbm>>
        tpu.enqueue_indirect_dma source(%dma_start3A_170 : memref<10240x128xf32, #tpu.memory_space<hbm>>) target(%arg12 : memref<128x128xf32, #tpu.memory_space<vmem>>) offsets(%dma_start3A_167 : memref<128xi32, #tpu.memory_space<vmem>>) semaphore(%arg15 : memref<!tpu.dma_semaphore, #tpu.memory_space<semaphore_mem>>)
        %dma_wait3A_171 = arith.constant 4 : i32
        %dma_wait3A_172 = arith.constant 0 : i32
        %dma_wait3A_173 = tpu.memref_slice %arg8[%dma_wait3A_171, %dma_wait3A_172] : memref<8x128xi32, #tpu.memory_space<vmem>> -> memref<1x128xi32, #tpu.memory_space<vmem>>
        %dma_wait3A_174 = tpu.memref_squeeze %dma_wait3A_173 : memref<1x128xi32, #tpu.memory_space<vmem>> -> memref<128xi32, #tpu.memory_space<vmem>>
        %dma_wait3A_175 = arith.constant 0 : i32
        %dma_wait3A_176 = arith.constant 0 : i32
        %dma_wait3A_177 = tpu.memref_slice %arg2[%dma_wait3A_175, %dma_wait3A_176] : memref<10240x128xf32, #tpu.memory_space<hbm>> -> memref<10240x128xf32, #tpu.memory_space<hbm>>
        tpu.wait_indirect_dma semaphore(%arg15 : memref<!tpu.dma_semaphore, #tpu.memory_space<semaphore_mem>>) src(%dma_wait3A_177 : memref<10240x128xf32, #tpu.memory_space<hbm>>) dst(%arg12 : memref<128x128xf32, #tpu.memory_space<vmem>>)
        %run_scoped3A_178 = arith.constant 4 : i32
        "tpu.region"() ({
          %run_scoped3A_408 = tpu.sem_alloc : memref<!tpu.dma_semaphore, #tpu.memory_space<semaphore_mem>>
          %dma_start3A_409 = arith.constant 0 : i32
          %dma_start3A_410 = tpu.memref_slice %arg9[%run_scoped3A_178, %dma_start3A_409] : memref<8x128xi32, #tpu.memory_space<vmem>> -> memref<1x128xi32, #tpu.memory_space<vmem>>
          %dma_start3A_411 = tpu.memref_squeeze %dma_start3A_410 : memref<1x128xi32, #tpu.memory_space<vmem>> -> memref<128xi32, #tpu.memory_space<vmem>>
          %dma_start3A_412 = arith.constant 0 : i32
          %dma_start3A_413 = arith.constant 0 : i32
          %dma_start3A_414 = tpu.memref_slice %arg13[%dma_start3A_412, %dma_start3A_413] : memref<10240x128xf32, #tpu.memory_space<vmem_shared>> -> memref<10240x128xf32, #tpu.memory_space<vmem_shared>>
          tpu.enqueue_indirect_dma source(%arg12 : memref<128x128xf32, #tpu.memory_space<vmem>>) target(%dma_start3A_414 : memref<10240x128xf32, #tpu.memory_space<vmem_shared>>) offsets(%dma_start3A_411 : memref<128xi32, #tpu.memory_space<vmem>>) semaphore(%run_scoped3A_408 : memref<!tpu.dma_semaphore, #tpu.memory_space<semaphore_mem>>) {add = true}
          %dma_wait3A_415 = arith.constant 0 : i32
          %dma_wait3A_416 = tpu.memref_slice %arg9[%run_scoped3A_178, %dma_wait3A_415] : memref<8x128xi32, #tpu.memory_space<vmem>> -> memref<1x128xi32, #tpu.memory_space<vmem>>
          %dma_wait3A_417 = tpu.memref_squeeze %dma_wait3A_416 : memref<1x128xi32, #tpu.memory_space<vmem>> -> memref<128xi32, #tpu.memory_space<vmem>>
          %dma_wait3A_418 = arith.constant 0 : i32
          %dma_wait3A_419 = arith.constant 0 : i32
          %dma_wait3A_420 = tpu.memref_slice %arg13[%dma_wait3A_418, %dma_wait3A_419] : memref<10240x128xf32, #tpu.memory_space<vmem_shared>> -> memref<10240x128xf32, #tpu.memory_space<vmem_shared>>
          tpu.wait_indirect_dma semaphore(%run_scoped3A_408 : memref<!tpu.dma_semaphore, #tpu.memory_space<semaphore_mem>>) src(%arg12 : memref<128x128xf32, #tpu.memory_space<vmem>>) dst(%dma_wait3A_420 : memref<10240x128xf32, #tpu.memory_space<vmem_shared>>)
          tpu.yield
        }) : () -> ()
        %dma_start3A_179 = arith.constant 5 : i32
        %dma_start3A_180 = arith.constant 0 : i32
        %dma_start3A_181 = tpu.memref_slice %arg8[%dma_start3A_179, %dma_start3A_180] : memref<8x128xi32, #tpu.memory_space<vmem>> -> memref<1x128xi32, #tpu.memory_space<vmem>>
        %dma_start3A_182 = tpu.memref_squeeze %dma_start3A_181 : memref<1x128xi32, #tpu.memory_space<vmem>> -> memref<128xi32, #tpu.memory_space<vmem>>
        %dma_start3A_183 = arith.constant 0 : i32
        %dma_start3A_184 = arith.constant 0 : i32
        %dma_start3A_185 = tpu.memref_slice %arg2[%dma_start3A_183, %dma_start3A_184] : memref<10240x128xf32, #tpu.memory_space<hbm>> -> memref<10240x128xf32, #tpu.memory_space<hbm>>
        tpu.enqueue_indirect_dma source(%dma_start3A_185 : memref<10240x128xf32, #tpu.memory_space<hbm>>) target(%arg12 : memref<128x128xf32, #tpu.memory_space<vmem>>) offsets(%dma_start3A_182 : memref<128xi32, #tpu.memory_space<vmem>>) semaphore(%arg15 : memref<!tpu.dma_semaphore, #tpu.memory_space<semaphore_mem>>)
        %dma_wait3A_186 = arith.constant 5 : i32
        %dma_wait3A_187 = arith.constant 0 : i32
        %dma_wait3A_188 = tpu.memref_slice %arg8[%dma_wait3A_186, %dma_wait3A_187] : memref<8x128xi32, #tpu.memory_space<vmem>> -> memref<1x128xi32, #tpu.memory_space<vmem>>
        %dma_wait3A_189 = tpu.memref_squeeze %dma_wait3A_188 : memref<1x128xi32, #tpu.memory_space<vmem>> -> memref<128xi32, #tpu.memory_space<vmem>>
        %dma_wait3A_190 = arith.constant 0 : i32
        %dma_wait3A_191 = arith.constant 0 : i32
        %dma_wait3A_192 = tpu.memref_slice %arg2[%dma_wait3A_190, %dma_wait3A_191] : memref<10240x128xf32, #tpu.memory_space<hbm>> -> memref<10240x128xf32, #tpu.memory_space<hbm>>
        tpu.wait_indirect_dma semaphore(%arg15 : memref<!tpu.dma_semaphore, #tpu.memory_space<semaphore_mem>>) src(%dma_wait3A_192 : memref<10240x128xf32, #tpu.memory_space<hbm>>) dst(%arg12 : memref<128x128xf32, #tpu.memory_space<vmem>>)
        %run_scoped3A_193 = arith.constant 5 : i32
        "tpu.region"() ({
          %run_scoped3A_408 = tpu.sem_alloc : memref<!tpu.dma_semaphore, #tpu.memory_space<semaphore_mem>>
          %dma_start3A_409 = arith.constant 0 : i32
          %dma_start3A_410 = tpu.memref_slice %arg9[%run_scoped3A_193, %dma_start3A_409] : memref<8x128xi32, #tpu.memory_space<vmem>> -> memref<1x128xi32, #tpu.memory_space<vmem>>
          %dma_start3A_411 = tpu.memref_squeeze %dma_start3A_410 : memref<1x128xi32, #tpu.memory_space<vmem>> -> memref<128xi32, #tpu.memory_space<vmem>>
          %dma_start3A_412 = arith.constant 0 : i32
          %dma_start3A_413 = arith.constant 0 : i32
          %dma_start3A_414 = tpu.memref_slice %arg13[%dma_start3A_412, %dma_start3A_413] : memref<10240x128xf32, #tpu.memory_space<vmem_shared>> -> memref<10240x128xf32, #tpu.memory_space<vmem_shared>>
          tpu.enqueue_indirect_dma source(%arg12 : memref<128x128xf32, #tpu.memory_space<vmem>>) target(%dma_start3A_414 : memref<10240x128xf32, #tpu.memory_space<vmem_shared>>) offsets(%dma_start3A_411 : memref<128xi32, #tpu.memory_space<vmem>>) semaphore(%run_scoped3A_408 : memref<!tpu.dma_semaphore, #tpu.memory_space<semaphore_mem>>) {add = true}
          %dma_wait3A_415 = arith.constant 0 : i32
          %dma_wait3A_416 = tpu.memref_slice %arg9[%run_scoped3A_193, %dma_wait3A_415] : memref<8x128xi32, #tpu.memory_space<vmem>> -> memref<1x128xi32, #tpu.memory_space<vmem>>
          %dma_wait3A_417 = tpu.memref_squeeze %dma_wait3A_416 : memref<1x128xi32, #tpu.memory_space<vmem>> -> memref<128xi32, #tpu.memory_space<vmem>>
          %dma_wait3A_418 = arith.constant 0 : i32
          %dma_wait3A_419 = arith.constant 0 : i32
          %dma_wait3A_420 = tpu.memref_slice %arg13[%dma_wait3A_418, %dma_wait3A_419] : memref<10240x128xf32, #tpu.memory_space<vmem_shared>> -> memref<10240x128xf32, #tpu.memory_space<vmem_shared>>
          tpu.wait_indirect_dma semaphore(%run_scoped3A_408 : memref<!tpu.dma_semaphore, #tpu.memory_space<semaphore_mem>>) src(%arg12 : memref<128x128xf32, #tpu.memory_space<vmem>>) dst(%dma_wait3A_420 : memref<10240x128xf32, #tpu.memory_space<vmem_shared>>)
          tpu.yield
        }) : () -> ()
        %dma_start3A_194 = arith.constant 6 : i32
        %dma_start3A_195 = arith.constant 0 : i32
        %dma_start3A_196 = tpu.memref_slice %arg8[%dma_start3A_194, %dma_start3A_195] : memref<8x128xi32, #tpu.memory_space<vmem>> -> memref<1x128xi32, #tpu.memory_space<vmem>>
        %dma_start3A_197 = tpu.memref_squeeze %dma_start3A_196 : memref<1x128xi32, #tpu.memory_space<vmem>> -> memref<128xi32, #tpu.memory_space<vmem>>
        %dma_start3A_198 = arith.constant 0 : i32
        %dma_start3A_199 = arith.constant 0 : i32
        %dma_start3A_200 = tpu.memref_slice %arg2[%dma_start3A_198, %dma_start3A_199] : memref<10240x128xf32, #tpu.memory_space<hbm>> -> memref<10240x128xf32, #tpu.memory_space<hbm>>
        tpu.enqueue_indirect_dma source(%dma_start3A_200 : memref<10240x128xf32, #tpu.memory_space<hbm>>) target(%arg12 : memref<128x128xf32, #tpu.memory_space<vmem>>) offsets(%dma_start3A_197 : memref<128xi32, #tpu.memory_space<vmem>>) semaphore(%arg15 : memref<!tpu.dma_semaphore, #tpu.memory_space<semaphore_mem>>)
        %dma_wait3A_201 = arith.constant 6 : i32
        %dma_wait3A_202 = arith.constant 0 : i32
        %dma_wait3A_203 = tpu.memref_slice %arg8[%dma_wait3A_201, %dma_wait3A_202] : memref<8x128xi32, #tpu.memory_space<vmem>> -> memref<1x128xi32, #tpu.memory_space<vmem>>
        %dma_wait3A_204 = tpu.memref_squeeze %dma_wait3A_203 : memref<1x128xi32, #tpu.memory_space<vmem>> -> memref<128xi32, #tpu.memory_space<vmem>>
        %dma_wait3A_205 = arith.constant 0 : i32
        %dma_wait3A_206 = arith.constant 0 : i32
        %dma_wait3A_207 = tpu.memref_slice %arg2[%dma_wait3A_205, %dma_wait3A_206] : memref<10240x128xf32, #tpu.memory_space<hbm>> -> memref<10240x128xf32, #tpu.memory_space<hbm>>
        tpu.wait_indirect_dma semaphore(%arg15 : memref<!tpu.dma_semaphore, #tpu.memory_space<semaphore_mem>>) src(%dma_wait3A_207 : memref<10240x128xf32, #tpu.memory_space<hbm>>) dst(%arg12 : memref<128x128xf32, #tpu.memory_space<vmem>>)
        %run_scoped3A_208 = arith.constant 6 : i32
        "tpu.region"() ({
          %run_scoped3A_408 = tpu.sem_alloc : memref<!tpu.dma_semaphore, #tpu.memory_space<semaphore_mem>>
          %dma_start3A_409 = arith.constant 0 : i32
          %dma_start3A_410 = tpu.memref_slice %arg9[%run_scoped3A_208, %dma_start3A_409] : memref<8x128xi32, #tpu.memory_space<vmem>> -> memref<1x128xi32, #tpu.memory_space<vmem>>
          %dma_start3A_411 = tpu.memref_squeeze %dma_start3A_410 : memref<1x128xi32, #tpu.memory_space<vmem>> -> memref<128xi32, #tpu.memory_space<vmem>>
          %dma_start3A_412 = arith.constant 0 : i32
          %dma_start3A_413 = arith.constant 0 : i32
          %dma_start3A_414 = tpu.memref_slice %arg13[%dma_start3A_412, %dma_start3A_413] : memref<10240x128xf32, #tpu.memory_space<vmem_shared>> -> memref<10240x128xf32, #tpu.memory_space<vmem_shared>>
          tpu.enqueue_indirect_dma source(%arg12 : memref<128x128xf32, #tpu.memory_space<vmem>>) target(%dma_start3A_414 : memref<10240x128xf32, #tpu.memory_space<vmem_shared>>) offsets(%dma_start3A_411 : memref<128xi32, #tpu.memory_space<vmem>>) semaphore(%run_scoped3A_408 : memref<!tpu.dma_semaphore, #tpu.memory_space<semaphore_mem>>) {add = true}
          %dma_wait3A_415 = arith.constant 0 : i32
          %dma_wait3A_416 = tpu.memref_slice %arg9[%run_scoped3A_208, %dma_wait3A_415] : memref<8x128xi32, #tpu.memory_space<vmem>> -> memref<1x128xi32, #tpu.memory_space<vmem>>
          %dma_wait3A_417 = tpu.memref_squeeze %dma_wait3A_416 : memref<1x128xi32, #tpu.memory_space<vmem>> -> memref<128xi32, #tpu.memory_space<vmem>>
          %dma_wait3A_418 = arith.constant 0 : i32
          %dma_wait3A_419 = arith.constant 0 : i32
          %dma_wait3A_420 = tpu.memref_slice %arg13[%dma_wait3A_418, %dma_wait3A_419] : memref<10240x128xf32, #tpu.memory_space<vmem_shared>> -> memref<10240x128xf32, #tpu.memory_space<vmem_shared>>
          tpu.wait_indirect_dma semaphore(%run_scoped3A_408 : memref<!tpu.dma_semaphore, #tpu.memory_space<semaphore_mem>>) src(%arg12 : memref<128x128xf32, #tpu.memory_space<vmem>>) dst(%dma_wait3A_420 : memref<10240x128xf32, #tpu.memory_space<vmem_shared>>)
          tpu.yield
        }) : () -> ()
        %dma_start3A_209 = arith.constant 7 : i32
        %dma_start3A_210 = arith.constant 0 : i32
        %dma_start3A_211 = tpu.memref_slice %arg8[%dma_start3A_209, %dma_start3A_210] : memref<8x128xi32, #tpu.memory_space<vmem>> -> memref<1x128xi32, #tpu.memory_space<vmem>>
        %dma_start3A_212 = tpu.memref_squeeze %dma_start3A_211 : memref<1x128xi32, #tpu.memory_space<vmem>> -> memref<128xi32, #tpu.memory_space<vmem>>
        %dma_start3A_213 = arith.constant 0 : i32
        %dma_start3A_214 = arith.constant 0 : i32
        %dma_start3A_215 = tpu.memref_slice %arg2[%dma_start3A_213, %dma_start3A_214] : memref<10240x128xf32, #tpu.memory_space<hbm>> -> memref<10240x128xf32, #tpu.memory_space<hbm>>
        tpu.enqueue_indirect_dma source(%dma_start3A_215 : memref<10240x128xf32, #tpu.memory_space<hbm>>) target(%arg12 : memref<128x128xf32, #tpu.memory_space<vmem>>) offsets(%dma_start3A_212 : memref<128xi32, #tpu.memory_space<vmem>>) semaphore(%arg15 : memref<!tpu.dma_semaphore, #tpu.memory_space<semaphore_mem>>)
        %dma_wait3A_216 = arith.constant 7 : i32
        %dma_wait3A_217 = arith.constant 0 : i32
        %dma_wait3A_218 = tpu.memref_slice %arg8[%dma_wait3A_216, %dma_wait3A_217] : memref<8x128xi32, #tpu.memory_space<vmem>> -> memref<1x128xi32, #tpu.memory_space<vmem>>
        %dma_wait3A_219 = tpu.memref_squeeze %dma_wait3A_218 : memref<1x128xi32, #tpu.memory_space<vmem>> -> memref<128xi32, #tpu.memory_space<vmem>>
        %dma_wait3A_220 = arith.constant 0 : i32
        %dma_wait3A_221 = arith.constant 0 : i32
        %dma_wait3A_222 = tpu.memref_slice %arg2[%dma_wait3A_220, %dma_wait3A_221] : memref<10240x128xf32, #tpu.memory_space<hbm>> -> memref<10240x128xf32, #tpu.memory_space<hbm>>
        tpu.wait_indirect_dma semaphore(%arg15 : memref<!tpu.dma_semaphore, #tpu.memory_space<semaphore_mem>>) src(%dma_wait3A_222 : memref<10240x128xf32, #tpu.memory_space<hbm>>) dst(%arg12 : memref<128x128xf32, #tpu.memory_space<vmem>>)
        %run_scoped3A_223 = arith.constant 7 : i32
        "tpu.region"() ({
          %run_scoped3A_408 = tpu.sem_alloc : memref<!tpu.dma_semaphore, #tpu.memory_space<semaphore_mem>>
          %dma_start3A_409 = arith.constant 0 : i32
          %dma_start3A_410 = tpu.memref_slice %arg9[%run_scoped3A_223, %dma_start3A_409] : memref<8x128xi32, #tpu.memory_space<vmem>> -> memref<1x128xi32, #tpu.memory_space<vmem>>
          %dma_start3A_411 = tpu.memref_squeeze %dma_start3A_410 : memref<1x128xi32, #tpu.memory_space<vmem>> -> memref<128xi32, #tpu.memory_space<vmem>>
          %dma_start3A_412 = arith.constant 0 : i32
          %dma_start3A_413 = arith.constant 0 : i32
          %dma_start3A_414 = tpu.memref_slice %arg13[%dma_start3A_412, %dma_start3A_413] : memref<10240x128xf32, #tpu.memory_space<vmem_shared>> -> memref<10240x128xf32, #tpu.memory_space<vmem_shared>>
          tpu.enqueue_indirect_dma source(%arg12 : memref<128x128xf32, #tpu.memory_space<vmem>>) target(%dma_start3A_414 : memref<10240x128xf32, #tpu.memory_space<vmem_shared>>) offsets(%dma_start3A_411 : memref<128xi32, #tpu.memory_space<vmem>>) semaphore(%run_scoped3A_408 : memref<!tpu.dma_semaphore, #tpu.memory_space<semaphore_mem>>) {add = true}
          %dma_wait3A_415 = arith.constant 0 : i32
          %dma_wait3A_416 = tpu.memref_slice %arg9[%run_scoped3A_223, %dma_wait3A_415] : memref<8x128xi32, #tpu.memory_space<vmem>> -> memref<1x128xi32, #tpu.memory_space<vmem>>
          %dma_wait3A_417 = tpu.memref_squeeze %dma_wait3A_416 : memref<1x128xi32, #tpu.memory_space<vmem>> -> memref<128xi32, #tpu.memory_space<vmem>>
          %dma_wait3A_418 = arith.constant 0 : i32
          %dma_wait3A_419 = arith.constant 0 : i32
          %dma_wait3A_420 = tpu.memref_slice %arg13[%dma_wait3A_418, %dma_wait3A_419] : memref<10240x128xf32, #tpu.memory_space<vmem_shared>> -> memref<10240x128xf32, #tpu.memory_space<vmem_shared>>
          tpu.wait_indirect_dma semaphore(%run_scoped3A_408 : memref<!tpu.dma_semaphore, #tpu.memory_space<semaphore_mem>>) src(%arg12 : memref<128x128xf32, #tpu.memory_space<vmem>>) dst(%dma_wait3A_420 : memref<10240x128xf32, #tpu.memory_space<vmem_shared>>)
          tpu.yield
        }) : () -> ()
        %mul3A_224 = arith.constant 2 : i32
        %mul3A_225 = arith.muli %mul3A_224, %add3A_86 : i32
        %add3A_226 = arith.constant 2 : i32
        %add3A_227 = arith.addi %mul3A_225, %add3A_226 : i32
        %mul3A_228 = arith.constant 16 : i32
        %mul3A_229 = arith.muli %add3A_227, %mul3A_228 : i32
        %add3A_230 = arith.addi %mul3A_229, %arg1 : i32
        %mul3A_231 = arith.constant 8 : i32
        %mul3A_232 = arith.muli %add3A_230, %mul3A_231 : i32
        %dma_start3A_233 = arith.constant 0 : i32
        %dma_start3A_234 = arith.constant 0 : i32
        %dma_start3A_235 = tpu.memref_slice %arg4[%mul3A_232, %dma_start3A_234] : memref<1536x128xi32, #tpu.memory_space<hbm>> -> memref<8x128xi32, #tpu.memory_space<hbm>>
        %dma_start3A_236 = tpu.memref_slice %arg14[%dma_start3A_233] : memref<2x!tpu.dma_semaphore, #tpu.memory_space<semaphore_mem>> -> memref<1x!tpu.dma_semaphore, #tpu.memory_space<semaphore_mem>>
        %dma_start3A_237 = tpu.memref_squeeze %dma_start3A_236 : memref<1x!tpu.dma_semaphore, #tpu.memory_space<semaphore_mem>> -> memref<!tpu.dma_semaphore, #tpu.memory_space<semaphore_mem>>
        %dma_start3A_238 = arith.constant 0 : i32
        %dma_start3A_239 = tpu.memref_slice %arg4[%mul3A_232, %dma_start3A_238] : memref<1536x128xi32, #tpu.memory_space<hbm>> -> memref<8x128xi32, #tpu.memory_space<hbm>>
        tpu.enqueue_dma source(%dma_start3A_239 : memref<8x128xi32, #tpu.memory_space<hbm>>) target(%arg8 : memref<8x128xi32, #tpu.memory_space<vmem>>) target_semaphore(%dma_start3A_237 : memref<!tpu.dma_semaphore, #tpu.memory_space<semaphore_mem>>)
        %dma_start3A_240 = arith.constant 0 : i32
        %dma_start3A_241 = arith.constant 0 : i32
        %dma_start3A_242 = tpu.memref_slice %arg5[%mul3A_232, %dma_start3A_241] : memref<1536x128xi32, #tpu.memory_space<hbm>> -> memref<8x128xi32, #tpu.memory_space<hbm>>
        %dma_start3A_243 = tpu.memref_slice %arg14[%dma_start3A_240] : memref<2x!tpu.dma_semaphore, #tpu.memory_space<semaphore_mem>> -> memref<1x!tpu.dma_semaphore, #tpu.memory_space<semaphore_mem>>
        %dma_start3A_244 = tpu.memref_squeeze %dma_start3A_243 : memref<1x!tpu.dma_semaphore, #tpu.memory_space<semaphore_mem>> -> memref<!tpu.dma_semaphore, #tpu.memory_space<semaphore_mem>>
        %dma_start3A_245 = arith.constant 0 : i32
        %dma_start3A_246 = tpu.memref_slice %arg5[%mul3A_232, %dma_start3A_245] : memref<1536x128xi32, #tpu.memory_space<hbm>> -> memref<8x128xi32, #tpu.memory_space<hbm>>
        tpu.enqueue_dma source(%dma_start3A_246 : memref<8x128xi32, #tpu.memory_space<hbm>>) target(%arg9 : memref<8x128xi32, #tpu.memory_space<vmem>>) target_semaphore(%dma_start3A_244 : memref<!tpu.dma_semaphore, #tpu.memory_space<semaphore_mem>>)
        %dma_wait3A_247 = arith.constant 1 : i32
        %dma_wait3A_248 = arith.constant 0 : i32
        %dma_wait3A_249 = arith.constant 0 : i32
        %dma_wait3A_250 = tpu.memref_slice %arg4[%dma_wait3A_248, %dma_wait3A_249] : memref<1536x128xi32, #tpu.memory_space<hbm>> -> memref<8x128xi32, #tpu.memory_space<hbm>>
        %dma_wait3A_251 = tpu.memref_slice %arg14[%dma_wait3A_247] : memref<2x!tpu.dma_semaphore, #tpu.memory_space<semaphore_mem>> -> memref<1x!tpu.dma_semaphore, #tpu.memory_space<semaphore_mem>>
        %dma_wait3A_252 = tpu.memref_squeeze %dma_wait3A_251 : memref<1x!tpu.dma_semaphore, #tpu.memory_space<semaphore_mem>> -> memref<!tpu.dma_semaphore, #tpu.memory_space<semaphore_mem>>
        %dma_wait3A_253 = arith.constant 0 : i32
        %dma_wait3A_254 = arith.constant 0 : i32
        %dma_wait3A_255 = tpu.memref_slice %arg4[%dma_wait3A_253, %dma_wait3A_254] : memref<1536x128xi32, #tpu.memory_space<hbm>> -> memref<8x128xi32, #tpu.memory_space<hbm>>
        tpu.wait_dma2 semaphore(%dma_wait3A_252 : memref<!tpu.dma_semaphore, #tpu.memory_space<semaphore_mem>>) src(%dma_wait3A_255 : memref<8x128xi32, #tpu.memory_space<hbm>>) dst(%arg10 : memref<8x128xi32, #tpu.memory_space<vmem>>)
        %dma_wait3A_256 = arith.constant 1 : i32
        %dma_wait3A_257 = arith.constant 0 : i32
        %dma_wait3A_258 = arith.constant 0 : i32
        %dma_wait3A_259 = tpu.memref_slice %arg5[%dma_wait3A_257, %dma_wait3A_258] : memref<1536x128xi32, #tpu.memory_space<hbm>> -> memref<8x128xi32, #tpu.memory_space<hbm>>
        %dma_wait3A_260 = tpu.memref_slice %arg14[%dma_wait3A_256] : memref<2x!tpu.dma_semaphore, #tpu.memory_space<semaphore_mem>> -> memref<1x!tpu.dma_semaphore, #tpu.memory_space<semaphore_mem>>
        %dma_wait3A_261 = tpu.memref_squeeze %dma_wait3A_260 : memref<1x!tpu.dma_semaphore, #tpu.memory_space<semaphore_mem>> -> memref<!tpu.dma_semaphore, #tpu.memory_space<semaphore_mem>>
        %dma_wait3A_262 = arith.constant 0 : i32
        %dma_wait3A_263 = arith.constant 0 : i32
        %dma_wait3A_264 = tpu.memref_slice %arg5[%dma_wait3A_262, %dma_wait3A_263] : memref<1536x128xi32, #tpu.memory_space<hbm>> -> memref<8x128xi32, #tpu.memory_space<hbm>>
        tpu.wait_dma2 semaphore(%dma_wait3A_261 : memref<!tpu.dma_semaphore, #tpu.memory_space<semaphore_mem>>) src(%dma_wait3A_264 : memref<8x128xi32, #tpu.memory_space<hbm>>) dst(%arg11 : memref<8x128xi32, #tpu.memory_space<vmem>>)
        %dma_start3A_265 = arith.constant 0 : i32
        %dma_start3A_266 = arith.constant 0 : i32
        %dma_start3A_267 = tpu.memref_slice %arg10[%dma_start3A_265, %dma_start3A_266] : memref<8x128xi32, #tpu.memory_space<vmem>> -> memref<1x128xi32, #tpu.memory_space<vmem>>
        %dma_start3A_268 = tpu.memref_squeeze %dma_start3A_267 : memref<1x128xi32, #tpu.memory_space<vmem>> -> memref<128xi32, #tpu.memory_space<vmem>>
        %dma_start3A_269 = arith.constant 0 : i32
        %dma_start3A_270 = arith.constant 0 : i32
        %dma_start3A_271 = tpu.memref_slice %arg2[%dma_start3A_269, %dma_start3A_270] : memref<10240x128xf32, #tpu.memory_space<hbm>> -> memref<10240x128xf32, #tpu.memory_space<hbm>>
        tpu.enqueue_indirect_dma source(%dma_start3A_271 : memref<10240x128xf32, #tpu.memory_space<hbm>>) target(%arg12 : memref<128x128xf32, #tpu.memory_space<vmem>>) offsets(%dma_start3A_268 : memref<128xi32, #tpu.memory_space<vmem>>) semaphore(%arg15 : memref<!tpu.dma_semaphore, #tpu.memory_space<semaphore_mem>>)
        %dma_wait3A_272 = arith.constant 0 : i32
        %dma_wait3A_273 = arith.constant 0 : i32
        %dma_wait3A_274 = tpu.memref_slice %arg10[%dma_wait3A_272, %dma_wait3A_273] : memref<8x128xi32, #tpu.memory_space<vmem>> -> memref<1x128xi32, #tpu.memory_space<vmem>>
        %dma_wait3A_275 = tpu.memref_squeeze %dma_wait3A_274 : memref<1x128xi32, #tpu.memory_space<vmem>> -> memref<128xi32, #tpu.memory_space<vmem>>
        %dma_wait3A_276 = arith.constant 0 : i32
        %dma_wait3A_277 = arith.constant 0 : i32
        %dma_wait3A_278 = tpu.memref_slice %arg2[%dma_wait3A_276, %dma_wait3A_277] : memref<10240x128xf32, #tpu.memory_space<hbm>> -> memref<10240x128xf32, #tpu.memory_space<hbm>>
        tpu.wait_indirect_dma semaphore(%arg15 : memref<!tpu.dma_semaphore, #tpu.memory_space<semaphore_mem>>) src(%dma_wait3A_278 : memref<10240x128xf32, #tpu.memory_space<hbm>>) dst(%arg12 : memref<128x128xf32, #tpu.memory_space<vmem>>)
        %run_scoped3A_279 = arith.constant 0 : i32
        "tpu.region"() ({
          %run_scoped3A_408 = tpu.sem_alloc : memref<!tpu.dma_semaphore, #tpu.memory_space<semaphore_mem>>
          %dma_start3A_409 = arith.constant 0 : i32
          %dma_start3A_410 = tpu.memref_slice %arg11[%run_scoped3A_279, %dma_start3A_409] : memref<8x128xi32, #tpu.memory_space<vmem>> -> memref<1x128xi32, #tpu.memory_space<vmem>>
          %dma_start3A_411 = tpu.memref_squeeze %dma_start3A_410 : memref<1x128xi32, #tpu.memory_space<vmem>> -> memref<128xi32, #tpu.memory_space<vmem>>
          %dma_start3A_412 = arith.constant 0 : i32
          %dma_start3A_413 = arith.constant 0 : i32
          %dma_start3A_414 = tpu.memref_slice %arg13[%dma_start3A_412, %dma_start3A_413] : memref<10240x128xf32, #tpu.memory_space<vmem_shared>> -> memref<10240x128xf32, #tpu.memory_space<vmem_shared>>
          tpu.enqueue_indirect_dma source(%arg12 : memref<128x128xf32, #tpu.memory_space<vmem>>) target(%dma_start3A_414 : memref<10240x128xf32, #tpu.memory_space<vmem_shared>>) offsets(%dma_start3A_411 : memref<128xi32, #tpu.memory_space<vmem>>) semaphore(%run_scoped3A_408 : memref<!tpu.dma_semaphore, #tpu.memory_space<semaphore_mem>>) {add = true}
          %dma_wait3A_415 = arith.constant 0 : i32
          %dma_wait3A_416 = tpu.memref_slice %arg11[%run_scoped3A_279, %dma_wait3A_415] : memref<8x128xi32, #tpu.memory_space<vmem>> -> memref<1x128xi32, #tpu.memory_space<vmem>>
          %dma_wait3A_417 = tpu.memref_squeeze %dma_wait3A_416 : memref<1x128xi32, #tpu.memory_space<vmem>> -> memref<128xi32, #tpu.memory_space<vmem>>
          %dma_wait3A_418 = arith.constant 0 : i32
          %dma_wait3A_419 = arith.constant 0 : i32
          %dma_wait3A_420 = tpu.memref_slice %arg13[%dma_wait3A_418, %dma_wait3A_419] : memref<10240x128xf32, #tpu.memory_space<vmem_shared>> -> memref<10240x128xf32, #tpu.memory_space<vmem_shared>>
          tpu.wait_indirect_dma semaphore(%run_scoped3A_408 : memref<!tpu.dma_semaphore, #tpu.memory_space<semaphore_mem>>) src(%arg12 : memref<128x128xf32, #tpu.memory_space<vmem>>) dst(%dma_wait3A_420 : memref<10240x128xf32, #tpu.memory_space<vmem_shared>>)
          tpu.yield
        }) : () -> ()
        %dma_start3A_280 = arith.constant 1 : i32
        %dma_start3A_281 = arith.constant 0 : i32
        %dma_start3A_282 = tpu.memref_slice %arg10[%dma_start3A_280, %dma_start3A_281] : memref<8x128xi32, #tpu.memory_space<vmem>> -> memref<1x128xi32, #tpu.memory_space<vmem>>
        %dma_start3A_283 = tpu.memref_squeeze %dma_start3A_282 : memref<1x128xi32, #tpu.memory_space<vmem>> -> memref<128xi32, #tpu.memory_space<vmem>>
        %dma_start3A_284 = arith.constant 0 : i32
        %dma_start3A_285 = arith.constant 0 : i32
        %dma_start3A_286 = tpu.memref_slice %arg2[%dma_start3A_284, %dma_start3A_285] : memref<10240x128xf32, #tpu.memory_space<hbm>> -> memref<10240x128xf32, #tpu.memory_space<hbm>>
        tpu.enqueue_indirect_dma source(%dma_start3A_286 : memref<10240x128xf32, #tpu.memory_space<hbm>>) target(%arg12 : memref<128x128xf32, #tpu.memory_space<vmem>>) offsets(%dma_start3A_283 : memref<128xi32, #tpu.memory_space<vmem>>) semaphore(%arg15 : memref<!tpu.dma_semaphore, #tpu.memory_space<semaphore_mem>>)
        %dma_wait3A_287 = arith.constant 1 : i32
        %dma_wait3A_288 = arith.constant 0 : i32
        %dma_wait3A_289 = tpu.memref_slice %arg10[%dma_wait3A_287, %dma_wait3A_288] : memref<8x128xi32, #tpu.memory_space<vmem>> -> memref<1x128xi32, #tpu.memory_space<vmem>>
        %dma_wait3A_290 = tpu.memref_squeeze %dma_wait3A_289 : memref<1x128xi32, #tpu.memory_space<vmem>> -> memref<128xi32, #tpu.memory_space<vmem>>
        %dma_wait3A_291 = arith.constant 0 : i32
        %dma_wait3A_292 = arith.constant 0 : i32
        %dma_wait3A_293 = tpu.memref_slice %arg2[%dma_wait3A_291, %dma_wait3A_292] : memref<10240x128xf32, #tpu.memory_space<hbm>> -> memref<10240x128xf32, #tpu.memory_space<hbm>>
        tpu.wait_indirect_dma semaphore(%arg15 : memref<!tpu.dma_semaphore, #tpu.memory_space<semaphore_mem>>) src(%dma_wait3A_293 : memref<10240x128xf32, #tpu.memory_space<hbm>>) dst(%arg12 : memref<128x128xf32, #tpu.memory_space<vmem>>)
        %run_scoped3A_294 = arith.constant 1 : i32
        "tpu.region"() ({
          %run_scoped3A_408 = tpu.sem_alloc : memref<!tpu.dma_semaphore, #tpu.memory_space<semaphore_mem>>
          %dma_start3A_409 = arith.constant 0 : i32
          %dma_start3A_410 = tpu.memref_slice %arg11[%run_scoped3A_294, %dma_start3A_409] : memref<8x128xi32, #tpu.memory_space<vmem>> -> memref<1x128xi32, #tpu.memory_space<vmem>>
          %dma_start3A_411 = tpu.memref_squeeze %dma_start3A_410 : memref<1x128xi32, #tpu.memory_space<vmem>> -> memref<128xi32, #tpu.memory_space<vmem>>
          %dma_start3A_412 = arith.constant 0 : i32
          %dma_start3A_413 = arith.constant 0 : i32
          %dma_start3A_414 = tpu.memref_slice %arg13[%dma_start3A_412, %dma_start3A_413] : memref<10240x128xf32, #tpu.memory_space<vmem_shared>> -> memref<10240x128xf32, #tpu.memory_space<vmem_shared>>
          tpu.enqueue_indirect_dma source(%arg12 : memref<128x128xf32, #tpu.memory_space<vmem>>) target(%dma_start3A_414 : memref<10240x128xf32, #tpu.memory_space<vmem_shared>>) offsets(%dma_start3A_411 : memref<128xi32, #tpu.memory_space<vmem>>) semaphore(%run_scoped3A_408 : memref<!tpu.dma_semaphore, #tpu.memory_space<semaphore_mem>>) {add = true}
          %dma_wait3A_415 = arith.constant 0 : i32
          %dma_wait3A_416 = tpu.memref_slice %arg11[%run_scoped3A_294, %dma_wait3A_415] : memref<8x128xi32, #tpu.memory_space<vmem>> -> memref<1x128xi32, #tpu.memory_space<vmem>>
          %dma_wait3A_417 = tpu.memref_squeeze %dma_wait3A_416 : memref<1x128xi32, #tpu.memory_space<vmem>> -> memref<128xi32, #tpu.memory_space<vmem>>
          %dma_wait3A_418 = arith.constant 0 : i32
          %dma_wait3A_419 = arith.constant 0 : i32
          %dma_wait3A_420 = tpu.memref_slice %arg13[%dma_wait3A_418, %dma_wait3A_419] : memref<10240x128xf32, #tpu.memory_space<vmem_shared>> -> memref<10240x128xf32, #tpu.memory_space<vmem_shared>>
          tpu.wait_indirect_dma semaphore(%run_scoped3A_408 : memref<!tpu.dma_semaphore, #tpu.memory_space<semaphore_mem>>) src(%arg12 : memref<128x128xf32, #tpu.memory_space<vmem>>) dst(%dma_wait3A_420 : memref<10240x128xf32, #tpu.memory_space<vmem_shared>>)
          tpu.yield
        }) : () -> ()
        %dma_start3A_295 = arith.constant 2 : i32
        %dma_start3A_296 = arith.constant 0 : i32
        %dma_start3A_297 = tpu.memref_slice %arg10[%dma_start3A_295, %dma_start3A_296] : memref<8x128xi32, #tpu.memory_space<vmem>> -> memref<1x128xi32, #tpu.memory_space<vmem>>
        %dma_start3A_298 = tpu.memref_squeeze %dma_start3A_297 : memref<1x128xi32, #tpu.memory_space<vmem>> -> memref<128xi32, #tpu.memory_space<vmem>>
        %dma_start3A_299 = arith.constant 0 : i32
        %dma_start3A_300 = arith.constant 0 : i32
        %dma_start3A_301 = tpu.memref_slice %arg2[%dma_start3A_299, %dma_start3A_300] : memref<10240x128xf32, #tpu.memory_space<hbm>> -> memref<10240x128xf32, #tpu.memory_space<hbm>>
        tpu.enqueue_indirect_dma source(%dma_start3A_301 : memref<10240x128xf32, #tpu.memory_space<hbm>>) target(%arg12 : memref<128x128xf32, #tpu.memory_space<vmem>>) offsets(%dma_start3A_298 : memref<128xi32, #tpu.memory_space<vmem>>) semaphore(%arg15 : memref<!tpu.dma_semaphore, #tpu.memory_space<semaphore_mem>>)
        %dma_wait3A_302 = arith.constant 2 : i32
        %dma_wait3A_303 = arith.constant 0 : i32
        %dma_wait3A_304 = tpu.memref_slice %arg10[%dma_wait3A_302, %dma_wait3A_303] : memref<8x128xi32, #tpu.memory_space<vmem>> -> memref<1x128xi32, #tpu.memory_space<vmem>>
        %dma_wait3A_305 = tpu.memref_squeeze %dma_wait3A_304 : memref<1x128xi32, #tpu.memory_space<vmem>> -> memref<128xi32, #tpu.memory_space<vmem>>
        %dma_wait3A_306 = arith.constant 0 : i32
        %dma_wait3A_307 = arith.constant 0 : i32
        %dma_wait3A_308 = tpu.memref_slice %arg2[%dma_wait3A_306, %dma_wait3A_307] : memref<10240x128xf32, #tpu.memory_space<hbm>> -> memref<10240x128xf32, #tpu.memory_space<hbm>>
        tpu.wait_indirect_dma semaphore(%arg15 : memref<!tpu.dma_semaphore, #tpu.memory_space<semaphore_mem>>) src(%dma_wait3A_308 : memref<10240x128xf32, #tpu.memory_space<hbm>>) dst(%arg12 : memref<128x128xf32, #tpu.memory_space<vmem>>)
        %run_scoped3A_309 = arith.constant 2 : i32
        "tpu.region"() ({
          %run_scoped3A_408 = tpu.sem_alloc : memref<!tpu.dma_semaphore, #tpu.memory_space<semaphore_mem>>
          %dma_start3A_409 = arith.constant 0 : i32
          %dma_start3A_410 = tpu.memref_slice %arg11[%run_scoped3A_309, %dma_start3A_409] : memref<8x128xi32, #tpu.memory_space<vmem>> -> memref<1x128xi32, #tpu.memory_space<vmem>>
          %dma_start3A_411 = tpu.memref_squeeze %dma_start3A_410 : memref<1x128xi32, #tpu.memory_space<vmem>> -> memref<128xi32, #tpu.memory_space<vmem>>
          %dma_start3A_412 = arith.constant 0 : i32
          %dma_start3A_413 = arith.constant 0 : i32
          %dma_start3A_414 = tpu.memref_slice %arg13[%dma_start3A_412, %dma_start3A_413] : memref<10240x128xf32, #tpu.memory_space<vmem_shared>> -> memref<10240x128xf32, #tpu.memory_space<vmem_shared>>
          tpu.enqueue_indirect_dma source(%arg12 : memref<128x128xf32, #tpu.memory_space<vmem>>) target(%dma_start3A_414 : memref<10240x128xf32, #tpu.memory_space<vmem_shared>>) offsets(%dma_start3A_411 : memref<128xi32, #tpu.memory_space<vmem>>) semaphore(%run_scoped3A_408 : memref<!tpu.dma_semaphore, #tpu.memory_space<semaphore_mem>>) {add = true}
          %dma_wait3A_415 = arith.constant 0 : i32
          %dma_wait3A_416 = tpu.memref_slice %arg11[%run_scoped3A_309, %dma_wait3A_415] : memref<8x128xi32, #tpu.memory_space<vmem>> -> memref<1x128xi32, #tpu.memory_space<vmem>>
          %dma_wait3A_417 = tpu.memref_squeeze %dma_wait3A_416 : memref<1x128xi32, #tpu.memory_space<vmem>> -> memref<128xi32, #tpu.memory_space<vmem>>
          %dma_wait3A_418 = arith.constant 0 : i32
          %dma_wait3A_419 = arith.constant 0 : i32
          %dma_wait3A_420 = tpu.memref_slice %arg13[%dma_wait3A_418, %dma_wait3A_419] : memref<10240x128xf32, #tpu.memory_space<vmem_shared>> -> memref<10240x128xf32, #tpu.memory_space<vmem_shared>>
          tpu.wait_indirect_dma semaphore(%run_scoped3A_408 : memref<!tpu.dma_semaphore, #tpu.memory_space<semaphore_mem>>) src(%arg12 : memref<128x128xf32, #tpu.memory_space<vmem>>) dst(%dma_wait3A_420 : memref<10240x128xf32, #tpu.memory_space<vmem_shared>>)
          tpu.yield
        }) : () -> ()
        %dma_start3A_310 = arith.constant 3 : i32
        %dma_start3A_311 = arith.constant 0 : i32
        %dma_start3A_312 = tpu.memref_slice %arg10[%dma_start3A_310, %dma_start3A_311] : memref<8x128xi32, #tpu.memory_space<vmem>> -> memref<1x128xi32, #tpu.memory_space<vmem>>
        %dma_start3A_313 = tpu.memref_squeeze %dma_start3A_312 : memref<1x128xi32, #tpu.memory_space<vmem>> -> memref<128xi32, #tpu.memory_space<vmem>>
        %dma_start3A_314 = arith.constant 0 : i32
        %dma_start3A_315 = arith.constant 0 : i32
        %dma_start3A_316 = tpu.memref_slice %arg2[%dma_start3A_314, %dma_start3A_315] : memref<10240x128xf32, #tpu.memory_space<hbm>> -> memref<10240x128xf32, #tpu.memory_space<hbm>>
        tpu.enqueue_indirect_dma source(%dma_start3A_316 : memref<10240x128xf32, #tpu.memory_space<hbm>>) target(%arg12 : memref<128x128xf32, #tpu.memory_space<vmem>>) offsets(%dma_start3A_313 : memref<128xi32, #tpu.memory_space<vmem>>) semaphore(%arg15 : memref<!tpu.dma_semaphore, #tpu.memory_space<semaphore_mem>>)
        %dma_wait3A_317 = arith.constant 3 : i32
        %dma_wait3A_318 = arith.constant 0 : i32
        %dma_wait3A_319 = tpu.memref_slice %arg10[%dma_wait3A_317, %dma_wait3A_318] : memref<8x128xi32, #tpu.memory_space<vmem>> -> memref<1x128xi32, #tpu.memory_space<vmem>>
        %dma_wait3A_320 = tpu.memref_squeeze %dma_wait3A_319 : memref<1x128xi32, #tpu.memory_space<vmem>> -> memref<128xi32, #tpu.memory_space<vmem>>
        %dma_wait3A_321 = arith.constant 0 : i32
        %dma_wait3A_322 = arith.constant 0 : i32
        %dma_wait3A_323 = tpu.memref_slice %arg2[%dma_wait3A_321, %dma_wait3A_322] : memref<10240x128xf32, #tpu.memory_space<hbm>> -> memref<10240x128xf32, #tpu.memory_space<hbm>>
        tpu.wait_indirect_dma semaphore(%arg15 : memref<!tpu.dma_semaphore, #tpu.memory_space<semaphore_mem>>) src(%dma_wait3A_323 : memref<10240x128xf32, #tpu.memory_space<hbm>>) dst(%arg12 : memref<128x128xf32, #tpu.memory_space<vmem>>)
        %run_scoped3A_324 = arith.constant 3 : i32
        "tpu.region"() ({
          %run_scoped3A_408 = tpu.sem_alloc : memref<!tpu.dma_semaphore, #tpu.memory_space<semaphore_mem>>
          %dma_start3A_409 = arith.constant 0 : i32
          %dma_start3A_410 = tpu.memref_slice %arg11[%run_scoped3A_324, %dma_start3A_409] : memref<8x128xi32, #tpu.memory_space<vmem>> -> memref<1x128xi32, #tpu.memory_space<vmem>>
          %dma_start3A_411 = tpu.memref_squeeze %dma_start3A_410 : memref<1x128xi32, #tpu.memory_space<vmem>> -> memref<128xi32, #tpu.memory_space<vmem>>
          %dma_start3A_412 = arith.constant 0 : i32
          %dma_start3A_413 = arith.constant 0 : i32
          %dma_start3A_414 = tpu.memref_slice %arg13[%dma_start3A_412, %dma_start3A_413] : memref<10240x128xf32, #tpu.memory_space<vmem_shared>> -> memref<10240x128xf32, #tpu.memory_space<vmem_shared>>
          tpu.enqueue_indirect_dma source(%arg12 : memref<128x128xf32, #tpu.memory_space<vmem>>) target(%dma_start3A_414 : memref<10240x128xf32, #tpu.memory_space<vmem_shared>>) offsets(%dma_start3A_411 : memref<128xi32, #tpu.memory_space<vmem>>) semaphore(%run_scoped3A_408 : memref<!tpu.dma_semaphore, #tpu.memory_space<semaphore_mem>>) {add = true}
          %dma_wait3A_415 = arith.constant 0 : i32
          %dma_wait3A_416 = tpu.memref_slice %arg11[%run_scoped3A_324, %dma_wait3A_415] : memref<8x128xi32, #tpu.memory_space<vmem>> -> memref<1x128xi32, #tpu.memory_space<vmem>>
          %dma_wait3A_417 = tpu.memref_squeeze %dma_wait3A_416 : memref<1x128xi32, #tpu.memory_space<vmem>> -> memref<128xi32, #tpu.memory_space<vmem>>
          %dma_wait3A_418 = arith.constant 0 : i32
          %dma_wait3A_419 = arith.constant 0 : i32
          %dma_wait3A_420 = tpu.memref_slice %arg13[%dma_wait3A_418, %dma_wait3A_419] : memref<10240x128xf32, #tpu.memory_space<vmem_shared>> -> memref<10240x128xf32, #tpu.memory_space<vmem_shared>>
          tpu.wait_indirect_dma semaphore(%run_scoped3A_408 : memref<!tpu.dma_semaphore, #tpu.memory_space<semaphore_mem>>) src(%arg12 : memref<128x128xf32, #tpu.memory_space<vmem>>) dst(%dma_wait3A_420 : memref<10240x128xf32, #tpu.memory_space<vmem_shared>>)
          tpu.yield
        }) : () -> ()
        %dma_start3A_325 = arith.constant 4 : i32
        %dma_start3A_326 = arith.constant 0 : i32
        %dma_start3A_327 = tpu.memref_slice %arg10[%dma_start3A_325, %dma_start3A_326] : memref<8x128xi32, #tpu.memory_space<vmem>> -> memref<1x128xi32, #tpu.memory_space<vmem>>
        %dma_start3A_328 = tpu.memref_squeeze %dma_start3A_327 : memref<1x128xi32, #tpu.memory_space<vmem>> -> memref<128xi32, #tpu.memory_space<vmem>>
        %dma_start3A_329 = arith.constant 0 : i32
        %dma_start3A_330 = arith.constant 0 : i32
        %dma_start3A_331 = tpu.memref_slice %arg2[%dma_start3A_329, %dma_start3A_330] : memref<10240x128xf32, #tpu.memory_space<hbm>> -> memref<10240x128xf32, #tpu.memory_space<hbm>>
        tpu.enqueue_indirect_dma source(%dma_start3A_331 : memref<10240x128xf32, #tpu.memory_space<hbm>>) target(%arg12 : memref<128x128xf32, #tpu.memory_space<vmem>>) offsets(%dma_start3A_328 : memref<128xi32, #tpu.memory_space<vmem>>) semaphore(%arg15 : memref<!tpu.dma_semaphore, #tpu.memory_space<semaphore_mem>>)
        %dma_wait3A_332 = arith.constant 4 : i32
        %dma_wait3A_333 = arith.constant 0 : i32
        %dma_wait3A_334 = tpu.memref_slice %arg10[%dma_wait3A_332, %dma_wait3A_333] : memref<8x128xi32, #tpu.memory_space<vmem>> -> memref<1x128xi32, #tpu.memory_space<vmem>>
        %dma_wait3A_335 = tpu.memref_squeeze %dma_wait3A_334 : memref<1x128xi32, #tpu.memory_space<vmem>> -> memref<128xi32, #tpu.memory_space<vmem>>
        %dma_wait3A_336 = arith.constant 0 : i32
        %dma_wait3A_337 = arith.constant 0 : i32
        %dma_wait3A_338 = tpu.memref_slice %arg2[%dma_wait3A_336, %dma_wait3A_337] : memref<10240x128xf32, #tpu.memory_space<hbm>> -> memref<10240x128xf32, #tpu.memory_space<hbm>>
        tpu.wait_indirect_dma semaphore(%arg15 : memref<!tpu.dma_semaphore, #tpu.memory_space<semaphore_mem>>) src(%dma_wait3A_338 : memref<10240x128xf32, #tpu.memory_space<hbm>>) dst(%arg12 : memref<128x128xf32, #tpu.memory_space<vmem>>)
        %run_scoped3A_339 = arith.constant 4 : i32
        "tpu.region"() ({
          %run_scoped3A_408 = tpu.sem_alloc : memref<!tpu.dma_semaphore, #tpu.memory_space<semaphore_mem>>
          %dma_start3A_409 = arith.constant 0 : i32
          %dma_start3A_410 = tpu.memref_slice %arg11[%run_scoped3A_339, %dma_start3A_409] : memref<8x128xi32, #tpu.memory_space<vmem>> -> memref<1x128xi32, #tpu.memory_space<vmem>>
          %dma_start3A_411 = tpu.memref_squeeze %dma_start3A_410 : memref<1x128xi32, #tpu.memory_space<vmem>> -> memref<128xi32, #tpu.memory_space<vmem>>
          %dma_start3A_412 = arith.constant 0 : i32
          %dma_start3A_413 = arith.constant 0 : i32
          %dma_start3A_414 = tpu.memref_slice %arg13[%dma_start3A_412, %dma_start3A_413] : memref<10240x128xf32, #tpu.memory_space<vmem_shared>> -> memref<10240x128xf32, #tpu.memory_space<vmem_shared>>
          tpu.enqueue_indirect_dma source(%arg12 : memref<128x128xf32, #tpu.memory_space<vmem>>) target(%dma_start3A_414 : memref<10240x128xf32, #tpu.memory_space<vmem_shared>>) offsets(%dma_start3A_411 : memref<128xi32, #tpu.memory_space<vmem>>) semaphore(%run_scoped3A_408 : memref<!tpu.dma_semaphore, #tpu.memory_space<semaphore_mem>>) {add = true}
          %dma_wait3A_415 = arith.constant 0 : i32
          %dma_wait3A_416 = tpu.memref_slice %arg11[%run_scoped3A_339, %dma_wait3A_415] : memref<8x128xi32, #tpu.memory_space<vmem>> -> memref<1x128xi32, #tpu.memory_space<vmem>>
          %dma_wait3A_417 = tpu.memref_squeeze %dma_wait3A_416 : memref<1x128xi32, #tpu.memory_space<vmem>> -> memref<128xi32, #tpu.memory_space<vmem>>
          %dma_wait3A_418 = arith.constant 0 : i32
          %dma_wait3A_419 = arith.constant 0 : i32
          %dma_wait3A_420 = tpu.memref_slice %arg13[%dma_wait3A_418, %dma_wait3A_419] : memref<10240x128xf32, #tpu.memory_space<vmem_shared>> -> memref<10240x128xf32, #tpu.memory_space<vmem_shared>>
          tpu.wait_indirect_dma semaphore(%run_scoped3A_408 : memref<!tpu.dma_semaphore, #tpu.memory_space<semaphore_mem>>) src(%arg12 : memref<128x128xf32, #tpu.memory_space<vmem>>) dst(%dma_wait3A_420 : memref<10240x128xf32, #tpu.memory_space<vmem_shared>>)
          tpu.yield
        }) : () -> ()
        %dma_start3A_340 = arith.constant 5 : i32
        %dma_start3A_341 = arith.constant 0 : i32
        %dma_start3A_342 = tpu.memref_slice %arg10[%dma_start3A_340, %dma_start3A_341] : memref<8x128xi32, #tpu.memory_space<vmem>> -> memref<1x128xi32, #tpu.memory_space<vmem>>
        %dma_start3A_343 = tpu.memref_squeeze %dma_start3A_342 : memref<1x128xi32, #tpu.memory_space<vmem>> -> memref<128xi32, #tpu.memory_space<vmem>>
        %dma_start3A_344 = arith.constant 0 : i32
        %dma_start3A_345 = arith.constant 0 : i32
        %dma_start3A_346 = tpu.memref_slice %arg2[%dma_start3A_344, %dma_start3A_345] : memref<10240x128xf32, #tpu.memory_space<hbm>> -> memref<10240x128xf32, #tpu.memory_space<hbm>>
        tpu.enqueue_indirect_dma source(%dma_start3A_346 : memref<10240x128xf32, #tpu.memory_space<hbm>>) target(%arg12 : memref<128x128xf32, #tpu.memory_space<vmem>>) offsets(%dma_start3A_343 : memref<128xi32, #tpu.memory_space<vmem>>) semaphore(%arg15 : memref<!tpu.dma_semaphore, #tpu.memory_space<semaphore_mem>>)
        %dma_wait3A_347 = arith.constant 5 : i32
        %dma_wait3A_348 = arith.constant 0 : i32
        %dma_wait3A_349 = tpu.memref_slice %arg10[%dma_wait3A_347, %dma_wait3A_348] : memref<8x128xi32, #tpu.memory_space<vmem>> -> memref<1x128xi32, #tpu.memory_space<vmem>>
        %dma_wait3A_350 = tpu.memref_squeeze %dma_wait3A_349 : memref<1x128xi32, #tpu.memory_space<vmem>> -> memref<128xi32, #tpu.memory_space<vmem>>
        %dma_wait3A_351 = arith.constant 0 : i32
        %dma_wait3A_352 = arith.constant 0 : i32
        %dma_wait3A_353 = tpu.memref_slice %arg2[%dma_wait3A_351, %dma_wait3A_352] : memref<10240x128xf32, #tpu.memory_space<hbm>> -> memref<10240x128xf32, #tpu.memory_space<hbm>>
        tpu.wait_indirect_dma semaphore(%arg15 : memref<!tpu.dma_semaphore, #tpu.memory_space<semaphore_mem>>) src(%dma_wait3A_353 : memref<10240x128xf32, #tpu.memory_space<hbm>>) dst(%arg12 : memref<128x128xf32, #tpu.memory_space<vmem>>)
        %run_scoped3A_354 = arith.constant 5 : i32
        "tpu.region"() ({
          %run_scoped3A_408 = tpu.sem_alloc : memref<!tpu.dma_semaphore, #tpu.memory_space<semaphore_mem>>
          %dma_start3A_409 = arith.constant 0 : i32
          %dma_start3A_410 = tpu.memref_slice %arg11[%run_scoped3A_354, %dma_start3A_409] : memref<8x128xi32, #tpu.memory_space<vmem>> -> memref<1x128xi32, #tpu.memory_space<vmem>>
          %dma_start3A_411 = tpu.memref_squeeze %dma_start3A_410 : memref<1x128xi32, #tpu.memory_space<vmem>> -> memref<128xi32, #tpu.memory_space<vmem>>
          %dma_start3A_412 = arith.constant 0 : i32
          %dma_start3A_413 = arith.constant 0 : i32
          %dma_start3A_414 = tpu.memref_slice %arg13[%dma_start3A_412, %dma_start3A_413] : memref<10240x128xf32, #tpu.memory_space<vmem_shared>> -> memref<10240x128xf32, #tpu.memory_space<vmem_shared>>
          tpu.enqueue_indirect_dma source(%arg12 : memref<128x128xf32, #tpu.memory_space<vmem>>) target(%dma_start3A_414 : memref<10240x128xf32, #tpu.memory_space<vmem_shared>>) offsets(%dma_start3A_411 : memref<128xi32, #tpu.memory_space<vmem>>) semaphore(%run_scoped3A_408 : memref<!tpu.dma_semaphore, #tpu.memory_space<semaphore_mem>>) {add = true}
          %dma_wait3A_415 = arith.constant 0 : i32
          %dma_wait3A_416 = tpu.memref_slice %arg11[%run_scoped3A_354, %dma_wait3A_415] : memref<8x128xi32, #tpu.memory_space<vmem>> -> memref<1x128xi32, #tpu.memory_space<vmem>>
          %dma_wait3A_417 = tpu.memref_squeeze %dma_wait3A_416 : memref<1x128xi32, #tpu.memory_space<vmem>> -> memref<128xi32, #tpu.memory_space<vmem>>
          %dma_wait3A_418 = arith.constant 0 : i32
          %dma_wait3A_419 = arith.constant 0 : i32
          %dma_wait3A_420 = tpu.memref_slice %arg13[%dma_wait3A_418, %dma_wait3A_419] : memref<10240x128xf32, #tpu.memory_space<vmem_shared>> -> memref<10240x128xf32, #tpu.memory_space<vmem_shared>>
          tpu.wait_indirect_dma semaphore(%run_scoped3A_408 : memref<!tpu.dma_semaphore, #tpu.memory_space<semaphore_mem>>) src(%arg12 : memref<128x128xf32, #tpu.memory_space<vmem>>) dst(%dma_wait3A_420 : memref<10240x128xf32, #tpu.memory_space<vmem_shared>>)
          tpu.yield
        }) : () -> ()
        %dma_start3A_355 = arith.constant 6 : i32
        %dma_start3A_356 = arith.constant 0 : i32
        %dma_start3A_357 = tpu.memref_slice %arg10[%dma_start3A_355, %dma_start3A_356] : memref<8x128xi32, #tpu.memory_space<vmem>> -> memref<1x128xi32, #tpu.memory_space<vmem>>
        %dma_start3A_358 = tpu.memref_squeeze %dma_start3A_357 : memref<1x128xi32, #tpu.memory_space<vmem>> -> memref<128xi32, #tpu.memory_space<vmem>>
        %dma_start3A_359 = arith.constant 0 : i32
        %dma_start3A_360 = arith.constant 0 : i32
        %dma_start3A_361 = tpu.memref_slice %arg2[%dma_start3A_359, %dma_start3A_360] : memref<10240x128xf32, #tpu.memory_space<hbm>> -> memref<10240x128xf32, #tpu.memory_space<hbm>>
        tpu.enqueue_indirect_dma source(%dma_start3A_361 : memref<10240x128xf32, #tpu.memory_space<hbm>>) target(%arg12 : memref<128x128xf32, #tpu.memory_space<vmem>>) offsets(%dma_start3A_358 : memref<128xi32, #tpu.memory_space<vmem>>) semaphore(%arg15 : memref<!tpu.dma_semaphore, #tpu.memory_space<semaphore_mem>>)
        %dma_wait3A_362 = arith.constant 6 : i32
        %dma_wait3A_363 = arith.constant 0 : i32
        %dma_wait3A_364 = tpu.memref_slice %arg10[%dma_wait3A_362, %dma_wait3A_363] : memref<8x128xi32, #tpu.memory_space<vmem>> -> memref<1x128xi32, #tpu.memory_space<vmem>>
        %dma_wait3A_365 = tpu.memref_squeeze %dma_wait3A_364 : memref<1x128xi32, #tpu.memory_space<vmem>> -> memref<128xi32, #tpu.memory_space<vmem>>
        %dma_wait3A_366 = arith.constant 0 : i32
        %dma_wait3A_367 = arith.constant 0 : i32
        %dma_wait3A_368 = tpu.memref_slice %arg2[%dma_wait3A_366, %dma_wait3A_367] : memref<10240x128xf32, #tpu.memory_space<hbm>> -> memref<10240x128xf32, #tpu.memory_space<hbm>>
        tpu.wait_indirect_dma semaphore(%arg15 : memref<!tpu.dma_semaphore, #tpu.memory_space<semaphore_mem>>) src(%dma_wait3A_368 : memref<10240x128xf32, #tpu.memory_space<hbm>>) dst(%arg12 : memref<128x128xf32, #tpu.memory_space<vmem>>)
        %run_scoped3A_369 = arith.constant 6 : i32
        "tpu.region"() ({
          %run_scoped3A_408 = tpu.sem_alloc : memref<!tpu.dma_semaphore, #tpu.memory_space<semaphore_mem>>
          %dma_start3A_409 = arith.constant 0 : i32
          %dma_start3A_410 = tpu.memref_slice %arg11[%run_scoped3A_369, %dma_start3A_409] : memref<8x128xi32, #tpu.memory_space<vmem>> -> memref<1x128xi32, #tpu.memory_space<vmem>>
          %dma_start3A_411 = tpu.memref_squeeze %dma_start3A_410 : memref<1x128xi32, #tpu.memory_space<vmem>> -> memref<128xi32, #tpu.memory_space<vmem>>
          %dma_start3A_412 = arith.constant 0 : i32
          %dma_start3A_413 = arith.constant 0 : i32
          %dma_start3A_414 = tpu.memref_slice %arg13[%dma_start3A_412, %dma_start3A_413] : memref<10240x128xf32, #tpu.memory_space<vmem_shared>> -> memref<10240x128xf32, #tpu.memory_space<vmem_shared>>
          tpu.enqueue_indirect_dma source(%arg12 : memref<128x128xf32, #tpu.memory_space<vmem>>) target(%dma_start3A_414 : memref<10240x128xf32, #tpu.memory_space<vmem_shared>>) offsets(%dma_start3A_411 : memref<128xi32, #tpu.memory_space<vmem>>) semaphore(%run_scoped3A_408 : memref<!tpu.dma_semaphore, #tpu.memory_space<semaphore_mem>>) {add = true}
          %dma_wait3A_415 = arith.constant 0 : i32
          %dma_wait3A_416 = tpu.memref_slice %arg11[%run_scoped3A_369, %dma_wait3A_415] : memref<8x128xi32, #tpu.memory_space<vmem>> -> memref<1x128xi32, #tpu.memory_space<vmem>>
          %dma_wait3A_417 = tpu.memref_squeeze %dma_wait3A_416 : memref<1x128xi32, #tpu.memory_space<vmem>> -> memref<128xi32, #tpu.memory_space<vmem>>
          %dma_wait3A_418 = arith.constant 0 : i32
          %dma_wait3A_419 = arith.constant 0 : i32
          %dma_wait3A_420 = tpu.memref_slice %arg13[%dma_wait3A_418, %dma_wait3A_419] : memref<10240x128xf32, #tpu.memory_space<vmem_shared>> -> memref<10240x128xf32, #tpu.memory_space<vmem_shared>>
          tpu.wait_indirect_dma semaphore(%run_scoped3A_408 : memref<!tpu.dma_semaphore, #tpu.memory_space<semaphore_mem>>) src(%arg12 : memref<128x128xf32, #tpu.memory_space<vmem>>) dst(%dma_wait3A_420 : memref<10240x128xf32, #tpu.memory_space<vmem_shared>>)
          tpu.yield
        }) : () -> ()
        %dma_start3A_370 = arith.constant 7 : i32
        %dma_start3A_371 = arith.constant 0 : i32
        %dma_start3A_372 = tpu.memref_slice %arg10[%dma_start3A_370, %dma_start3A_371] : memref<8x128xi32, #tpu.memory_space<vmem>> -> memref<1x128xi32, #tpu.memory_space<vmem>>
        %dma_start3A_373 = tpu.memref_squeeze %dma_start3A_372 : memref<1x128xi32, #tpu.memory_space<vmem>> -> memref<128xi32, #tpu.memory_space<vmem>>
        %dma_start3A_374 = arith.constant 0 : i32
        %dma_start3A_375 = arith.constant 0 : i32
        %dma_start3A_376 = tpu.memref_slice %arg2[%dma_start3A_374, %dma_start3A_375] : memref<10240x128xf32, #tpu.memory_space<hbm>> -> memref<10240x128xf32, #tpu.memory_space<hbm>>
        tpu.enqueue_indirect_dma source(%dma_start3A_376 : memref<10240x128xf32, #tpu.memory_space<hbm>>) target(%arg12 : memref<128x128xf32, #tpu.memory_space<vmem>>) offsets(%dma_start3A_373 : memref<128xi32, #tpu.memory_space<vmem>>) semaphore(%arg15 : memref<!tpu.dma_semaphore, #tpu.memory_space<semaphore_mem>>)
        %dma_wait3A_377 = arith.constant 7 : i32
        %dma_wait3A_378 = arith.constant 0 : i32
        %dma_wait3A_379 = tpu.memref_slice %arg10[%dma_wait3A_377, %dma_wait3A_378] : memref<8x128xi32, #tpu.memory_space<vmem>> -> memref<1x128xi32, #tpu.memory_space<vmem>>
        %dma_wait3A_380 = tpu.memref_squeeze %dma_wait3A_379 : memref<1x128xi32, #tpu.memory_space<vmem>> -> memref<128xi32, #tpu.memory_space<vmem>>
        %dma_wait3A_381 = arith.constant 0 : i32
        %dma_wait3A_382 = arith.constant 0 : i32
        %dma_wait3A_383 = tpu.memref_slice %arg2[%dma_wait3A_381, %dma_wait3A_382] : memref<10240x128xf32, #tpu.memory_space<hbm>> -> memref<10240x128xf32, #tpu.memory_space<hbm>>
        tpu.wait_indirect_dma semaphore(%arg15 : memref<!tpu.dma_semaphore, #tpu.memory_space<semaphore_mem>>) src(%dma_wait3A_383 : memref<10240x128xf32, #tpu.memory_space<hbm>>) dst(%arg12 : memref<128x128xf32, #tpu.memory_space<vmem>>)
        %run_scoped3A_384 = arith.constant 7 : i32
        "tpu.region"() ({
          %run_scoped3A_408 = tpu.sem_alloc : memref<!tpu.dma_semaphore, #tpu.memory_space<semaphore_mem>>
          %dma_start3A_409 = arith.constant 0 : i32
          %dma_start3A_410 = tpu.memref_slice %arg11[%run_scoped3A_384, %dma_start3A_409] : memref<8x128xi32, #tpu.memory_space<vmem>> -> memref<1x128xi32, #tpu.memory_space<vmem>>
          %dma_start3A_411 = tpu.memref_squeeze %dma_start3A_410 : memref<1x128xi32, #tpu.memory_space<vmem>> -> memref<128xi32, #tpu.memory_space<vmem>>
          %dma_start3A_412 = arith.constant 0 : i32
          %dma_start3A_413 = arith.constant 0 : i32
          %dma_start3A_414 = tpu.memref_slice %arg13[%dma_start3A_412, %dma_start3A_413] : memref<10240x128xf32, #tpu.memory_space<vmem_shared>> -> memref<10240x128xf32, #tpu.memory_space<vmem_shared>>
          tpu.enqueue_indirect_dma source(%arg12 : memref<128x128xf32, #tpu.memory_space<vmem>>) target(%dma_start3A_414 : memref<10240x128xf32, #tpu.memory_space<vmem_shared>>) offsets(%dma_start3A_411 : memref<128xi32, #tpu.memory_space<vmem>>) semaphore(%run_scoped3A_408 : memref<!tpu.dma_semaphore, #tpu.memory_space<semaphore_mem>>) {add = true}
          %dma_wait3A_415 = arith.constant 0 : i32
          %dma_wait3A_416 = tpu.memref_slice %arg11[%run_scoped3A_384, %dma_wait3A_415] : memref<8x128xi32, #tpu.memory_space<vmem>> -> memref<1x128xi32, #tpu.memory_space<vmem>>
          %dma_wait3A_417 = tpu.memref_squeeze %dma_wait3A_416 : memref<1x128xi32, #tpu.memory_space<vmem>> -> memref<128xi32, #tpu.memory_space<vmem>>
          %dma_wait3A_418 = arith.constant 0 : i32
          %dma_wait3A_419 = arith.constant 0 : i32
          %dma_wait3A_420 = tpu.memref_slice %arg13[%dma_wait3A_418, %dma_wait3A_419] : memref<10240x128xf32, #tpu.memory_space<vmem_shared>> -> memref<10240x128xf32, #tpu.memory_space<vmem_shared>>
          tpu.wait_indirect_dma semaphore(%run_scoped3A_408 : memref<!tpu.dma_semaphore, #tpu.memory_space<semaphore_mem>>) src(%arg12 : memref<128x128xf32, #tpu.memory_space<vmem>>) dst(%dma_wait3A_420 : memref<10240x128xf32, #tpu.memory_space<vmem_shared>>)
          tpu.yield
        }) : () -> ()
        %mul3A_385 = arith.constant 2 : i32
        %mul3A_386 = arith.muli %mul3A_385, %add3A_86 : i32
        %add3A_387 = arith.constant 3 : i32
        %add3A_388 = arith.addi %mul3A_386, %add3A_387 : i32
        %mul3A_389 = arith.constant 16 : i32
        %mul3A_390 = arith.muli %add3A_388, %mul3A_389 : i32
        %add3A_391 = arith.addi %mul3A_390, %arg1 : i32
        %mul3A_392 = arith.constant 8 : i32
        %mul3A_393 = arith.muli %add3A_391, %mul3A_392 : i32
        %dma_start3A_394 = arith.constant 1 : i32
        %dma_start3A_395 = arith.constant 0 : i32
        %dma_start3A_396 = tpu.memref_slice %arg4[%mul3A_393, %dma_start3A_395] : memref<1536x128xi32, #tpu.memory_space<hbm>> -> memref<8x128xi32, #tpu.memory_space<hbm>>
        %dma_start3A_397 = tpu.memref_slice %arg14[%dma_start3A_394] : memref<2x!tpu.dma_semaphore, #tpu.memory_space<semaphore_mem>> -> memref<1x!tpu.dma_semaphore, #tpu.memory_space<semaphore_mem>>
        %dma_start3A_398 = tpu.memref_squeeze %dma_start3A_397 : memref<1x!tpu.dma_semaphore, #tpu.memory_space<semaphore_mem>> -> memref<!tpu.dma_semaphore, #tpu.memory_space<semaphore_mem>>
        %dma_start3A_399 = arith.constant 0 : i32
        %dma_start3A_400 = tpu.memref_slice %arg4[%mul3A_393, %dma_start3A_399] : memref<1536x128xi32, #tpu.memory_space<hbm>> -> memref<8x128xi32, #tpu.memory_space<hbm>>
        tpu.enqueue_dma source(%dma_start3A_400 : memref<8x128xi32, #tpu.memory_space<hbm>>) target(%arg10 : memref<8x128xi32, #tpu.memory_space<vmem>>) target_semaphore(%dma_start3A_398 : memref<!tpu.dma_semaphore, #tpu.memory_space<semaphore_mem>>)
        %dma_start3A_401 = arith.constant 1 : i32
        %dma_start3A_402 = arith.constant 0 : i32
        %dma_start3A_403 = tpu.memref_slice %arg5[%mul3A_393, %dma_start3A_402] : memref<1536x128xi32, #tpu.memory_space<hbm>> -> memref<8x128xi32, #tpu.memory_space<hbm>>
        %dma_start3A_404 = tpu.memref_slice %arg14[%dma_start3A_401] : memref<2x!tpu.dma_semaphore, #tpu.memory_space<semaphore_mem>> -> memref<1x!tpu.dma_semaphore, #tpu.memory_space<semaphore_mem>>
        %dma_start3A_405 = tpu.memref_squeeze %dma_start3A_404 : memref<1x!tpu.dma_semaphore, #tpu.memory_space<semaphore_mem>> -> memref<!tpu.dma_semaphore, #tpu.memory_space<semaphore_mem>>
        %dma_start3A_406 = arith.constant 0 : i32
        %dma_start3A_407 = tpu.memref_slice %arg5[%mul3A_393, %dma_start3A_406] : memref<1536x128xi32, #tpu.memory_space<hbm>> -> memref<8x128xi32, #tpu.memory_space<hbm>>
        tpu.enqueue_dma source(%dma_start3A_407 : memref<8x128xi32, #tpu.memory_space<hbm>>) target(%arg11 : memref<8x128xi32, #tpu.memory_space<vmem>>) target_semaphore(%dma_start3A_405 : memref<!tpu.dma_semaphore, #tpu.memory_space<semaphore_mem>>)
      }
      %scan3A_46 = arith.constant 5 : i32
      %dma_wait3A = arith.constant 0 : i32
      %dma_wait3A_47 = arith.constant 0 : i32
      %dma_wait3A_48 = arith.constant 0 : i32
      %dma_wait3A_49 = tpu.memref_slice %arg4[%dma_wait3A_47, %dma_wait3A_48] : memref<1536x128xi32, #tpu.memory_space<hbm>> -> memref<8x128xi32, #tpu.memory_space<hbm>>
      %dma_wait3A_50 = tpu.memref_slice %arg14[%dma_wait3A] : memref<2x!tpu.dma_semaphore, #tpu.memory_space<semaphore_mem>> -> memref<1x!tpu.dma_semaphore, #tpu.memory_space<semaphore_mem>>
      %dma_wait3A_51 = tpu.memref_squeeze %dma_wait3A_50 : memref<1x!tpu.dma_semaphore, #tpu.memory_space<semaphore_mem>> -> memref<!tpu.dma_semaphore, #tpu.memory_space<semaphore_mem>>
      %dma_wait3A_52 = arith.constant 0 : i32
      %dma_wait3A_53 = arith.constant 0 : i32
      %dma_wait3A_54 = tpu.memref_slice %arg4[%dma_wait3A_52, %dma_wait3A_53] : memref<1536x128xi32, #tpu.memory_space<hbm>> -> memref<8x128xi32, #tpu.memory_space<hbm>>
      tpu.wait_dma2 semaphore(%dma_wait3A_51 : memref<!tpu.dma_semaphore, #tpu.memory_space<semaphore_mem>>) src(%dma_wait3A_54 : memref<8x128xi32, #tpu.memory_space<hbm>>) dst(%arg8 : memref<8x128xi32, #tpu.memory_space<vmem>>)
      %dma_wait3A_55 = arith.constant 0 : i32
      %dma_wait3A_56 = arith.constant 0 : i32
      %dma_wait3A_57 = arith.constant 0 : i32
      %dma_wait3A_58 = tpu.memref_slice %arg5[%dma_wait3A_56, %dma_wait3A_57] : memref<1536x128xi32, #tpu.memory_space<hbm>> -> memref<8x128xi32, #tpu.memory_space<hbm>>
      %dma_wait3A_59 = tpu.memref_slice %arg14[%dma_wait3A_55] : memref<2x!tpu.dma_semaphore, #tpu.memory_space<semaphore_mem>> -> memref<1x!tpu.dma_semaphore, #tpu.memory_space<semaphore_mem>>
      %dma_wait3A_60 = tpu.memref_squeeze %dma_wait3A_59 : memref<1x!tpu.dma_semaphore, #tpu.memory_space<semaphore_mem>> -> memref<!tpu.dma_semaphore, #tpu.memory_space<semaphore_mem>>
      %dma_wait3A_61 = arith.constant 0 : i32
      %dma_wait3A_62 = arith.constant 0 : i32
      %dma_wait3A_63 = tpu.memref_slice %arg5[%dma_wait3A_61, %dma_wait3A_62] : memref<1536x128xi32, #tpu.memory_space<hbm>> -> memref<8x128xi32, #tpu.memory_space<hbm>>
      tpu.wait_dma2 semaphore(%dma_wait3A_60 : memref<!tpu.dma_semaphore, #tpu.memory_space<semaphore_mem>>) src(%dma_wait3A_63 : memref<8x128xi32, #tpu.memory_space<hbm>>) dst(%arg9 : memref<8x128xi32, #tpu.memory_space<vmem>>)
      %dma_wait3A_64 = arith.constant 1 : i32
      %dma_wait3A_65 = arith.constant 0 : i32
      %dma_wait3A_66 = arith.constant 0 : i32
      %dma_wait3A_67 = tpu.memref_slice %arg4[%dma_wait3A_65, %dma_wait3A_66] : memref<1536x128xi32, #tpu.memory_space<hbm>> -> memref<8x128xi32, #tpu.memory_space<hbm>>
      %dma_wait3A_68 = tpu.memref_slice %arg14[%dma_wait3A_64] : memref<2x!tpu.dma_semaphore, #tpu.memory_space<semaphore_mem>> -> memref<1x!tpu.dma_semaphore, #tpu.memory_space<semaphore_mem>>
      %dma_wait3A_69 = tpu.memref_squeeze %dma_wait3A_68 : memref<1x!tpu.dma_semaphore, #tpu.memory_space<semaphore_mem>> -> memref<!tpu.dma_semaphore, #tpu.memory_space<semaphore_mem>>
      %dma_wait3A_70 = arith.constant 0 : i32
      %dma_wait3A_71 = arith.constant 0 : i32
      %dma_wait3A_72 = tpu.memref_slice %arg4[%dma_wait3A_70, %dma_wait3A_71] : memref<1536x128xi32, #tpu.memory_space<hbm>> -> memref<8x128xi32, #tpu.memory_space<hbm>>
      tpu.wait_dma2 semaphore(%dma_wait3A_69 : memref<!tpu.dma_semaphore, #tpu.memory_space<semaphore_mem>>) src(%dma_wait3A_72 : memref<8x128xi32, #tpu.memory_space<hbm>>) dst(%arg10 : memref<8x128xi32, #tpu.memory_space<vmem>>)
      %dma_wait3A_73 = arith.constant 1 : i32
      %dma_wait3A_74 = arith.constant 0 : i32
      %dma_wait3A_75 = arith.constant 0 : i32
      %dma_wait3A_76 = tpu.memref_slice %arg5[%dma_wait3A_74, %dma_wait3A_75] : memref<1536x128xi32, #tpu.memory_space<hbm>> -> memref<8x128xi32, #tpu.memory_space<hbm>>
      %dma_wait3A_77 = tpu.memref_slice %arg14[%dma_wait3A_73] : memref<2x!tpu.dma_semaphore, #tpu.memory_space<semaphore_mem>> -> memref<1x!tpu.dma_semaphore, #tpu.memory_space<semaphore_mem>>
      %dma_wait3A_78 = tpu.memref_squeeze %dma_wait3A_77 : memref<1x!tpu.dma_semaphore, #tpu.memory_space<semaphore_mem>> -> memref<!tpu.dma_semaphore, #tpu.memory_space<semaphore_mem>>
      %dma_wait3A_79 = arith.constant 0 : i32
      %dma_wait3A_80 = arith.constant 0 : i32
      %dma_wait3A_81 = tpu.memref_slice %arg5[%dma_wait3A_79, %dma_wait3A_80] : memref<1536x128xi32, #tpu.memory_space<hbm>> -> memref<8x128xi32, #tpu.memory_space<hbm>>
      tpu.wait_dma2 semaphore(%dma_wait3A_78 : memref<!tpu.dma_semaphore, #tpu.memory_space<semaphore_mem>>) src(%dma_wait3A_81 : memref<8x128xi32, #tpu.memory_space<hbm>>) dst(%arg11 : memref<8x128xi32, #tpu.memory_space<vmem>>)
    } else {
    }
    %eq3A_3 = arith.constant 1 : i32
    %eq3A_4 = arith.cmpi eq, %arg0, %eq3A_3 : i32
    %convert_element_type3A_5 = arith.extui %eq3A_4 : i1 to i32
    %cond3A_6 = arith.constant 0 : i32
    %cond3A_7 = arith.cmpi ne, %convert_element_type3A_5, %cond3A_6 : i32
    scf.if %cond3A_7 {
      %add3A = arith.constant 0 : i32
      %add3A_9 = arith.addi %add3A, %arg1 : i32
      %mul3A_10 = arith.constant 8 : i32
      %mul3A_11 = arith.muli %add3A_9, %mul3A_10 : i32
      %dma_start3A = arith.constant 0 : i32
      %dma_start3A_12 = arith.constant 0 : i32
      %dma_start3A_13 = tpu.memref_slice %arg4[%mul3A_11, %dma_start3A_12] : memref<1536x128xi32, #tpu.memory_space<hbm>> -> memref<8x128xi32, #tpu.memory_space<hbm>>
      %dma_start3A_14 = tpu.memref_slice %arg14[%dma_start3A] : memref<2x!tpu.dma_semaphore, #tpu.memory_space<semaphore_mem>> -> memref<1x!tpu.dma_semaphore, #tpu.memory_space<semaphore_mem>>
      %dma_start3A_15 = tpu.memref_squeeze %dma_start3A_14 : memref<1x!tpu.dma_semaphore, #tpu.memory_space<semaphore_mem>> -> memref<!tpu.dma_semaphore, #tpu.memory_space<semaphore_mem>>
      %dma_start3A_16 = arith.constant 0 : i32
      %dma_start3A_17 = tpu.memref_slice %arg4[%mul3A_11, %dma_start3A_16] : memref<1536x128xi32, #tpu.memory_space<hbm>> -> memref<8x128xi32, #tpu.memory_space<hbm>>
      tpu.enqueue_dma source(%dma_start3A_17 : memref<8x128xi32, #tpu.memory_space<hbm>>) target(%arg8 : memref<8x128xi32, #tpu.memory_space<vmem>>) target_semaphore(%dma_start3A_15 : memref<!tpu.dma_semaphore, #tpu.memory_space<semaphore_mem>>)
      %dma_start3A_18 = arith.constant 0 : i32
      %dma_start3A_19 = arith.constant 0 : i32
      %dma_start3A_20 = tpu.memref_slice %arg5[%mul3A_11, %dma_start3A_19] : memref<1536x128xi32, #tpu.memory_space<hbm>> -> memref<8x128xi32, #tpu.memory_space<hbm>>
      %dma_start3A_21 = tpu.memref_slice %arg14[%dma_start3A_18] : memref<2x!tpu.dma_semaphore, #tpu.memory_space<semaphore_mem>> -> memref<1x!tpu.dma_semaphore, #tpu.memory_space<semaphore_mem>>
      %dma_start3A_22 = tpu.memref_squeeze %dma_start3A_21 : memref<1x!tpu.dma_semaphore, #tpu.memory_space<semaphore_mem>> -> memref<!tpu.dma_semaphore, #tpu.memory_space<semaphore_mem>>
      %dma_start3A_23 = arith.constant 0 : i32
      %dma_start3A_24 = tpu.memref_slice %arg5[%mul3A_11, %dma_start3A_23] : memref<1536x128xi32, #tpu.memory_space<hbm>> -> memref<8x128xi32, #tpu.memory_space<hbm>>
      tpu.enqueue_dma source(%dma_start3A_24 : memref<8x128xi32, #tpu.memory_space<hbm>>) target(%arg9 : memref<8x128xi32, #tpu.memory_space<vmem>>) target_semaphore(%dma_start3A_22 : memref<!tpu.dma_semaphore, #tpu.memory_space<semaphore_mem>>)
      %add3A_25 = arith.constant 16 : i32
      %add3A_26 = arith.addi %add3A_25, %arg1 : i32
      %mul3A_27 = arith.constant 8 : i32
      %mul3A_28 = arith.muli %add3A_26, %mul3A_27 : i32
      %dma_start3A_29 = arith.constant 1 : i32
      %dma_start3A_30 = arith.constant 0 : i32
      %dma_start3A_31 = tpu.memref_slice %arg4[%mul3A_28, %dma_start3A_30] : memref<1536x128xi32, #tpu.memory_space<hbm>> -> memref<8x128xi32, #tpu.memory_space<hbm>>
      %dma_start3A_32 = tpu.memref_slice %arg14[%dma_start3A_29] : memref<2x!tpu.dma_semaphore, #tpu.memory_space<semaphore_mem>> -> memref<1x!tpu.dma_semaphore, #tpu.memory_space<semaphore_mem>>
      %dma_start3A_33 = tpu.memref_squeeze %dma_start3A_32 : memref<1x!tpu.dma_semaphore, #tpu.memory_space<semaphore_mem>> -> memref<!tpu.dma_semaphore, #tpu.memory_space<semaphore_mem>>
      %dma_start3A_34 = arith.constant 0 : i32
      %dma_start3A_35 = tpu.memref_slice %arg4[%mul3A_28, %dma_start3A_34] : memref<1536x128xi32, #tpu.memory_space<hbm>> -> memref<8x128xi32, #tpu.memory_space<hbm>>
      tpu.enqueue_dma source(%dma_start3A_35 : memref<8x128xi32, #tpu.memory_space<hbm>>) target(%arg10 : memref<8x128xi32, #tpu.memory_space<vmem>>) target_semaphore(%dma_start3A_33 : memref<!tpu.dma_semaphore, #tpu.memory_space<semaphore_mem>>)
      %dma_start3A_36 = arith.constant 1 : i32
      %dma_start3A_37 = arith.constant 0 : i32
      %dma_start3A_38 = tpu.memref_slice %arg5[%mul3A_28, %dma_start3A_37] : memref<1536x128xi32, #tpu.memory_space<hbm>> -> memref<8x128xi32, #tpu.memory_space<hbm>>
      %dma_start3A_39 = tpu.memref_slice %arg14[%dma_start3A_36] : memref<2x!tpu.dma_semaphore, #tpu.memory_space<semaphore_mem>> -> memref<1x!tpu.dma_semaphore, #tpu.memory_space<semaphore_mem>>
      %dma_start3A_40 = tpu.memref_squeeze %dma_start3A_39 : memref<1x!tpu.dma_semaphore, #tpu.memory_space<semaphore_mem>> -> memref<!tpu.dma_semaphore, #tpu.memory_space<semaphore_mem>>
      %dma_start3A_41 = arith.constant 0 : i32
      %dma_start3A_42 = tpu.memref_slice %arg5[%mul3A_28, %dma_start3A_41] : memref<1536x128xi32, #tpu.memory_space<hbm>> -> memref<8x128xi32, #tpu.memory_space<hbm>>
      tpu.enqueue_dma source(%dma_start3A_42 : memref<8x128xi32, #tpu.memory_space<hbm>>) target(%arg11 : memref<8x128xi32, #tpu.memory_space<vmem>>) target_semaphore(%dma_start3A_40 : memref<!tpu.dma_semaphore, #tpu.memory_space<semaphore_mem>>)
      %scan3A = arith.constant 0 : i32
      %scan3A_43 = arith.constant 5 : i32
      %scan3A_44 = arith.addi %scan3A, %scan3A_43 : i32
      %scan3A_45 = arith.constant 1 : i32
      scf.for %scan3A_82 = %scan3A to %scan3A_44 step %scan3A_45  : i32 {
        %mul3A_83 = arith.constant 1 : i32
        %mul3A_84 = arith.muli %scan3A_82, %mul3A_83 : i32
        %add3A_85 = arith.constant 0 : i32
        %add3A_86 = arith.addi %add3A_85, %mul3A_84 : i32
        %dma_wait3A_87 = arith.constant 0 : i32
        %dma_wait3A_88 = arith.constant 0 : i32
        %dma_wait3A_89 = arith.constant 0 : i32
        %dma_wait3A_90 = tpu.memref_slice %arg4[%dma_wait3A_88, %dma_wait3A_89] : memref<1536x128xi32, #tpu.memory_space<hbm>> -> memref<8x128xi32, #tpu.memory_space<hbm>>
        %dma_wait3A_91 = tpu.memref_slice %arg14[%dma_wait3A_87] : memref<2x!tpu.dma_semaphore, #tpu.memory_space<semaphore_mem>> -> memref<1x!tpu.dma_semaphore, #tpu.memory_space<semaphore_mem>>
        %dma_wait3A_92 = tpu.memref_squeeze %dma_wait3A_91 : memref<1x!tpu.dma_semaphore, #tpu.memory_space<semaphore_mem>> -> memref<!tpu.dma_semaphore, #tpu.memory_space<semaphore_mem>>
        %dma_wait3A_93 = arith.constant 0 : i32
        %dma_wait3A_94 = arith.constant 0 : i32
        %dma_wait3A_95 = tpu.memref_slice %arg4[%dma_wait3A_93, %dma_wait3A_94] : memref<1536x128xi32, #tpu.memory_space<hbm>> -> memref<8x128xi32, #tpu.memory_space<hbm>>
        tpu.wait_dma2 semaphore(%dma_wait3A_92 : memref<!tpu.dma_semaphore, #tpu.memory_space<semaphore_mem>>) src(%dma_wait3A_95 : memref<8x128xi32, #tpu.memory_space<hbm>>) dst(%arg8 : memref<8x128xi32, #tpu.memory_space<vmem>>)
        %dma_wait3A_96 = arith.constant 0 : i32
        %dma_wait3A_97 = arith.constant 0 : i32
        %dma_wait3A_98 = arith.constant 0 : i32
        %dma_wait3A_99 = tpu.memref_slice %arg5[%dma_wait3A_97, %dma_wait3A_98] : memref<1536x128xi32, #tpu.memory_space<hbm>> -> memref<8x128xi32, #tpu.memory_space<hbm>>
        %dma_wait3A_100 = tpu.memref_slice %arg14[%dma_wait3A_96] : memref<2x!tpu.dma_semaphore, #tpu.memory_space<semaphore_mem>> -> memref<1x!tpu.dma_semaphore, #tpu.memory_space<semaphore_mem>>
        %dma_wait3A_101 = tpu.memref_squeeze %dma_wait3A_100 : memref<1x!tpu.dma_semaphore, #tpu.memory_space<semaphore_mem>> -> memref<!tpu.dma_semaphore, #tpu.memory_space<semaphore_mem>>
        %dma_wait3A_102 = arith.constant 0 : i32
        %dma_wait3A_103 = arith.constant 0 : i32
        %dma_wait3A_104 = tpu.memref_slice %arg5[%dma_wait3A_102, %dma_wait3A_103] : memref<1536x128xi32, #tpu.memory_space<hbm>> -> memref<8x128xi32, #tpu.memory_space<hbm>>
        tpu.wait_dma2 semaphore(%dma_wait3A_101 : memref<!tpu.dma_semaphore, #tpu.memory_space<semaphore_mem>>) src(%dma_wait3A_104 : memref<8x128xi32, #tpu.memory_space<hbm>>) dst(%arg9 : memref<8x128xi32, #tpu.memory_space<vmem>>)
        %dma_start3A_105 = arith.constant 0 : i32
        %dma_start3A_106 = arith.constant 0 : i32
        %dma_start3A_107 = tpu.memref_slice %arg8[%dma_start3A_105, %dma_start3A_106] : memref<8x128xi32, #tpu.memory_space<vmem>> -> memref<1x128xi32, #tpu.memory_space<vmem>>
        %dma_start3A_108 = tpu.memref_squeeze %dma_start3A_107 : memref<1x128xi32, #tpu.memory_space<vmem>> -> memref<128xi32, #tpu.memory_space<vmem>>
        %dma_start3A_109 = arith.constant 0 : i32
        %dma_start3A_110 = arith.constant 0 : i32
        %dma_start3A_111 = tpu.memref_slice %arg3[%dma_start3A_109, %dma_start3A_110] : memref<10240x128xf32, #tpu.memory_space<hbm>> -> memref<10240x128xf32, #tpu.memory_space<hbm>>
        tpu.enqueue_indirect_dma source(%dma_start3A_111 : memref<10240x128xf32, #tpu.memory_space<hbm>>) target(%arg12 : memref<128x128xf32, #tpu.memory_space<vmem>>) offsets(%dma_start3A_108 : memref<128xi32, #tpu.memory_space<vmem>>) semaphore(%arg15 : memref<!tpu.dma_semaphore, #tpu.memory_space<semaphore_mem>>)
        %dma_wait3A_112 = arith.constant 0 : i32
        %dma_wait3A_113 = arith.constant 0 : i32
        %dma_wait3A_114 = tpu.memref_slice %arg8[%dma_wait3A_112, %dma_wait3A_113] : memref<8x128xi32, #tpu.memory_space<vmem>> -> memref<1x128xi32, #tpu.memory_space<vmem>>
        %dma_wait3A_115 = tpu.memref_squeeze %dma_wait3A_114 : memref<1x128xi32, #tpu.memory_space<vmem>> -> memref<128xi32, #tpu.memory_space<vmem>>
        %dma_wait3A_116 = arith.constant 0 : i32
        %dma_wait3A_117 = arith.constant 0 : i32
        %dma_wait3A_118 = tpu.memref_slice %arg3[%dma_wait3A_116, %dma_wait3A_117] : memref<10240x128xf32, #tpu.memory_space<hbm>> -> memref<10240x128xf32, #tpu.memory_space<hbm>>
        tpu.wait_indirect_dma semaphore(%arg15 : memref<!tpu.dma_semaphore, #tpu.memory_space<semaphore_mem>>) src(%dma_wait3A_118 : memref<10240x128xf32, #tpu.memory_space<hbm>>) dst(%arg12 : memref<128x128xf32, #tpu.memory_space<vmem>>)
        %run_scoped3A = arith.constant 0 : i32
        "tpu.region"() ({
          %run_scoped3A_408 = tpu.sem_alloc : memref<!tpu.dma_semaphore, #tpu.memory_space<semaphore_mem>>
          %dma_start3A_409 = arith.constant 0 : i32
          %dma_start3A_410 = tpu.memref_slice %arg9[%run_scoped3A, %dma_start3A_409] : memref<8x128xi32, #tpu.memory_space<vmem>> -> memref<1x128xi32, #tpu.memory_space<vmem>>
          %dma_start3A_411 = tpu.memref_squeeze %dma_start3A_410 : memref<1x128xi32, #tpu.memory_space<vmem>> -> memref<128xi32, #tpu.memory_space<vmem>>
          %dma_start3A_412 = arith.constant 0 : i32
          %dma_start3A_413 = arith.constant 0 : i32
          %dma_start3A_414 = tpu.memref_slice %arg13[%dma_start3A_412, %dma_start3A_413] : memref<10240x128xf32, #tpu.memory_space<vmem_shared>> -> memref<10240x128xf32, #tpu.memory_space<vmem_shared>>
          tpu.enqueue_indirect_dma source(%arg12 : memref<128x128xf32, #tpu.memory_space<vmem>>) target(%dma_start3A_414 : memref<10240x128xf32, #tpu.memory_space<vmem_shared>>) offsets(%dma_start3A_411 : memref<128xi32, #tpu.memory_space<vmem>>) semaphore(%run_scoped3A_408 : memref<!tpu.dma_semaphore, #tpu.memory_space<semaphore_mem>>) {add = true}
          %dma_wait3A_415 = arith.constant 0 : i32
          %dma_wait3A_416 = tpu.memref_slice %arg9[%run_scoped3A, %dma_wait3A_415] : memref<8x128xi32, #tpu.memory_space<vmem>> -> memref<1x128xi32, #tpu.memory_space<vmem>>
          %dma_wait3A_417 = tpu.memref_squeeze %dma_wait3A_416 : memref<1x128xi32, #tpu.memory_space<vmem>> -> memref<128xi32, #tpu.memory_space<vmem>>
          %dma_wait3A_418 = arith.constant 0 : i32
          %dma_wait3A_419 = arith.constant 0 : i32
          %dma_wait3A_420 = tpu.memref_slice %arg13[%dma_wait3A_418, %dma_wait3A_419] : memref<10240x128xf32, #tpu.memory_space<vmem_shared>> -> memref<10240x128xf32, #tpu.memory_space<vmem_shared>>
          tpu.wait_indirect_dma semaphore(%run_scoped3A_408 : memref<!tpu.dma_semaphore, #tpu.memory_space<semaphore_mem>>) src(%arg12 : memref<128x128xf32, #tpu.memory_space<vmem>>) dst(%dma_wait3A_420 : memref<10240x128xf32, #tpu.memory_space<vmem_shared>>)
          tpu.yield
        }) : () -> ()
        %dma_start3A_119 = arith.constant 1 : i32
        %dma_start3A_120 = arith.constant 0 : i32
        %dma_start3A_121 = tpu.memref_slice %arg8[%dma_start3A_119, %dma_start3A_120] : memref<8x128xi32, #tpu.memory_space<vmem>> -> memref<1x128xi32, #tpu.memory_space<vmem>>
        %dma_start3A_122 = tpu.memref_squeeze %dma_start3A_121 : memref<1x128xi32, #tpu.memory_space<vmem>> -> memref<128xi32, #tpu.memory_space<vmem>>
        %dma_start3A_123 = arith.constant 0 : i32
        %dma_start3A_124 = arith.constant 0 : i32
        %dma_start3A_125 = tpu.memref_slice %arg3[%dma_start3A_123, %dma_start3A_124] : memref<10240x128xf32, #tpu.memory_space<hbm>> -> memref<10240x128xf32, #tpu.memory_space<hbm>>
        tpu.enqueue_indirect_dma source(%dma_start3A_125 : memref<10240x128xf32, #tpu.memory_space<hbm>>) target(%arg12 : memref<128x128xf32, #tpu.memory_space<vmem>>) offsets(%dma_start3A_122 : memref<128xi32, #tpu.memory_space<vmem>>) semaphore(%arg15 : memref<!tpu.dma_semaphore, #tpu.memory_space<semaphore_mem>>)
        %dma_wait3A_126 = arith.constant 1 : i32
        %dma_wait3A_127 = arith.constant 0 : i32
        %dma_wait3A_128 = tpu.memref_slice %arg8[%dma_wait3A_126, %dma_wait3A_127] : memref<8x128xi32, #tpu.memory_space<vmem>> -> memref<1x128xi32, #tpu.memory_space<vmem>>
        %dma_wait3A_129 = tpu.memref_squeeze %dma_wait3A_128 : memref<1x128xi32, #tpu.memory_space<vmem>> -> memref<128xi32, #tpu.memory_space<vmem>>
        %dma_wait3A_130 = arith.constant 0 : i32
        %dma_wait3A_131 = arith.constant 0 : i32
        %dma_wait3A_132 = tpu.memref_slice %arg3[%dma_wait3A_130, %dma_wait3A_131] : memref<10240x128xf32, #tpu.memory_space<hbm>> -> memref<10240x128xf32, #tpu.memory_space<hbm>>
        tpu.wait_indirect_dma semaphore(%arg15 : memref<!tpu.dma_semaphore, #tpu.memory_space<semaphore_mem>>) src(%dma_wait3A_132 : memref<10240x128xf32, #tpu.memory_space<hbm>>) dst(%arg12 : memref<128x128xf32, #tpu.memory_space<vmem>>)
        %run_scoped3A_133 = arith.constant 1 : i32
        "tpu.region"() ({
          %run_scoped3A_408 = tpu.sem_alloc : memref<!tpu.dma_semaphore, #tpu.memory_space<semaphore_mem>>
          %dma_start3A_409 = arith.constant 0 : i32
          %dma_start3A_410 = tpu.memref_slice %arg9[%run_scoped3A_133, %dma_start3A_409] : memref<8x128xi32, #tpu.memory_space<vmem>> -> memref<1x128xi32, #tpu.memory_space<vmem>>
          %dma_start3A_411 = tpu.memref_squeeze %dma_start3A_410 : memref<1x128xi32, #tpu.memory_space<vmem>> -> memref<128xi32, #tpu.memory_space<vmem>>
          %dma_start3A_412 = arith.constant 0 : i32
          %dma_start3A_413 = arith.constant 0 : i32
          %dma_start3A_414 = tpu.memref_slice %arg13[%dma_start3A_412, %dma_start3A_413] : memref<10240x128xf32, #tpu.memory_space<vmem_shared>> -> memref<10240x128xf32, #tpu.memory_space<vmem_shared>>
          tpu.enqueue_indirect_dma source(%arg12 : memref<128x128xf32, #tpu.memory_space<vmem>>) target(%dma_start3A_414 : memref<10240x128xf32, #tpu.memory_space<vmem_shared>>) offsets(%dma_start3A_411 : memref<128xi32, #tpu.memory_space<vmem>>) semaphore(%run_scoped3A_408 : memref<!tpu.dma_semaphore, #tpu.memory_space<semaphore_mem>>) {add = true}
          %dma_wait3A_415 = arith.constant 0 : i32
          %dma_wait3A_416 = tpu.memref_slice %arg9[%run_scoped3A_133, %dma_wait3A_415] : memref<8x128xi32, #tpu.memory_space<vmem>> -> memref<1x128xi32, #tpu.memory_space<vmem>>
          %dma_wait3A_417 = tpu.memref_squeeze %dma_wait3A_416 : memref<1x128xi32, #tpu.memory_space<vmem>> -> memref<128xi32, #tpu.memory_space<vmem>>
          %dma_wait3A_418 = arith.constant 0 : i32
          %dma_wait3A_419 = arith.constant 0 : i32
          %dma_wait3A_420 = tpu.memref_slice %arg13[%dma_wait3A_418, %dma_wait3A_419] : memref<10240x128xf32, #tpu.memory_space<vmem_shared>> -> memref<10240x128xf32, #tpu.memory_space<vmem_shared>>
          tpu.wait_indirect_dma semaphore(%run_scoped3A_408 : memref<!tpu.dma_semaphore, #tpu.memory_space<semaphore_mem>>) src(%arg12 : memref<128x128xf32, #tpu.memory_space<vmem>>) dst(%dma_wait3A_420 : memref<10240x128xf32, #tpu.memory_space<vmem_shared>>)
          tpu.yield
        }) : () -> ()
        %dma_start3A_134 = arith.constant 2 : i32
        %dma_start3A_135 = arith.constant 0 : i32
        %dma_start3A_136 = tpu.memref_slice %arg8[%dma_start3A_134, %dma_start3A_135] : memref<8x128xi32, #tpu.memory_space<vmem>> -> memref<1x128xi32, #tpu.memory_space<vmem>>
        %dma_start3A_137 = tpu.memref_squeeze %dma_start3A_136 : memref<1x128xi32, #tpu.memory_space<vmem>> -> memref<128xi32, #tpu.memory_space<vmem>>
        %dma_start3A_138 = arith.constant 0 : i32
        %dma_start3A_139 = arith.constant 0 : i32
        %dma_start3A_140 = tpu.memref_slice %arg3[%dma_start3A_138, %dma_start3A_139] : memref<10240x128xf32, #tpu.memory_space<hbm>> -> memref<10240x128xf32, #tpu.memory_space<hbm>>
        tpu.enqueue_indirect_dma source(%dma_start3A_140 : memref<10240x128xf32, #tpu.memory_space<hbm>>) target(%arg12 : memref<128x128xf32, #tpu.memory_space<vmem>>) offsets(%dma_start3A_137 : memref<128xi32, #tpu.memory_space<vmem>>) semaphore(%arg15 : memref<!tpu.dma_semaphore, #tpu.memory_space<semaphore_mem>>)
        %dma_wait3A_141 = arith.constant 2 : i32
        %dma_wait3A_142 = arith.constant 0 : i32
        %dma_wait3A_143 = tpu.memref_slice %arg8[%dma_wait3A_141, %dma_wait3A_142] : memref<8x128xi32, #tpu.memory_space<vmem>> -> memref<1x128xi32, #tpu.memory_space<vmem>>
        %dma_wait3A_144 = tpu.memref_squeeze %dma_wait3A_143 : memref<1x128xi32, #tpu.memory_space<vmem>> -> memref<128xi32, #tpu.memory_space<vmem>>
        %dma_wait3A_145 = arith.constant 0 : i32
        %dma_wait3A_146 = arith.constant 0 : i32
        %dma_wait3A_147 = tpu.memref_slice %arg3[%dma_wait3A_145, %dma_wait3A_146] : memref<10240x128xf32, #tpu.memory_space<hbm>> -> memref<10240x128xf32, #tpu.memory_space<hbm>>
        tpu.wait_indirect_dma semaphore(%arg15 : memref<!tpu.dma_semaphore, #tpu.memory_space<semaphore_mem>>) src(%dma_wait3A_147 : memref<10240x128xf32, #tpu.memory_space<hbm>>) dst(%arg12 : memref<128x128xf32, #tpu.memory_space<vmem>>)
        %run_scoped3A_148 = arith.constant 2 : i32
        "tpu.region"() ({
          %run_scoped3A_408 = tpu.sem_alloc : memref<!tpu.dma_semaphore, #tpu.memory_space<semaphore_mem>>
          %dma_start3A_409 = arith.constant 0 : i32
          %dma_start3A_410 = tpu.memref_slice %arg9[%run_scoped3A_148, %dma_start3A_409] : memref<8x128xi32, #tpu.memory_space<vmem>> -> memref<1x128xi32, #tpu.memory_space<vmem>>
          %dma_start3A_411 = tpu.memref_squeeze %dma_start3A_410 : memref<1x128xi32, #tpu.memory_space<vmem>> -> memref<128xi32, #tpu.memory_space<vmem>>
          %dma_start3A_412 = arith.constant 0 : i32
          %dma_start3A_413 = arith.constant 0 : i32
          %dma_start3A_414 = tpu.memref_slice %arg13[%dma_start3A_412, %dma_start3A_413] : memref<10240x128xf32, #tpu.memory_space<vmem_shared>> -> memref<10240x128xf32, #tpu.memory_space<vmem_shared>>
          tpu.enqueue_indirect_dma source(%arg12 : memref<128x128xf32, #tpu.memory_space<vmem>>) target(%dma_start3A_414 : memref<10240x128xf32, #tpu.memory_space<vmem_shared>>) offsets(%dma_start3A_411 : memref<128xi32, #tpu.memory_space<vmem>>) semaphore(%run_scoped3A_408 : memref<!tpu.dma_semaphore, #tpu.memory_space<semaphore_mem>>) {add = true}
          %dma_wait3A_415 = arith.constant 0 : i32
          %dma_wait3A_416 = tpu.memref_slice %arg9[%run_scoped3A_148, %dma_wait3A_415] : memref<8x128xi32, #tpu.memory_space<vmem>> -> memref<1x128xi32, #tpu.memory_space<vmem>>
          %dma_wait3A_417 = tpu.memref_squeeze %dma_wait3A_416 : memref<1x128xi32, #tpu.memory_space<vmem>> -> memref<128xi32, #tpu.memory_space<vmem>>
          %dma_wait3A_418 = arith.constant 0 : i32
          %dma_wait3A_419 = arith.constant 0 : i32
          %dma_wait3A_420 = tpu.memref_slice %arg13[%dma_wait3A_418, %dma_wait3A_419] : memref<10240x128xf32, #tpu.memory_space<vmem_shared>> -> memref<10240x128xf32, #tpu.memory_space<vmem_shared>>
          tpu.wait_indirect_dma semaphore(%run_scoped3A_408 : memref<!tpu.dma_semaphore, #tpu.memory_space<semaphore_mem>>) src(%arg12 : memref<128x128xf32, #tpu.memory_space<vmem>>) dst(%dma_wait3A_420 : memref<10240x128xf32, #tpu.memory_space<vmem_shared>>)
          tpu.yield
        }) : () -> ()
        %dma_start3A_149 = arith.constant 3 : i32
        %dma_start3A_150 = arith.constant 0 : i32
        %dma_start3A_151 = tpu.memref_slice %arg8[%dma_start3A_149, %dma_start3A_150] : memref<8x128xi32, #tpu.memory_space<vmem>> -> memref<1x128xi32, #tpu.memory_space<vmem>>
        %dma_start3A_152 = tpu.memref_squeeze %dma_start3A_151 : memref<1x128xi32, #tpu.memory_space<vmem>> -> memref<128xi32, #tpu.memory_space<vmem>>
        %dma_start3A_153 = arith.constant 0 : i32
        %dma_start3A_154 = arith.constant 0 : i32
        %dma_start3A_155 = tpu.memref_slice %arg3[%dma_start3A_153, %dma_start3A_154] : memref<10240x128xf32, #tpu.memory_space<hbm>> -> memref<10240x128xf32, #tpu.memory_space<hbm>>
        tpu.enqueue_indirect_dma source(%dma_start3A_155 : memref<10240x128xf32, #tpu.memory_space<hbm>>) target(%arg12 : memref<128x128xf32, #tpu.memory_space<vmem>>) offsets(%dma_start3A_152 : memref<128xi32, #tpu.memory_space<vmem>>) semaphore(%arg15 : memref<!tpu.dma_semaphore, #tpu.memory_space<semaphore_mem>>)
        %dma_wait3A_156 = arith.constant 3 : i32
        %dma_wait3A_157 = arith.constant 0 : i32
        %dma_wait3A_158 = tpu.memref_slice %arg8[%dma_wait3A_156, %dma_wait3A_157] : memref<8x128xi32, #tpu.memory_space<vmem>> -> memref<1x128xi32, #tpu.memory_space<vmem>>
        %dma_wait3A_159 = tpu.memref_squeeze %dma_wait3A_158 : memref<1x128xi32, #tpu.memory_space<vmem>> -> memref<128xi32, #tpu.memory_space<vmem>>
        %dma_wait3A_160 = arith.constant 0 : i32
        %dma_wait3A_161 = arith.constant 0 : i32
        %dma_wait3A_162 = tpu.memref_slice %arg3[%dma_wait3A_160, %dma_wait3A_161] : memref<10240x128xf32, #tpu.memory_space<hbm>> -> memref<10240x128xf32, #tpu.memory_space<hbm>>
        tpu.wait_indirect_dma semaphore(%arg15 : memref<!tpu.dma_semaphore, #tpu.memory_space<semaphore_mem>>) src(%dma_wait3A_162 : memref<10240x128xf32, #tpu.memory_space<hbm>>) dst(%arg12 : memref<128x128xf32, #tpu.memory_space<vmem>>)
        %run_scoped3A_163 = arith.constant 3 : i32
        "tpu.region"() ({
          %run_scoped3A_408 = tpu.sem_alloc : memref<!tpu.dma_semaphore, #tpu.memory_space<semaphore_mem>>
          %dma_start3A_409 = arith.constant 0 : i32
          %dma_start3A_410 = tpu.memref_slice %arg9[%run_scoped3A_163, %dma_start3A_409] : memref<8x128xi32, #tpu.memory_space<vmem>> -> memref<1x128xi32, #tpu.memory_space<vmem>>
          %dma_start3A_411 = tpu.memref_squeeze %dma_start3A_410 : memref<1x128xi32, #tpu.memory_space<vmem>> -> memref<128xi32, #tpu.memory_space<vmem>>
          %dma_start3A_412 = arith.constant 0 : i32
          %dma_start3A_413 = arith.constant 0 : i32
          %dma_start3A_414 = tpu.memref_slice %arg13[%dma_start3A_412, %dma_start3A_413] : memref<10240x128xf32, #tpu.memory_space<vmem_shared>> -> memref<10240x128xf32, #tpu.memory_space<vmem_shared>>
          tpu.enqueue_indirect_dma source(%arg12 : memref<128x128xf32, #tpu.memory_space<vmem>>) target(%dma_start3A_414 : memref<10240x128xf32, #tpu.memory_space<vmem_shared>>) offsets(%dma_start3A_411 : memref<128xi32, #tpu.memory_space<vmem>>) semaphore(%run_scoped3A_408 : memref<!tpu.dma_semaphore, #tpu.memory_space<semaphore_mem>>) {add = true}
          %dma_wait3A_415 = arith.constant 0 : i32
          %dma_wait3A_416 = tpu.memref_slice %arg9[%run_scoped3A_163, %dma_wait3A_415] : memref<8x128xi32, #tpu.memory_space<vmem>> -> memref<1x128xi32, #tpu.memory_space<vmem>>
          %dma_wait3A_417 = tpu.memref_squeeze %dma_wait3A_416 : memref<1x128xi32, #tpu.memory_space<vmem>> -> memref<128xi32, #tpu.memory_space<vmem>>
          %dma_wait3A_418 = arith.constant 0 : i32
          %dma_wait3A_419 = arith.constant 0 : i32
          %dma_wait3A_420 = tpu.memref_slice %arg13[%dma_wait3A_418, %dma_wait3A_419] : memref<10240x128xf32, #tpu.memory_space<vmem_shared>> -> memref<10240x128xf32, #tpu.memory_space<vmem_shared>>
          tpu.wait_indirect_dma semaphore(%run_scoped3A_408 : memref<!tpu.dma_semaphore, #tpu.memory_space<semaphore_mem>>) src(%arg12 : memref<128x128xf32, #tpu.memory_space<vmem>>) dst(%dma_wait3A_420 : memref<10240x128xf32, #tpu.memory_space<vmem_shared>>)
          tpu.yield
        }) : () -> ()
        %dma_start3A_164 = arith.constant 4 : i32
        %dma_start3A_165 = arith.constant 0 : i32
        %dma_start3A_166 = tpu.memref_slice %arg8[%dma_start3A_164, %dma_start3A_165] : memref<8x128xi32, #tpu.memory_space<vmem>> -> memref<1x128xi32, #tpu.memory_space<vmem>>
        %dma_start3A_167 = tpu.memref_squeeze %dma_start3A_166 : memref<1x128xi32, #tpu.memory_space<vmem>> -> memref<128xi32, #tpu.memory_space<vmem>>
        %dma_start3A_168 = arith.constant 0 : i32
        %dma_start3A_169 = arith.constant 0 : i32
        %dma_start3A_170 = tpu.memref_slice %arg3[%dma_start3A_168, %dma_start3A_169] : memref<10240x128xf32, #tpu.memory_space<hbm>> -> memref<10240x128xf32, #tpu.memory_space<hbm>>
        tpu.enqueue_indirect_dma source(%dma_start3A_170 : memref<10240x128xf32, #tpu.memory_space<hbm>>) target(%arg12 : memref<128x128xf32, #tpu.memory_space<vmem>>) offsets(%dma_start3A_167 : memref<128xi32, #tpu.memory_space<vmem>>) semaphore(%arg15 : memref<!tpu.dma_semaphore, #tpu.memory_space<semaphore_mem>>)
        %dma_wait3A_171 = arith.constant 4 : i32
        %dma_wait3A_172 = arith.constant 0 : i32
        %dma_wait3A_173 = tpu.memref_slice %arg8[%dma_wait3A_171, %dma_wait3A_172] : memref<8x128xi32, #tpu.memory_space<vmem>> -> memref<1x128xi32, #tpu.memory_space<vmem>>
        %dma_wait3A_174 = tpu.memref_squeeze %dma_wait3A_173 : memref<1x128xi32, #tpu.memory_space<vmem>> -> memref<128xi32, #tpu.memory_space<vmem>>
        %dma_wait3A_175 = arith.constant 0 : i32
        %dma_wait3A_176 = arith.constant 0 : i32
        %dma_wait3A_177 = tpu.memref_slice %arg3[%dma_wait3A_175, %dma_wait3A_176] : memref<10240x128xf32, #tpu.memory_space<hbm>> -> memref<10240x128xf32, #tpu.memory_space<hbm>>
        tpu.wait_indirect_dma semaphore(%arg15 : memref<!tpu.dma_semaphore, #tpu.memory_space<semaphore_mem>>) src(%dma_wait3A_177 : memref<10240x128xf32, #tpu.memory_space<hbm>>) dst(%arg12 : memref<128x128xf32, #tpu.memory_space<vmem>>)
        %run_scoped3A_178 = arith.constant 4 : i32
        "tpu.region"() ({
          %run_scoped3A_408 = tpu.sem_alloc : memref<!tpu.dma_semaphore, #tpu.memory_space<semaphore_mem>>
          %dma_start3A_409 = arith.constant 0 : i32
          %dma_start3A_410 = tpu.memref_slice %arg9[%run_scoped3A_178, %dma_start3A_409] : memref<8x128xi32, #tpu.memory_space<vmem>> -> memref<1x128xi32, #tpu.memory_space<vmem>>
          %dma_start3A_411 = tpu.memref_squeeze %dma_start3A_410 : memref<1x128xi32, #tpu.memory_space<vmem>> -> memref<128xi32, #tpu.memory_space<vmem>>
          %dma_start3A_412 = arith.constant 0 : i32
          %dma_start3A_413 = arith.constant 0 : i32
          %dma_start3A_414 = tpu.memref_slice %arg13[%dma_start3A_412, %dma_start3A_413] : memref<10240x128xf32, #tpu.memory_space<vmem_shared>> -> memref<10240x128xf32, #tpu.memory_space<vmem_shared>>
          tpu.enqueue_indirect_dma source(%arg12 : memref<128x128xf32, #tpu.memory_space<vmem>>) target(%dma_start3A_414 : memref<10240x128xf32, #tpu.memory_space<vmem_shared>>) offsets(%dma_start3A_411 : memref<128xi32, #tpu.memory_space<vmem>>) semaphore(%run_scoped3A_408 : memref<!tpu.dma_semaphore, #tpu.memory_space<semaphore_mem>>) {add = true}
          %dma_wait3A_415 = arith.constant 0 : i32
          %dma_wait3A_416 = tpu.memref_slice %arg9[%run_scoped3A_178, %dma_wait3A_415] : memref<8x128xi32, #tpu.memory_space<vmem>> -> memref<1x128xi32, #tpu.memory_space<vmem>>
          %dma_wait3A_417 = tpu.memref_squeeze %dma_wait3A_416 : memref<1x128xi32, #tpu.memory_space<vmem>> -> memref<128xi32, #tpu.memory_space<vmem>>
          %dma_wait3A_418 = arith.constant 0 : i32
          %dma_wait3A_419 = arith.constant 0 : i32
          %dma_wait3A_420 = tpu.memref_slice %arg13[%dma_wait3A_418, %dma_wait3A_419] : memref<10240x128xf32, #tpu.memory_space<vmem_shared>> -> memref<10240x128xf32, #tpu.memory_space<vmem_shared>>
          tpu.wait_indirect_dma semaphore(%run_scoped3A_408 : memref<!tpu.dma_semaphore, #tpu.memory_space<semaphore_mem>>) src(%arg12 : memref<128x128xf32, #tpu.memory_space<vmem>>) dst(%dma_wait3A_420 : memref<10240x128xf32, #tpu.memory_space<vmem_shared>>)
          tpu.yield
        }) : () -> ()
        %dma_start3A_179 = arith.constant 5 : i32
        %dma_start3A_180 = arith.constant 0 : i32
        %dma_start3A_181 = tpu.memref_slice %arg8[%dma_start3A_179, %dma_start3A_180] : memref<8x128xi32, #tpu.memory_space<vmem>> -> memref<1x128xi32, #tpu.memory_space<vmem>>
        %dma_start3A_182 = tpu.memref_squeeze %dma_start3A_181 : memref<1x128xi32, #tpu.memory_space<vmem>> -> memref<128xi32, #tpu.memory_space<vmem>>
        %dma_start3A_183 = arith.constant 0 : i32
        %dma_start3A_184 = arith.constant 0 : i32
        %dma_start3A_185 = tpu.memref_slice %arg3[%dma_start3A_183, %dma_start3A_184] : memref<10240x128xf32, #tpu.memory_space<hbm>> -> memref<10240x128xf32, #tpu.memory_space<hbm>>
        tpu.enqueue_indirect_dma source(%dma_start3A_185 : memref<10240x128xf32, #tpu.memory_space<hbm>>) target(%arg12 : memref<128x128xf32, #tpu.memory_space<vmem>>) offsets(%dma_start3A_182 : memref<128xi32, #tpu.memory_space<vmem>>) semaphore(%arg15 : memref<!tpu.dma_semaphore, #tpu.memory_space<semaphore_mem>>)
        %dma_wait3A_186 = arith.constant 5 : i32
        %dma_wait3A_187 = arith.constant 0 : i32
        %dma_wait3A_188 = tpu.memref_slice %arg8[%dma_wait3A_186, %dma_wait3A_187] : memref<8x128xi32, #tpu.memory_space<vmem>> -> memref<1x128xi32, #tpu.memory_space<vmem>>
        %dma_wait3A_189 = tpu.memref_squeeze %dma_wait3A_188 : memref<1x128xi32, #tpu.memory_space<vmem>> -> memref<128xi32, #tpu.memory_space<vmem>>
        %dma_wait3A_190 = arith.constant 0 : i32
        %dma_wait3A_191 = arith.constant 0 : i32
        %dma_wait3A_192 = tpu.memref_slice %arg3[%dma_wait3A_190, %dma_wait3A_191] : memref<10240x128xf32, #tpu.memory_space<hbm>> -> memref<10240x128xf32, #tpu.memory_space<hbm>>
        tpu.wait_indirect_dma semaphore(%arg15 : memref<!tpu.dma_semaphore, #tpu.memory_space<semaphore_mem>>) src(%dma_wait3A_192 : memref<10240x128xf32, #tpu.memory_space<hbm>>) dst(%arg12 : memref<128x128xf32, #tpu.memory_space<vmem>>)
        %run_scoped3A_193 = arith.constant 5 : i32
        "tpu.region"() ({
          %run_scoped3A_408 = tpu.sem_alloc : memref<!tpu.dma_semaphore, #tpu.memory_space<semaphore_mem>>
          %dma_start3A_409 = arith.constant 0 : i32
          %dma_start3A_410 = tpu.memref_slice %arg9[%run_scoped3A_193, %dma_start3A_409] : memref<8x128xi32, #tpu.memory_space<vmem>> -> memref<1x128xi32, #tpu.memory_space<vmem>>
          %dma_start3A_411 = tpu.memref_squeeze %dma_start3A_410 : memref<1x128xi32, #tpu.memory_space<vmem>> -> memref<128xi32, #tpu.memory_space<vmem>>
          %dma_start3A_412 = arith.constant 0 : i32
          %dma_start3A_413 = arith.constant 0 : i32
          %dma_start3A_414 = tpu.memref_slice %arg13[%dma_start3A_412, %dma_start3A_413] : memref<10240x128xf32, #tpu.memory_space<vmem_shared>> -> memref<10240x128xf32, #tpu.memory_space<vmem_shared>>
          tpu.enqueue_indirect_dma source(%arg12 : memref<128x128xf32, #tpu.memory_space<vmem>>) target(%dma_start3A_414 : memref<10240x128xf32, #tpu.memory_space<vmem_shared>>) offsets(%dma_start3A_411 : memref<128xi32, #tpu.memory_space<vmem>>) semaphore(%run_scoped3A_408 : memref<!tpu.dma_semaphore, #tpu.memory_space<semaphore_mem>>) {add = true}
          %dma_wait3A_415 = arith.constant 0 : i32
          %dma_wait3A_416 = tpu.memref_slice %arg9[%run_scoped3A_193, %dma_wait3A_415] : memref<8x128xi32, #tpu.memory_space<vmem>> -> memref<1x128xi32, #tpu.memory_space<vmem>>
          %dma_wait3A_417 = tpu.memref_squeeze %dma_wait3A_416 : memref<1x128xi32, #tpu.memory_space<vmem>> -> memref<128xi32, #tpu.memory_space<vmem>>
          %dma_wait3A_418 = arith.constant 0 : i32
          %dma_wait3A_419 = arith.constant 0 : i32
          %dma_wait3A_420 = tpu.memref_slice %arg13[%dma_wait3A_418, %dma_wait3A_419] : memref<10240x128xf32, #tpu.memory_space<vmem_shared>> -> memref<10240x128xf32, #tpu.memory_space<vmem_shared>>
          tpu.wait_indirect_dma semaphore(%run_scoped3A_408 : memref<!tpu.dma_semaphore, #tpu.memory_space<semaphore_mem>>) src(%arg12 : memref<128x128xf32, #tpu.memory_space<vmem>>) dst(%dma_wait3A_420 : memref<10240x128xf32, #tpu.memory_space<vmem_shared>>)
          tpu.yield
        }) : () -> ()
        %dma_start3A_194 = arith.constant 6 : i32
        %dma_start3A_195 = arith.constant 0 : i32
        %dma_start3A_196 = tpu.memref_slice %arg8[%dma_start3A_194, %dma_start3A_195] : memref<8x128xi32, #tpu.memory_space<vmem>> -> memref<1x128xi32, #tpu.memory_space<vmem>>
        %dma_start3A_197 = tpu.memref_squeeze %dma_start3A_196 : memref<1x128xi32, #tpu.memory_space<vmem>> -> memref<128xi32, #tpu.memory_space<vmem>>
        %dma_start3A_198 = arith.constant 0 : i32
        %dma_start3A_199 = arith.constant 0 : i32
        %dma_start3A_200 = tpu.memref_slice %arg3[%dma_start3A_198, %dma_start3A_199] : memref<10240x128xf32, #tpu.memory_space<hbm>> -> memref<10240x128xf32, #tpu.memory_space<hbm>>
        tpu.enqueue_indirect_dma source(%dma_start3A_200 : memref<10240x128xf32, #tpu.memory_space<hbm>>) target(%arg12 : memref<128x128xf32, #tpu.memory_space<vmem>>) offsets(%dma_start3A_197 : memref<128xi32, #tpu.memory_space<vmem>>) semaphore(%arg15 : memref<!tpu.dma_semaphore, #tpu.memory_space<semaphore_mem>>)
        %dma_wait3A_201 = arith.constant 6 : i32
        %dma_wait3A_202 = arith.constant 0 : i32
        %dma_wait3A_203 = tpu.memref_slice %arg8[%dma_wait3A_201, %dma_wait3A_202] : memref<8x128xi32, #tpu.memory_space<vmem>> -> memref<1x128xi32, #tpu.memory_space<vmem>>
        %dma_wait3A_204 = tpu.memref_squeeze %dma_wait3A_203 : memref<1x128xi32, #tpu.memory_space<vmem>> -> memref<128xi32, #tpu.memory_space<vmem>>
        %dma_wait3A_205 = arith.constant 0 : i32
        %dma_wait3A_206 = arith.constant 0 : i32
        %dma_wait3A_207 = tpu.memref_slice %arg3[%dma_wait3A_205, %dma_wait3A_206] : memref<10240x128xf32, #tpu.memory_space<hbm>> -> memref<10240x128xf32, #tpu.memory_space<hbm>>
        tpu.wait_indirect_dma semaphore(%arg15 : memref<!tpu.dma_semaphore, #tpu.memory_space<semaphore_mem>>) src(%dma_wait3A_207 : memref<10240x128xf32, #tpu.memory_space<hbm>>) dst(%arg12 : memref<128x128xf32, #tpu.memory_space<vmem>>)
        %run_scoped3A_208 = arith.constant 6 : i32
        "tpu.region"() ({
          %run_scoped3A_408 = tpu.sem_alloc : memref<!tpu.dma_semaphore, #tpu.memory_space<semaphore_mem>>
          %dma_start3A_409 = arith.constant 0 : i32
          %dma_start3A_410 = tpu.memref_slice %arg9[%run_scoped3A_208, %dma_start3A_409] : memref<8x128xi32, #tpu.memory_space<vmem>> -> memref<1x128xi32, #tpu.memory_space<vmem>>
          %dma_start3A_411 = tpu.memref_squeeze %dma_start3A_410 : memref<1x128xi32, #tpu.memory_space<vmem>> -> memref<128xi32, #tpu.memory_space<vmem>>
          %dma_start3A_412 = arith.constant 0 : i32
          %dma_start3A_413 = arith.constant 0 : i32
          %dma_start3A_414 = tpu.memref_slice %arg13[%dma_start3A_412, %dma_start3A_413] : memref<10240x128xf32, #tpu.memory_space<vmem_shared>> -> memref<10240x128xf32, #tpu.memory_space<vmem_shared>>
          tpu.enqueue_indirect_dma source(%arg12 : memref<128x128xf32, #tpu.memory_space<vmem>>) target(%dma_start3A_414 : memref<10240x128xf32, #tpu.memory_space<vmem_shared>>) offsets(%dma_start3A_411 : memref<128xi32, #tpu.memory_space<vmem>>) semaphore(%run_scoped3A_408 : memref<!tpu.dma_semaphore, #tpu.memory_space<semaphore_mem>>) {add = true}
          %dma_wait3A_415 = arith.constant 0 : i32
          %dma_wait3A_416 = tpu.memref_slice %arg9[%run_scoped3A_208, %dma_wait3A_415] : memref<8x128xi32, #tpu.memory_space<vmem>> -> memref<1x128xi32, #tpu.memory_space<vmem>>
          %dma_wait3A_417 = tpu.memref_squeeze %dma_wait3A_416 : memref<1x128xi32, #tpu.memory_space<vmem>> -> memref<128xi32, #tpu.memory_space<vmem>>
          %dma_wait3A_418 = arith.constant 0 : i32
          %dma_wait3A_419 = arith.constant 0 : i32
          %dma_wait3A_420 = tpu.memref_slice %arg13[%dma_wait3A_418, %dma_wait3A_419] : memref<10240x128xf32, #tpu.memory_space<vmem_shared>> -> memref<10240x128xf32, #tpu.memory_space<vmem_shared>>
          tpu.wait_indirect_dma semaphore(%run_scoped3A_408 : memref<!tpu.dma_semaphore, #tpu.memory_space<semaphore_mem>>) src(%arg12 : memref<128x128xf32, #tpu.memory_space<vmem>>) dst(%dma_wait3A_420 : memref<10240x128xf32, #tpu.memory_space<vmem_shared>>)
          tpu.yield
        }) : () -> ()
        %dma_start3A_209 = arith.constant 7 : i32
        %dma_start3A_210 = arith.constant 0 : i32
        %dma_start3A_211 = tpu.memref_slice %arg8[%dma_start3A_209, %dma_start3A_210] : memref<8x128xi32, #tpu.memory_space<vmem>> -> memref<1x128xi32, #tpu.memory_space<vmem>>
        %dma_start3A_212 = tpu.memref_squeeze %dma_start3A_211 : memref<1x128xi32, #tpu.memory_space<vmem>> -> memref<128xi32, #tpu.memory_space<vmem>>
        %dma_start3A_213 = arith.constant 0 : i32
        %dma_start3A_214 = arith.constant 0 : i32
        %dma_start3A_215 = tpu.memref_slice %arg3[%dma_start3A_213, %dma_start3A_214] : memref<10240x128xf32, #tpu.memory_space<hbm>> -> memref<10240x128xf32, #tpu.memory_space<hbm>>
        tpu.enqueue_indirect_dma source(%dma_start3A_215 : memref<10240x128xf32, #tpu.memory_space<hbm>>) target(%arg12 : memref<128x128xf32, #tpu.memory_space<vmem>>) offsets(%dma_start3A_212 : memref<128xi32, #tpu.memory_space<vmem>>) semaphore(%arg15 : memref<!tpu.dma_semaphore, #tpu.memory_space<semaphore_mem>>)
        %dma_wait3A_216 = arith.constant 7 : i32
        %dma_wait3A_217 = arith.constant 0 : i32
        %dma_wait3A_218 = tpu.memref_slice %arg8[%dma_wait3A_216, %dma_wait3A_217] : memref<8x128xi32, #tpu.memory_space<vmem>> -> memref<1x128xi32, #tpu.memory_space<vmem>>
        %dma_wait3A_219 = tpu.memref_squeeze %dma_wait3A_218 : memref<1x128xi32, #tpu.memory_space<vmem>> -> memref<128xi32, #tpu.memory_space<vmem>>
        %dma_wait3A_220 = arith.constant 0 : i32
        %dma_wait3A_221 = arith.constant 0 : i32
        %dma_wait3A_222 = tpu.memref_slice %arg3[%dma_wait3A_220, %dma_wait3A_221] : memref<10240x128xf32, #tpu.memory_space<hbm>> -> memref<10240x128xf32, #tpu.memory_space<hbm>>
        tpu.wait_indirect_dma semaphore(%arg15 : memref<!tpu.dma_semaphore, #tpu.memory_space<semaphore_mem>>) src(%dma_wait3A_222 : memref<10240x128xf32, #tpu.memory_space<hbm>>) dst(%arg12 : memref<128x128xf32, #tpu.memory_space<vmem>>)
        %run_scoped3A_223 = arith.constant 7 : i32
        "tpu.region"() ({
          %run_scoped3A_408 = tpu.sem_alloc : memref<!tpu.dma_semaphore, #tpu.memory_space<semaphore_mem>>
          %dma_start3A_409 = arith.constant 0 : i32
          %dma_start3A_410 = tpu.memref_slice %arg9[%run_scoped3A_223, %dma_start3A_409] : memref<8x128xi32, #tpu.memory_space<vmem>> -> memref<1x128xi32, #tpu.memory_space<vmem>>
          %dma_start3A_411 = tpu.memref_squeeze %dma_start3A_410 : memref<1x128xi32, #tpu.memory_space<vmem>> -> memref<128xi32, #tpu.memory_space<vmem>>
          %dma_start3A_412 = arith.constant 0 : i32
          %dma_start3A_413 = arith.constant 0 : i32
          %dma_start3A_414 = tpu.memref_slice %arg13[%dma_start3A_412, %dma_start3A_413] : memref<10240x128xf32, #tpu.memory_space<vmem_shared>> -> memref<10240x128xf32, #tpu.memory_space<vmem_shared>>
          tpu.enqueue_indirect_dma source(%arg12 : memref<128x128xf32, #tpu.memory_space<vmem>>) target(%dma_start3A_414 : memref<10240x128xf32, #tpu.memory_space<vmem_shared>>) offsets(%dma_start3A_411 : memref<128xi32, #tpu.memory_space<vmem>>) semaphore(%run_scoped3A_408 : memref<!tpu.dma_semaphore, #tpu.memory_space<semaphore_mem>>) {add = true}
          %dma_wait3A_415 = arith.constant 0 : i32
          %dma_wait3A_416 = tpu.memref_slice %arg9[%run_scoped3A_223, %dma_wait3A_415] : memref<8x128xi32, #tpu.memory_space<vmem>> -> memref<1x128xi32, #tpu.memory_space<vmem>>
          %dma_wait3A_417 = tpu.memref_squeeze %dma_wait3A_416 : memref<1x128xi32, #tpu.memory_space<vmem>> -> memref<128xi32, #tpu.memory_space<vmem>>
          %dma_wait3A_418 = arith.constant 0 : i32
          %dma_wait3A_419 = arith.constant 0 : i32
          %dma_wait3A_420 = tpu.memref_slice %arg13[%dma_wait3A_418, %dma_wait3A_419] : memref<10240x128xf32, #tpu.memory_space<vmem_shared>> -> memref<10240x128xf32, #tpu.memory_space<vmem_shared>>
          tpu.wait_indirect_dma semaphore(%run_scoped3A_408 : memref<!tpu.dma_semaphore, #tpu.memory_space<semaphore_mem>>) src(%arg12 : memref<128x128xf32, #tpu.memory_space<vmem>>) dst(%dma_wait3A_420 : memref<10240x128xf32, #tpu.memory_space<vmem_shared>>)
          tpu.yield
        }) : () -> ()
        %mul3A_224 = arith.constant 2 : i32
        %mul3A_225 = arith.muli %mul3A_224, %add3A_86 : i32
        %add3A_226 = arith.constant 2 : i32
        %add3A_227 = arith.addi %mul3A_225, %add3A_226 : i32
        %mul3A_228 = arith.constant 16 : i32
        %mul3A_229 = arith.muli %add3A_227, %mul3A_228 : i32
        %add3A_230 = arith.addi %mul3A_229, %arg1 : i32
        %mul3A_231 = arith.constant 8 : i32
        %mul3A_232 = arith.muli %add3A_230, %mul3A_231 : i32
        %dma_start3A_233 = arith.constant 0 : i32
        %dma_start3A_234 = arith.constant 0 : i32
        %dma_start3A_235 = tpu.memref_slice %arg4[%mul3A_232, %dma_start3A_234] : memref<1536x128xi32, #tpu.memory_space<hbm>> -> memref<8x128xi32, #tpu.memory_space<hbm>>
        %dma_start3A_236 = tpu.memref_slice %arg14[%dma_start3A_233] : memref<2x!tpu.dma_semaphore, #tpu.memory_space<semaphore_mem>> -> memref<1x!tpu.dma_semaphore, #tpu.memory_space<semaphore_mem>>
        %dma_start3A_237 = tpu.memref_squeeze %dma_start3A_236 : memref<1x!tpu.dma_semaphore, #tpu.memory_space<semaphore_mem>> -> memref<!tpu.dma_semaphore, #tpu.memory_space<semaphore_mem>>
        %dma_start3A_238 = arith.constant 0 : i32
        %dma_start3A_239 = tpu.memref_slice %arg4[%mul3A_232, %dma_start3A_238] : memref<1536x128xi32, #tpu.memory_space<hbm>> -> memref<8x128xi32, #tpu.memory_space<hbm>>
        tpu.enqueue_dma source(%dma_start3A_239 : memref<8x128xi32, #tpu.memory_space<hbm>>) target(%arg8 : memref<8x128xi32, #tpu.memory_space<vmem>>) target_semaphore(%dma_start3A_237 : memref<!tpu.dma_semaphore, #tpu.memory_space<semaphore_mem>>)
        %dma_start3A_240 = arith.constant 0 : i32
        %dma_start3A_241 = arith.constant 0 : i32
        %dma_start3A_242 = tpu.memref_slice %arg5[%mul3A_232, %dma_start3A_241] : memref<1536x128xi32, #tpu.memory_space<hbm>> -> memref<8x128xi32, #tpu.memory_space<hbm>>
        %dma_start3A_243 = tpu.memref_slice %arg14[%dma_start3A_240] : memref<2x!tpu.dma_semaphore, #tpu.memory_space<semaphore_mem>> -> memref<1x!tpu.dma_semaphore, #tpu.memory_space<semaphore_mem>>
        %dma_start3A_244 = tpu.memref_squeeze %dma_start3A_243 : memref<1x!tpu.dma_semaphore, #tpu.memory_space<semaphore_mem>> -> memref<!tpu.dma_semaphore, #tpu.memory_space<semaphore_mem>>
        %dma_start3A_245 = arith.constant 0 : i32
        %dma_start3A_246 = tpu.memref_slice %arg5[%mul3A_232, %dma_start3A_245] : memref<1536x128xi32, #tpu.memory_space<hbm>> -> memref<8x128xi32, #tpu.memory_space<hbm>>
        tpu.enqueue_dma source(%dma_start3A_246 : memref<8x128xi32, #tpu.memory_space<hbm>>) target(%arg9 : memref<8x128xi32, #tpu.memory_space<vmem>>) target_semaphore(%dma_start3A_244 : memref<!tpu.dma_semaphore, #tpu.memory_space<semaphore_mem>>)
        %dma_wait3A_247 = arith.constant 1 : i32
        %dma_wait3A_248 = arith.constant 0 : i32
        %dma_wait3A_249 = arith.constant 0 : i32
        %dma_wait3A_250 = tpu.memref_slice %arg4[%dma_wait3A_248, %dma_wait3A_249] : memref<1536x128xi32, #tpu.memory_space<hbm>> -> memref<8x128xi32, #tpu.memory_space<hbm>>
        %dma_wait3A_251 = tpu.memref_slice %arg14[%dma_wait3A_247] : memref<2x!tpu.dma_semaphore, #tpu.memory_space<semaphore_mem>> -> memref<1x!tpu.dma_semaphore, #tpu.memory_space<semaphore_mem>>
        %dma_wait3A_252 = tpu.memref_squeeze %dma_wait3A_251 : memref<1x!tpu.dma_semaphore, #tpu.memory_space<semaphore_mem>> -> memref<!tpu.dma_semaphore, #tpu.memory_space<semaphore_mem>>
        %dma_wait3A_253 = arith.constant 0 : i32
        %dma_wait3A_254 = arith.constant 0 : i32
        %dma_wait3A_255 = tpu.memref_slice %arg4[%dma_wait3A_253, %dma_wait3A_254] : memref<1536x128xi32, #tpu.memory_space<hbm>> -> memref<8x128xi32, #tpu.memory_space<hbm>>
        tpu.wait_dma2 semaphore(%dma_wait3A_252 : memref<!tpu.dma_semaphore, #tpu.memory_space<semaphore_mem>>) src(%dma_wait3A_255 : memref<8x128xi32, #tpu.memory_space<hbm>>) dst(%arg10 : memref<8x128xi32, #tpu.memory_space<vmem>>)
        %dma_wait3A_256 = arith.constant 1 : i32
        %dma_wait3A_257 = arith.constant 0 : i32
        %dma_wait3A_258 = arith.constant 0 : i32
        %dma_wait3A_259 = tpu.memref_slice %arg5[%dma_wait3A_257, %dma_wait3A_258] : memref<1536x128xi32, #tpu.memory_space<hbm>> -> memref<8x128xi32, #tpu.memory_space<hbm>>
        %dma_wait3A_260 = tpu.memref_slice %arg14[%dma_wait3A_256] : memref<2x!tpu.dma_semaphore, #tpu.memory_space<semaphore_mem>> -> memref<1x!tpu.dma_semaphore, #tpu.memory_space<semaphore_mem>>
        %dma_wait3A_261 = tpu.memref_squeeze %dma_wait3A_260 : memref<1x!tpu.dma_semaphore, #tpu.memory_space<semaphore_mem>> -> memref<!tpu.dma_semaphore, #tpu.memory_space<semaphore_mem>>
        %dma_wait3A_262 = arith.constant 0 : i32
        %dma_wait3A_263 = arith.constant 0 : i32
        %dma_wait3A_264 = tpu.memref_slice %arg5[%dma_wait3A_262, %dma_wait3A_263] : memref<1536x128xi32, #tpu.memory_space<hbm>> -> memref<8x128xi32, #tpu.memory_space<hbm>>
        tpu.wait_dma2 semaphore(%dma_wait3A_261 : memref<!tpu.dma_semaphore, #tpu.memory_space<semaphore_mem>>) src(%dma_wait3A_264 : memref<8x128xi32, #tpu.memory_space<hbm>>) dst(%arg11 : memref<8x128xi32, #tpu.memory_space<vmem>>)
        %dma_start3A_265 = arith.constant 0 : i32
        %dma_start3A_266 = arith.constant 0 : i32
        %dma_start3A_267 = tpu.memref_slice %arg10[%dma_start3A_265, %dma_start3A_266] : memref<8x128xi32, #tpu.memory_space<vmem>> -> memref<1x128xi32, #tpu.memory_space<vmem>>
        %dma_start3A_268 = tpu.memref_squeeze %dma_start3A_267 : memref<1x128xi32, #tpu.memory_space<vmem>> -> memref<128xi32, #tpu.memory_space<vmem>>
        %dma_start3A_269 = arith.constant 0 : i32
        %dma_start3A_270 = arith.constant 0 : i32
        %dma_start3A_271 = tpu.memref_slice %arg3[%dma_start3A_269, %dma_start3A_270] : memref<10240x128xf32, #tpu.memory_space<hbm>> -> memref<10240x128xf32, #tpu.memory_space<hbm>>
        tpu.enqueue_indirect_dma source(%dma_start3A_271 : memref<10240x128xf32, #tpu.memory_space<hbm>>) target(%arg12 : memref<128x128xf32, #tpu.memory_space<vmem>>) offsets(%dma_start3A_268 : memref<128xi32, #tpu.memory_space<vmem>>) semaphore(%arg15 : memref<!tpu.dma_semaphore, #tpu.memory_space<semaphore_mem>>)
        %dma_wait3A_272 = arith.constant 0 : i32
        %dma_wait3A_273 = arith.constant 0 : i32
        %dma_wait3A_274 = tpu.memref_slice %arg10[%dma_wait3A_272, %dma_wait3A_273] : memref<8x128xi32, #tpu.memory_space<vmem>> -> memref<1x128xi32, #tpu.memory_space<vmem>>
        %dma_wait3A_275 = tpu.memref_squeeze %dma_wait3A_274 : memref<1x128xi32, #tpu.memory_space<vmem>> -> memref<128xi32, #tpu.memory_space<vmem>>
        %dma_wait3A_276 = arith.constant 0 : i32
        %dma_wait3A_277 = arith.constant 0 : i32
        %dma_wait3A_278 = tpu.memref_slice %arg3[%dma_wait3A_276, %dma_wait3A_277] : memref<10240x128xf32, #tpu.memory_space<hbm>> -> memref<10240x128xf32, #tpu.memory_space<hbm>>
        tpu.wait_indirect_dma semaphore(%arg15 : memref<!tpu.dma_semaphore, #tpu.memory_space<semaphore_mem>>) src(%dma_wait3A_278 : memref<10240x128xf32, #tpu.memory_space<hbm>>) dst(%arg12 : memref<128x128xf32, #tpu.memory_space<vmem>>)
        %run_scoped3A_279 = arith.constant 0 : i32
        "tpu.region"() ({
          %run_scoped3A_408 = tpu.sem_alloc : memref<!tpu.dma_semaphore, #tpu.memory_space<semaphore_mem>>
          %dma_start3A_409 = arith.constant 0 : i32
          %dma_start3A_410 = tpu.memref_slice %arg11[%run_scoped3A_279, %dma_start3A_409] : memref<8x128xi32, #tpu.memory_space<vmem>> -> memref<1x128xi32, #tpu.memory_space<vmem>>
          %dma_start3A_411 = tpu.memref_squeeze %dma_start3A_410 : memref<1x128xi32, #tpu.memory_space<vmem>> -> memref<128xi32, #tpu.memory_space<vmem>>
          %dma_start3A_412 = arith.constant 0 : i32
          %dma_start3A_413 = arith.constant 0 : i32
          %dma_start3A_414 = tpu.memref_slice %arg13[%dma_start3A_412, %dma_start3A_413] : memref<10240x128xf32, #tpu.memory_space<vmem_shared>> -> memref<10240x128xf32, #tpu.memory_space<vmem_shared>>
          tpu.enqueue_indirect_dma source(%arg12 : memref<128x128xf32, #tpu.memory_space<vmem>>) target(%dma_start3A_414 : memref<10240x128xf32, #tpu.memory_space<vmem_shared>>) offsets(%dma_start3A_411 : memref<128xi32, #tpu.memory_space<vmem>>) semaphore(%run_scoped3A_408 : memref<!tpu.dma_semaphore, #tpu.memory_space<semaphore_mem>>) {add = true}
          %dma_wait3A_415 = arith.constant 0 : i32
          %dma_wait3A_416 = tpu.memref_slice %arg11[%run_scoped3A_279, %dma_wait3A_415] : memref<8x128xi32, #tpu.memory_space<vmem>> -> memref<1x128xi32, #tpu.memory_space<vmem>>
          %dma_wait3A_417 = tpu.memref_squeeze %dma_wait3A_416 : memref<1x128xi32, #tpu.memory_space<vmem>> -> memref<128xi32, #tpu.memory_space<vmem>>
          %dma_wait3A_418 = arith.constant 0 : i32
          %dma_wait3A_419 = arith.constant 0 : i32
          %dma_wait3A_420 = tpu.memref_slice %arg13[%dma_wait3A_418, %dma_wait3A_419] : memref<10240x128xf32, #tpu.memory_space<vmem_shared>> -> memref<10240x128xf32, #tpu.memory_space<vmem_shared>>
          tpu.wait_indirect_dma semaphore(%run_scoped3A_408 : memref<!tpu.dma_semaphore, #tpu.memory_space<semaphore_mem>>) src(%arg12 : memref<128x128xf32, #tpu.memory_space<vmem>>) dst(%dma_wait3A_420 : memref<10240x128xf32, #tpu.memory_space<vmem_shared>>)
          tpu.yield
        }) : () -> ()
        %dma_start3A_280 = arith.constant 1 : i32
        %dma_start3A_281 = arith.constant 0 : i32
        %dma_start3A_282 = tpu.memref_slice %arg10[%dma_start3A_280, %dma_start3A_281] : memref<8x128xi32, #tpu.memory_space<vmem>> -> memref<1x128xi32, #tpu.memory_space<vmem>>
        %dma_start3A_283 = tpu.memref_squeeze %dma_start3A_282 : memref<1x128xi32, #tpu.memory_space<vmem>> -> memref<128xi32, #tpu.memory_space<vmem>>
        %dma_start3A_284 = arith.constant 0 : i32
        %dma_start3A_285 = arith.constant 0 : i32
        %dma_start3A_286 = tpu.memref_slice %arg3[%dma_start3A_284, %dma_start3A_285] : memref<10240x128xf32, #tpu.memory_space<hbm>> -> memref<10240x128xf32, #tpu.memory_space<hbm>>
        tpu.enqueue_indirect_dma source(%dma_start3A_286 : memref<10240x128xf32, #tpu.memory_space<hbm>>) target(%arg12 : memref<128x128xf32, #tpu.memory_space<vmem>>) offsets(%dma_start3A_283 : memref<128xi32, #tpu.memory_space<vmem>>) semaphore(%arg15 : memref<!tpu.dma_semaphore, #tpu.memory_space<semaphore_mem>>)
        %dma_wait3A_287 = arith.constant 1 : i32
        %dma_wait3A_288 = arith.constant 0 : i32
        %dma_wait3A_289 = tpu.memref_slice %arg10[%dma_wait3A_287, %dma_wait3A_288] : memref<8x128xi32, #tpu.memory_space<vmem>> -> memref<1x128xi32, #tpu.memory_space<vmem>>
        %dma_wait3A_290 = tpu.memref_squeeze %dma_wait3A_289 : memref<1x128xi32, #tpu.memory_space<vmem>> -> memref<128xi32, #tpu.memory_space<vmem>>
        %dma_wait3A_291 = arith.constant 0 : i32
        %dma_wait3A_292 = arith.constant 0 : i32
        %dma_wait3A_293 = tpu.memref_slice %arg3[%dma_wait3A_291, %dma_wait3A_292] : memref<10240x128xf32, #tpu.memory_space<hbm>> -> memref<10240x128xf32, #tpu.memory_space<hbm>>
        tpu.wait_indirect_dma semaphore(%arg15 : memref<!tpu.dma_semaphore, #tpu.memory_space<semaphore_mem>>) src(%dma_wait3A_293 : memref<10240x128xf32, #tpu.memory_space<hbm>>) dst(%arg12 : memref<128x128xf32, #tpu.memory_space<vmem>>)
        %run_scoped3A_294 = arith.constant 1 : i32
        "tpu.region"() ({
          %run_scoped3A_408 = tpu.sem_alloc : memref<!tpu.dma_semaphore, #tpu.memory_space<semaphore_mem>>
          %dma_start3A_409 = arith.constant 0 : i32
          %dma_start3A_410 = tpu.memref_slice %arg11[%run_scoped3A_294, %dma_start3A_409] : memref<8x128xi32, #tpu.memory_space<vmem>> -> memref<1x128xi32, #tpu.memory_space<vmem>>
          %dma_start3A_411 = tpu.memref_squeeze %dma_start3A_410 : memref<1x128xi32, #tpu.memory_space<vmem>> -> memref<128xi32, #tpu.memory_space<vmem>>
          %dma_start3A_412 = arith.constant 0 : i32
          %dma_start3A_413 = arith.constant 0 : i32
          %dma_start3A_414 = tpu.memref_slice %arg13[%dma_start3A_412, %dma_start3A_413] : memref<10240x128xf32, #tpu.memory_space<vmem_shared>> -> memref<10240x128xf32, #tpu.memory_space<vmem_shared>>
          tpu.enqueue_indirect_dma source(%arg12 : memref<128x128xf32, #tpu.memory_space<vmem>>) target(%dma_start3A_414 : memref<10240x128xf32, #tpu.memory_space<vmem_shared>>) offsets(%dma_start3A_411 : memref<128xi32, #tpu.memory_space<vmem>>) semaphore(%run_scoped3A_408 : memref<!tpu.dma_semaphore, #tpu.memory_space<semaphore_mem>>) {add = true}
          %dma_wait3A_415 = arith.constant 0 : i32
          %dma_wait3A_416 = tpu.memref_slice %arg11[%run_scoped3A_294, %dma_wait3A_415] : memref<8x128xi32, #tpu.memory_space<vmem>> -> memref<1x128xi32, #tpu.memory_space<vmem>>
          %dma_wait3A_417 = tpu.memref_squeeze %dma_wait3A_416 : memref<1x128xi32, #tpu.memory_space<vmem>> -> memref<128xi32, #tpu.memory_space<vmem>>
          %dma_wait3A_418 = arith.constant 0 : i32
          %dma_wait3A_419 = arith.constant 0 : i32
          %dma_wait3A_420 = tpu.memref_slice %arg13[%dma_wait3A_418, %dma_wait3A_419] : memref<10240x128xf32, #tpu.memory_space<vmem_shared>> -> memref<10240x128xf32, #tpu.memory_space<vmem_shared>>
          tpu.wait_indirect_dma semaphore(%run_scoped3A_408 : memref<!tpu.dma_semaphore, #tpu.memory_space<semaphore_mem>>) src(%arg12 : memref<128x128xf32, #tpu.memory_space<vmem>>) dst(%dma_wait3A_420 : memref<10240x128xf32, #tpu.memory_space<vmem_shared>>)
          tpu.yield
        }) : () -> ()
        %dma_start3A_295 = arith.constant 2 : i32
        %dma_start3A_296 = arith.constant 0 : i32
        %dma_start3A_297 = tpu.memref_slice %arg10[%dma_start3A_295, %dma_start3A_296] : memref<8x128xi32, #tpu.memory_space<vmem>> -> memref<1x128xi32, #tpu.memory_space<vmem>>
        %dma_start3A_298 = tpu.memref_squeeze %dma_start3A_297 : memref<1x128xi32, #tpu.memory_space<vmem>> -> memref<128xi32, #tpu.memory_space<vmem>>
        %dma_start3A_299 = arith.constant 0 : i32
        %dma_start3A_300 = arith.constant 0 : i32
        %dma_start3A_301 = tpu.memref_slice %arg3[%dma_start3A_299, %dma_start3A_300] : memref<10240x128xf32, #tpu.memory_space<hbm>> -> memref<10240x128xf32, #tpu.memory_space<hbm>>
        tpu.enqueue_indirect_dma source(%dma_start3A_301 : memref<10240x128xf32, #tpu.memory_space<hbm>>) target(%arg12 : memref<128x128xf32, #tpu.memory_space<vmem>>) offsets(%dma_start3A_298 : memref<128xi32, #tpu.memory_space<vmem>>) semaphore(%arg15 : memref<!tpu.dma_semaphore, #tpu.memory_space<semaphore_mem>>)
        %dma_wait3A_302 = arith.constant 2 : i32
        %dma_wait3A_303 = arith.constant 0 : i32
        %dma_wait3A_304 = tpu.memref_slice %arg10[%dma_wait3A_302, %dma_wait3A_303] : memref<8x128xi32, #tpu.memory_space<vmem>> -> memref<1x128xi32, #tpu.memory_space<vmem>>
        %dma_wait3A_305 = tpu.memref_squeeze %dma_wait3A_304 : memref<1x128xi32, #tpu.memory_space<vmem>> -> memref<128xi32, #tpu.memory_space<vmem>>
        %dma_wait3A_306 = arith.constant 0 : i32
        %dma_wait3A_307 = arith.constant 0 : i32
        %dma_wait3A_308 = tpu.memref_slice %arg3[%dma_wait3A_306, %dma_wait3A_307] : memref<10240x128xf32, #tpu.memory_space<hbm>> -> memref<10240x128xf32, #tpu.memory_space<hbm>>
        tpu.wait_indirect_dma semaphore(%arg15 : memref<!tpu.dma_semaphore, #tpu.memory_space<semaphore_mem>>) src(%dma_wait3A_308 : memref<10240x128xf32, #tpu.memory_space<hbm>>) dst(%arg12 : memref<128x128xf32, #tpu.memory_space<vmem>>)
        %run_scoped3A_309 = arith.constant 2 : i32
        "tpu.region"() ({
          %run_scoped3A_408 = tpu.sem_alloc : memref<!tpu.dma_semaphore, #tpu.memory_space<semaphore_mem>>
          %dma_start3A_409 = arith.constant 0 : i32
          %dma_start3A_410 = tpu.memref_slice %arg11[%run_scoped3A_309, %dma_start3A_409] : memref<8x128xi32, #tpu.memory_space<vmem>> -> memref<1x128xi32, #tpu.memory_space<vmem>>
          %dma_start3A_411 = tpu.memref_squeeze %dma_start3A_410 : memref<1x128xi32, #tpu.memory_space<vmem>> -> memref<128xi32, #tpu.memory_space<vmem>>
          %dma_start3A_412 = arith.constant 0 : i32
          %dma_start3A_413 = arith.constant 0 : i32
          %dma_start3A_414 = tpu.memref_slice %arg13[%dma_start3A_412, %dma_start3A_413] : memref<10240x128xf32, #tpu.memory_space<vmem_shared>> -> memref<10240x128xf32, #tpu.memory_space<vmem_shared>>
          tpu.enqueue_indirect_dma source(%arg12 : memref<128x128xf32, #tpu.memory_space<vmem>>) target(%dma_start3A_414 : memref<10240x128xf32, #tpu.memory_space<vmem_shared>>) offsets(%dma_start3A_411 : memref<128xi32, #tpu.memory_space<vmem>>) semaphore(%run_scoped3A_408 : memref<!tpu.dma_semaphore, #tpu.memory_space<semaphore_mem>>) {add = true}
          %dma_wait3A_415 = arith.constant 0 : i32
          %dma_wait3A_416 = tpu.memref_slice %arg11[%run_scoped3A_309, %dma_wait3A_415] : memref<8x128xi32, #tpu.memory_space<vmem>> -> memref<1x128xi32, #tpu.memory_space<vmem>>
          %dma_wait3A_417 = tpu.memref_squeeze %dma_wait3A_416 : memref<1x128xi32, #tpu.memory_space<vmem>> -> memref<128xi32, #tpu.memory_space<vmem>>
          %dma_wait3A_418 = arith.constant 0 : i32
          %dma_wait3A_419 = arith.constant 0 : i32
          %dma_wait3A_420 = tpu.memref_slice %arg13[%dma_wait3A_418, %dma_wait3A_419] : memref<10240x128xf32, #tpu.memory_space<vmem_shared>> -> memref<10240x128xf32, #tpu.memory_space<vmem_shared>>
          tpu.wait_indirect_dma semaphore(%run_scoped3A_408 : memref<!tpu.dma_semaphore, #tpu.memory_space<semaphore_mem>>) src(%arg12 : memref<128x128xf32, #tpu.memory_space<vmem>>) dst(%dma_wait3A_420 : memref<10240x128xf32, #tpu.memory_space<vmem_shared>>)
          tpu.yield
        }) : () -> ()
        %dma_start3A_310 = arith.constant 3 : i32
        %dma_start3A_311 = arith.constant 0 : i32
        %dma_start3A_312 = tpu.memref_slice %arg10[%dma_start3A_310, %dma_start3A_311] : memref<8x128xi32, #tpu.memory_space<vmem>> -> memref<1x128xi32, #tpu.memory_space<vmem>>
        %dma_start3A_313 = tpu.memref_squeeze %dma_start3A_312 : memref<1x128xi32, #tpu.memory_space<vmem>> -> memref<128xi32, #tpu.memory_space<vmem>>
        %dma_start3A_314 = arith.constant 0 : i32
        %dma_start3A_315 = arith.constant 0 : i32
        %dma_start3A_316 = tpu.memref_slice %arg3[%dma_start3A_314, %dma_start3A_315] : memref<10240x128xf32, #tpu.memory_space<hbm>> -> memref<10240x128xf32, #tpu.memory_space<hbm>>
        tpu.enqueue_indirect_dma source(%dma_start3A_316 : memref<10240x128xf32, #tpu.memory_space<hbm>>) target(%arg12 : memref<128x128xf32, #tpu.memory_space<vmem>>) offsets(%dma_start3A_313 : memref<128xi32, #tpu.memory_space<vmem>>) semaphore(%arg15 : memref<!tpu.dma_semaphore, #tpu.memory_space<semaphore_mem>>)
        %dma_wait3A_317 = arith.constant 3 : i32
        %dma_wait3A_318 = arith.constant 0 : i32
        %dma_wait3A_319 = tpu.memref_slice %arg10[%dma_wait3A_317, %dma_wait3A_318] : memref<8x128xi32, #tpu.memory_space<vmem>> -> memref<1x128xi32, #tpu.memory_space<vmem>>
        %dma_wait3A_320 = tpu.memref_squeeze %dma_wait3A_319 : memref<1x128xi32, #tpu.memory_space<vmem>> -> memref<128xi32, #tpu.memory_space<vmem>>
        %dma_wait3A_321 = arith.constant 0 : i32
        %dma_wait3A_322 = arith.constant 0 : i32
        %dma_wait3A_323 = tpu.memref_slice %arg3[%dma_wait3A_321, %dma_wait3A_322] : memref<10240x128xf32, #tpu.memory_space<hbm>> -> memref<10240x128xf32, #tpu.memory_space<hbm>>
        tpu.wait_indirect_dma semaphore(%arg15 : memref<!tpu.dma_semaphore, #tpu.memory_space<semaphore_mem>>) src(%dma_wait3A_323 : memref<10240x128xf32, #tpu.memory_space<hbm>>) dst(%arg12 : memref<128x128xf32, #tpu.memory_space<vmem>>)
        %run_scoped3A_324 = arith.constant 3 : i32
        "tpu.region"() ({
          %run_scoped3A_408 = tpu.sem_alloc : memref<!tpu.dma_semaphore, #tpu.memory_space<semaphore_mem>>
          %dma_start3A_409 = arith.constant 0 : i32
          %dma_start3A_410 = tpu.memref_slice %arg11[%run_scoped3A_324, %dma_start3A_409] : memref<8x128xi32, #tpu.memory_space<vmem>> -> memref<1x128xi32, #tpu.memory_space<vmem>>
          %dma_start3A_411 = tpu.memref_squeeze %dma_start3A_410 : memref<1x128xi32, #tpu.memory_space<vmem>> -> memref<128xi32, #tpu.memory_space<vmem>>
          %dma_start3A_412 = arith.constant 0 : i32
          %dma_start3A_413 = arith.constant 0 : i32
          %dma_start3A_414 = tpu.memref_slice %arg13[%dma_start3A_412, %dma_start3A_413] : memref<10240x128xf32, #tpu.memory_space<vmem_shared>> -> memref<10240x128xf32, #tpu.memory_space<vmem_shared>>
          tpu.enqueue_indirect_dma source(%arg12 : memref<128x128xf32, #tpu.memory_space<vmem>>) target(%dma_start3A_414 : memref<10240x128xf32, #tpu.memory_space<vmem_shared>>) offsets(%dma_start3A_411 : memref<128xi32, #tpu.memory_space<vmem>>) semaphore(%run_scoped3A_408 : memref<!tpu.dma_semaphore, #tpu.memory_space<semaphore_mem>>) {add = true}
          %dma_wait3A_415 = arith.constant 0 : i32
          %dma_wait3A_416 = tpu.memref_slice %arg11[%run_scoped3A_324, %dma_wait3A_415] : memref<8x128xi32, #tpu.memory_space<vmem>> -> memref<1x128xi32, #tpu.memory_space<vmem>>
          %dma_wait3A_417 = tpu.memref_squeeze %dma_wait3A_416 : memref<1x128xi32, #tpu.memory_space<vmem>> -> memref<128xi32, #tpu.memory_space<vmem>>
          %dma_wait3A_418 = arith.constant 0 : i32
          %dma_wait3A_419 = arith.constant 0 : i32
          %dma_wait3A_420 = tpu.memref_slice %arg13[%dma_wait3A_418, %dma_wait3A_419] : memref<10240x128xf32, #tpu.memory_space<vmem_shared>> -> memref<10240x128xf32, #tpu.memory_space<vmem_shared>>
          tpu.wait_indirect_dma semaphore(%run_scoped3A_408 : memref<!tpu.dma_semaphore, #tpu.memory_space<semaphore_mem>>) src(%arg12 : memref<128x128xf32, #tpu.memory_space<vmem>>) dst(%dma_wait3A_420 : memref<10240x128xf32, #tpu.memory_space<vmem_shared>>)
          tpu.yield
        }) : () -> ()
        %dma_start3A_325 = arith.constant 4 : i32
        %dma_start3A_326 = arith.constant 0 : i32
        %dma_start3A_327 = tpu.memref_slice %arg10[%dma_start3A_325, %dma_start3A_326] : memref<8x128xi32, #tpu.memory_space<vmem>> -> memref<1x128xi32, #tpu.memory_space<vmem>>
        %dma_start3A_328 = tpu.memref_squeeze %dma_start3A_327 : memref<1x128xi32, #tpu.memory_space<vmem>> -> memref<128xi32, #tpu.memory_space<vmem>>
        %dma_start3A_329 = arith.constant 0 : i32
        %dma_start3A_330 = arith.constant 0 : i32
        %dma_start3A_331 = tpu.memref_slice %arg3[%dma_start3A_329, %dma_start3A_330] : memref<10240x128xf32, #tpu.memory_space<hbm>> -> memref<10240x128xf32, #tpu.memory_space<hbm>>
        tpu.enqueue_indirect_dma source(%dma_start3A_331 : memref<10240x128xf32, #tpu.memory_space<hbm>>) target(%arg12 : memref<128x128xf32, #tpu.memory_space<vmem>>) offsets(%dma_start3A_328 : memref<128xi32, #tpu.memory_space<vmem>>) semaphore(%arg15 : memref<!tpu.dma_semaphore, #tpu.memory_space<semaphore_mem>>)
        %dma_wait3A_332 = arith.constant 4 : i32
        %dma_wait3A_333 = arith.constant 0 : i32
        %dma_wait3A_334 = tpu.memref_slice %arg10[%dma_wait3A_332, %dma_wait3A_333] : memref<8x128xi32, #tpu.memory_space<vmem>> -> memref<1x128xi32, #tpu.memory_space<vmem>>
        %dma_wait3A_335 = tpu.memref_squeeze %dma_wait3A_334 : memref<1x128xi32, #tpu.memory_space<vmem>> -> memref<128xi32, #tpu.memory_space<vmem>>
        %dma_wait3A_336 = arith.constant 0 : i32
        %dma_wait3A_337 = arith.constant 0 : i32
        %dma_wait3A_338 = tpu.memref_slice %arg3[%dma_wait3A_336, %dma_wait3A_337] : memref<10240x128xf32, #tpu.memory_space<hbm>> -> memref<10240x128xf32, #tpu.memory_space<hbm>>
        tpu.wait_indirect_dma semaphore(%arg15 : memref<!tpu.dma_semaphore, #tpu.memory_space<semaphore_mem>>) src(%dma_wait3A_338 : memref<10240x128xf32, #tpu.memory_space<hbm>>) dst(%arg12 : memref<128x128xf32, #tpu.memory_space<vmem>>)
        %run_scoped3A_339 = arith.constant 4 : i32
        "tpu.region"() ({
          %run_scoped3A_408 = tpu.sem_alloc : memref<!tpu.dma_semaphore, #tpu.memory_space<semaphore_mem>>
          %dma_start3A_409 = arith.constant 0 : i32
          %dma_start3A_410 = tpu.memref_slice %arg11[%run_scoped3A_339, %dma_start3A_409] : memref<8x128xi32, #tpu.memory_space<vmem>> -> memref<1x128xi32, #tpu.memory_space<vmem>>
          %dma_start3A_411 = tpu.memref_squeeze %dma_start3A_410 : memref<1x128xi32, #tpu.memory_space<vmem>> -> memref<128xi32, #tpu.memory_space<vmem>>
          %dma_start3A_412 = arith.constant 0 : i32
          %dma_start3A_413 = arith.constant 0 : i32
          %dma_start3A_414 = tpu.memref_slice %arg13[%dma_start3A_412, %dma_start3A_413] : memref<10240x128xf32, #tpu.memory_space<vmem_shared>> -> memref<10240x128xf32, #tpu.memory_space<vmem_shared>>
          tpu.enqueue_indirect_dma source(%arg12 : memref<128x128xf32, #tpu.memory_space<vmem>>) target(%dma_start3A_414 : memref<10240x128xf32, #tpu.memory_space<vmem_shared>>) offsets(%dma_start3A_411 : memref<128xi32, #tpu.memory_space<vmem>>) semaphore(%run_scoped3A_408 : memref<!tpu.dma_semaphore, #tpu.memory_space<semaphore_mem>>) {add = true}
          %dma_wait3A_415 = arith.constant 0 : i32
          %dma_wait3A_416 = tpu.memref_slice %arg11[%run_scoped3A_339, %dma_wait3A_415] : memref<8x128xi32, #tpu.memory_space<vmem>> -> memref<1x128xi32, #tpu.memory_space<vmem>>
          %dma_wait3A_417 = tpu.memref_squeeze %dma_wait3A_416 : memref<1x128xi32, #tpu.memory_space<vmem>> -> memref<128xi32, #tpu.memory_space<vmem>>
          %dma_wait3A_418 = arith.constant 0 : i32
          %dma_wait3A_419 = arith.constant 0 : i32
          %dma_wait3A_420 = tpu.memref_slice %arg13[%dma_wait3A_418, %dma_wait3A_419] : memref<10240x128xf32, #tpu.memory_space<vmem_shared>> -> memref<10240x128xf32, #tpu.memory_space<vmem_shared>>
          tpu.wait_indirect_dma semaphore(%run_scoped3A_408 : memref<!tpu.dma_semaphore, #tpu.memory_space<semaphore_mem>>) src(%arg12 : memref<128x128xf32, #tpu.memory_space<vmem>>) dst(%dma_wait3A_420 : memref<10240x128xf32, #tpu.memory_space<vmem_shared>>)
          tpu.yield
        }) : () -> ()
        %dma_start3A_340 = arith.constant 5 : i32
        %dma_start3A_341 = arith.constant 0 : i32
        %dma_start3A_342 = tpu.memref_slice %arg10[%dma_start3A_340, %dma_start3A_341] : memref<8x128xi32, #tpu.memory_space<vmem>> -> memref<1x128xi32, #tpu.memory_space<vmem>>
        %dma_start3A_343 = tpu.memref_squeeze %dma_start3A_342 : memref<1x128xi32, #tpu.memory_space<vmem>> -> memref<128xi32, #tpu.memory_space<vmem>>
        %dma_start3A_344 = arith.constant 0 : i32
        %dma_start3A_345 = arith.constant 0 : i32
        %dma_start3A_346 = tpu.memref_slice %arg3[%dma_start3A_344, %dma_start3A_345] : memref<10240x128xf32, #tpu.memory_space<hbm>> -> memref<10240x128xf32, #tpu.memory_space<hbm>>
        tpu.enqueue_indirect_dma source(%dma_start3A_346 : memref<10240x128xf32, #tpu.memory_space<hbm>>) target(%arg12 : memref<128x128xf32, #tpu.memory_space<vmem>>) offsets(%dma_start3A_343 : memref<128xi32, #tpu.memory_space<vmem>>) semaphore(%arg15 : memref<!tpu.dma_semaphore, #tpu.memory_space<semaphore_mem>>)
        %dma_wait3A_347 = arith.constant 5 : i32
        %dma_wait3A_348 = arith.constant 0 : i32
        %dma_wait3A_349 = tpu.memref_slice %arg10[%dma_wait3A_347, %dma_wait3A_348] : memref<8x128xi32, #tpu.memory_space<vmem>> -> memref<1x128xi32, #tpu.memory_space<vmem>>
        %dma_wait3A_350 = tpu.memref_squeeze %dma_wait3A_349 : memref<1x128xi32, #tpu.memory_space<vmem>> -> memref<128xi32, #tpu.memory_space<vmem>>
        %dma_wait3A_351 = arith.constant 0 : i32
        %dma_wait3A_352 = arith.constant 0 : i32
        %dma_wait3A_353 = tpu.memref_slice %arg3[%dma_wait3A_351, %dma_wait3A_352] : memref<10240x128xf32, #tpu.memory_space<hbm>> -> memref<10240x128xf32, #tpu.memory_space<hbm>>
        tpu.wait_indirect_dma semaphore(%arg15 : memref<!tpu.dma_semaphore, #tpu.memory_space<semaphore_mem>>) src(%dma_wait3A_353 : memref<10240x128xf32, #tpu.memory_space<hbm>>) dst(%arg12 : memref<128x128xf32, #tpu.memory_space<vmem>>)
        %run_scoped3A_354 = arith.constant 5 : i32
        "tpu.region"() ({
          %run_scoped3A_408 = tpu.sem_alloc : memref<!tpu.dma_semaphore, #tpu.memory_space<semaphore_mem>>
          %dma_start3A_409 = arith.constant 0 : i32
          %dma_start3A_410 = tpu.memref_slice %arg11[%run_scoped3A_354, %dma_start3A_409] : memref<8x128xi32, #tpu.memory_space<vmem>> -> memref<1x128xi32, #tpu.memory_space<vmem>>
          %dma_start3A_411 = tpu.memref_squeeze %dma_start3A_410 : memref<1x128xi32, #tpu.memory_space<vmem>> -> memref<128xi32, #tpu.memory_space<vmem>>
          %dma_start3A_412 = arith.constant 0 : i32
          %dma_start3A_413 = arith.constant 0 : i32
          %dma_start3A_414 = tpu.memref_slice %arg13[%dma_start3A_412, %dma_start3A_413] : memref<10240x128xf32, #tpu.memory_space<vmem_shared>> -> memref<10240x128xf32, #tpu.memory_space<vmem_shared>>
          tpu.enqueue_indirect_dma source(%arg12 : memref<128x128xf32, #tpu.memory_space<vmem>>) target(%dma_start3A_414 : memref<10240x128xf32, #tpu.memory_space<vmem_shared>>) offsets(%dma_start3A_411 : memref<128xi32, #tpu.memory_space<vmem>>) semaphore(%run_scoped3A_408 : memref<!tpu.dma_semaphore, #tpu.memory_space<semaphore_mem>>) {add = true}
          %dma_wait3A_415 = arith.constant 0 : i32
          %dma_wait3A_416 = tpu.memref_slice %arg11[%run_scoped3A_354, %dma_wait3A_415] : memref<8x128xi32, #tpu.memory_space<vmem>> -> memref<1x128xi32, #tpu.memory_space<vmem>>
          %dma_wait3A_417 = tpu.memref_squeeze %dma_wait3A_416 : memref<1x128xi32, #tpu.memory_space<vmem>> -> memref<128xi32, #tpu.memory_space<vmem>>
          %dma_wait3A_418 = arith.constant 0 : i32
          %dma_wait3A_419 = arith.constant 0 : i32
          %dma_wait3A_420 = tpu.memref_slice %arg13[%dma_wait3A_418, %dma_wait3A_419] : memref<10240x128xf32, #tpu.memory_space<vmem_shared>> -> memref<10240x128xf32, #tpu.memory_space<vmem_shared>>
          tpu.wait_indirect_dma semaphore(%run_scoped3A_408 : memref<!tpu.dma_semaphore, #tpu.memory_space<semaphore_mem>>) src(%arg12 : memref<128x128xf32, #tpu.memory_space<vmem>>) dst(%dma_wait3A_420 : memref<10240x128xf32, #tpu.memory_space<vmem_shared>>)
          tpu.yield
        }) : () -> ()
        %dma_start3A_355 = arith.constant 6 : i32
        %dma_start3A_356 = arith.constant 0 : i32
        %dma_start3A_357 = tpu.memref_slice %arg10[%dma_start3A_355, %dma_start3A_356] : memref<8x128xi32, #tpu.memory_space<vmem>> -> memref<1x128xi32, #tpu.memory_space<vmem>>
        %dma_start3A_358 = tpu.memref_squeeze %dma_start3A_357 : memref<1x128xi32, #tpu.memory_space<vmem>> -> memref<128xi32, #tpu.memory_space<vmem>>
        %dma_start3A_359 = arith.constant 0 : i32
        %dma_start3A_360 = arith.constant 0 : i32
        %dma_start3A_361 = tpu.memref_slice %arg3[%dma_start3A_359, %dma_start3A_360] : memref<10240x128xf32, #tpu.memory_space<hbm>> -> memref<10240x128xf32, #tpu.memory_space<hbm>>
        tpu.enqueue_indirect_dma source(%dma_start3A_361 : memref<10240x128xf32, #tpu.memory_space<hbm>>) target(%arg12 : memref<128x128xf32, #tpu.memory_space<vmem>>) offsets(%dma_start3A_358 : memref<128xi32, #tpu.memory_space<vmem>>) semaphore(%arg15 : memref<!tpu.dma_semaphore, #tpu.memory_space<semaphore_mem>>)
        %dma_wait3A_362 = arith.constant 6 : i32
        %dma_wait3A_363 = arith.constant 0 : i32
        %dma_wait3A_364 = tpu.memref_slice %arg10[%dma_wait3A_362, %dma_wait3A_363] : memref<8x128xi32, #tpu.memory_space<vmem>> -> memref<1x128xi32, #tpu.memory_space<vmem>>
        %dma_wait3A_365 = tpu.memref_squeeze %dma_wait3A_364 : memref<1x128xi32, #tpu.memory_space<vmem>> -> memref<128xi32, #tpu.memory_space<vmem>>
        %dma_wait3A_366 = arith.constant 0 : i32
        %dma_wait3A_367 = arith.constant 0 : i32
        %dma_wait3A_368 = tpu.memref_slice %arg3[%dma_wait3A_366, %dma_wait3A_367] : memref<10240x128xf32, #tpu.memory_space<hbm>> -> memref<10240x128xf32, #tpu.memory_space<hbm>>
        tpu.wait_indirect_dma semaphore(%arg15 : memref<!tpu.dma_semaphore, #tpu.memory_space<semaphore_mem>>) src(%dma_wait3A_368 : memref<10240x128xf32, #tpu.memory_space<hbm>>) dst(%arg12 : memref<128x128xf32, #tpu.memory_space<vmem>>)
        %run_scoped3A_369 = arith.constant 6 : i32
        "tpu.region"() ({
          %run_scoped3A_408 = tpu.sem_alloc : memref<!tpu.dma_semaphore, #tpu.memory_space<semaphore_mem>>
          %dma_start3A_409 = arith.constant 0 : i32
          %dma_start3A_410 = tpu.memref_slice %arg11[%run_scoped3A_369, %dma_start3A_409] : memref<8x128xi32, #tpu.memory_space<vmem>> -> memref<1x128xi32, #tpu.memory_space<vmem>>
          %dma_start3A_411 = tpu.memref_squeeze %dma_start3A_410 : memref<1x128xi32, #tpu.memory_space<vmem>> -> memref<128xi32, #tpu.memory_space<vmem>>
          %dma_start3A_412 = arith.constant 0 : i32
          %dma_start3A_413 = arith.constant 0 : i32
          %dma_start3A_414 = tpu.memref_slice %arg13[%dma_start3A_412, %dma_start3A_413] : memref<10240x128xf32, #tpu.memory_space<vmem_shared>> -> memref<10240x128xf32, #tpu.memory_space<vmem_shared>>
          tpu.enqueue_indirect_dma source(%arg12 : memref<128x128xf32, #tpu.memory_space<vmem>>) target(%dma_start3A_414 : memref<10240x128xf32, #tpu.memory_space<vmem_shared>>) offsets(%dma_start3A_411 : memref<128xi32, #tpu.memory_space<vmem>>) semaphore(%run_scoped3A_408 : memref<!tpu.dma_semaphore, #tpu.memory_space<semaphore_mem>>) {add = true}
          %dma_wait3A_415 = arith.constant 0 : i32
          %dma_wait3A_416 = tpu.memref_slice %arg11[%run_scoped3A_369, %dma_wait3A_415] : memref<8x128xi32, #tpu.memory_space<vmem>> -> memref<1x128xi32, #tpu.memory_space<vmem>>
          %dma_wait3A_417 = tpu.memref_squeeze %dma_wait3A_416 : memref<1x128xi32, #tpu.memory_space<vmem>> -> memref<128xi32, #tpu.memory_space<vmem>>
          %dma_wait3A_418 = arith.constant 0 : i32
          %dma_wait3A_419 = arith.constant 0 : i32
          %dma_wait3A_420 = tpu.memref_slice %arg13[%dma_wait3A_418, %dma_wait3A_419] : memref<10240x128xf32, #tpu.memory_space<vmem_shared>> -> memref<10240x128xf32, #tpu.memory_space<vmem_shared>>
          tpu.wait_indirect_dma semaphore(%run_scoped3A_408 : memref<!tpu.dma_semaphore, #tpu.memory_space<semaphore_mem>>) src(%arg12 : memref<128x128xf32, #tpu.memory_space<vmem>>) dst(%dma_wait3A_420 : memref<10240x128xf32, #tpu.memory_space<vmem_shared>>)
          tpu.yield
        }) : () -> ()
        %dma_start3A_370 = arith.constant 7 : i32
        %dma_start3A_371 = arith.constant 0 : i32
        %dma_start3A_372 = tpu.memref_slice %arg10[%dma_start3A_370, %dma_start3A_371] : memref<8x128xi32, #tpu.memory_space<vmem>> -> memref<1x128xi32, #tpu.memory_space<vmem>>
        %dma_start3A_373 = tpu.memref_squeeze %dma_start3A_372 : memref<1x128xi32, #tpu.memory_space<vmem>> -> memref<128xi32, #tpu.memory_space<vmem>>
        %dma_start3A_374 = arith.constant 0 : i32
        %dma_start3A_375 = arith.constant 0 : i32
        %dma_start3A_376 = tpu.memref_slice %arg3[%dma_start3A_374, %dma_start3A_375] : memref<10240x128xf32, #tpu.memory_space<hbm>> -> memref<10240x128xf32, #tpu.memory_space<hbm>>
        tpu.enqueue_indirect_dma source(%dma_start3A_376 : memref<10240x128xf32, #tpu.memory_space<hbm>>) target(%arg12 : memref<128x128xf32, #tpu.memory_space<vmem>>) offsets(%dma_start3A_373 : memref<128xi32, #tpu.memory_space<vmem>>) semaphore(%arg15 : memref<!tpu.dma_semaphore, #tpu.memory_space<semaphore_mem>>)
        %dma_wait3A_377 = arith.constant 7 : i32
        %dma_wait3A_378 = arith.constant 0 : i32
        %dma_wait3A_379 = tpu.memref_slice %arg10[%dma_wait3A_377, %dma_wait3A_378] : memref<8x128xi32, #tpu.memory_space<vmem>> -> memref<1x128xi32, #tpu.memory_space<vmem>>
        %dma_wait3A_380 = tpu.memref_squeeze %dma_wait3A_379 : memref<1x128xi32, #tpu.memory_space<vmem>> -> memref<128xi32, #tpu.memory_space<vmem>>
        %dma_wait3A_381 = arith.constant 0 : i32
        %dma_wait3A_382 = arith.constant 0 : i32
        %dma_wait3A_383 = tpu.memref_slice %arg3[%dma_wait3A_381, %dma_wait3A_382] : memref<10240x128xf32, #tpu.memory_space<hbm>> -> memref<10240x128xf32, #tpu.memory_space<hbm>>
        tpu.wait_indirect_dma semaphore(%arg15 : memref<!tpu.dma_semaphore, #tpu.memory_space<semaphore_mem>>) src(%dma_wait3A_383 : memref<10240x128xf32, #tpu.memory_space<hbm>>) dst(%arg12 : memref<128x128xf32, #tpu.memory_space<vmem>>)
        %run_scoped3A_384 = arith.constant 7 : i32
        "tpu.region"() ({
          %run_scoped3A_408 = tpu.sem_alloc : memref<!tpu.dma_semaphore, #tpu.memory_space<semaphore_mem>>
          %dma_start3A_409 = arith.constant 0 : i32
          %dma_start3A_410 = tpu.memref_slice %arg11[%run_scoped3A_384, %dma_start3A_409] : memref<8x128xi32, #tpu.memory_space<vmem>> -> memref<1x128xi32, #tpu.memory_space<vmem>>
          %dma_start3A_411 = tpu.memref_squeeze %dma_start3A_410 : memref<1x128xi32, #tpu.memory_space<vmem>> -> memref<128xi32, #tpu.memory_space<vmem>>
          %dma_start3A_412 = arith.constant 0 : i32
          %dma_start3A_413 = arith.constant 0 : i32
          %dma_start3A_414 = tpu.memref_slice %arg13[%dma_start3A_412, %dma_start3A_413] : memref<10240x128xf32, #tpu.memory_space<vmem_shared>> -> memref<10240x128xf32, #tpu.memory_space<vmem_shared>>
          tpu.enqueue_indirect_dma source(%arg12 : memref<128x128xf32, #tpu.memory_space<vmem>>) target(%dma_start3A_414 : memref<10240x128xf32, #tpu.memory_space<vmem_shared>>) offsets(%dma_start3A_411 : memref<128xi32, #tpu.memory_space<vmem>>) semaphore(%run_scoped3A_408 : memref<!tpu.dma_semaphore, #tpu.memory_space<semaphore_mem>>) {add = true}
          %dma_wait3A_415 = arith.constant 0 : i32
          %dma_wait3A_416 = tpu.memref_slice %arg11[%run_scoped3A_384, %dma_wait3A_415] : memref<8x128xi32, #tpu.memory_space<vmem>> -> memref<1x128xi32, #tpu.memory_space<vmem>>
          %dma_wait3A_417 = tpu.memref_squeeze %dma_wait3A_416 : memref<1x128xi32, #tpu.memory_space<vmem>> -> memref<128xi32, #tpu.memory_space<vmem>>
          %dma_wait3A_418 = arith.constant 0 : i32
          %dma_wait3A_419 = arith.constant 0 : i32
          %dma_wait3A_420 = tpu.memref_slice %arg13[%dma_wait3A_418, %dma_wait3A_419] : memref<10240x128xf32, #tpu.memory_space<vmem_shared>> -> memref<10240x128xf32, #tpu.memory_space<vmem_shared>>
          tpu.wait_indirect_dma semaphore(%run_scoped3A_408 : memref<!tpu.dma_semaphore, #tpu.memory_space<semaphore_mem>>) src(%arg12 : memref<128x128xf32, #tpu.memory_space<vmem>>) dst(%dma_wait3A_420 : memref<10240x128xf32, #tpu.memory_space<vmem_shared>>)
          tpu.yield
        }) : () -> ()
        %mul3A_385 = arith.constant 2 : i32
        %mul3A_386 = arith.muli %mul3A_385, %add3A_86 : i32
        %add3A_387 = arith.constant 3 : i32
        %add3A_388 = arith.addi %mul3A_386, %add3A_387 : i32
        %mul3A_389 = arith.constant 16 : i32
        %mul3A_390 = arith.muli %add3A_388, %mul3A_389 : i32
        %add3A_391 = arith.addi %mul3A_390, %arg1 : i32
        %mul3A_392 = arith.constant 8 : i32
        %mul3A_393 = arith.muli %add3A_391, %mul3A_392 : i32
        %dma_start3A_394 = arith.constant 1 : i32
        %dma_start3A_395 = arith.constant 0 : i32
        %dma_start3A_396 = tpu.memref_slice %arg4[%mul3A_393, %dma_start3A_395] : memref<1536x128xi32, #tpu.memory_space<hbm>> -> memref<8x128xi32, #tpu.memory_space<hbm>>
        %dma_start3A_397 = tpu.memref_slice %arg14[%dma_start3A_394] : memref<2x!tpu.dma_semaphore, #tpu.memory_space<semaphore_mem>> -> memref<1x!tpu.dma_semaphore, #tpu.memory_space<semaphore_mem>>
        %dma_start3A_398 = tpu.memref_squeeze %dma_start3A_397 : memref<1x!tpu.dma_semaphore, #tpu.memory_space<semaphore_mem>> -> memref<!tpu.dma_semaphore, #tpu.memory_space<semaphore_mem>>
        %dma_start3A_399 = arith.constant 0 : i32
        %dma_start3A_400 = tpu.memref_slice %arg4[%mul3A_393, %dma_start3A_399] : memref<1536x128xi32, #tpu.memory_space<hbm>> -> memref<8x128xi32, #tpu.memory_space<hbm>>
        tpu.enqueue_dma source(%dma_start3A_400 : memref<8x128xi32, #tpu.memory_space<hbm>>) target(%arg10 : memref<8x128xi32, #tpu.memory_space<vmem>>) target_semaphore(%dma_start3A_398 : memref<!tpu.dma_semaphore, #tpu.memory_space<semaphore_mem>>)
        %dma_start3A_401 = arith.constant 1 : i32
        %dma_start3A_402 = arith.constant 0 : i32
        %dma_start3A_403 = tpu.memref_slice %arg5[%mul3A_393, %dma_start3A_402] : memref<1536x128xi32, #tpu.memory_space<hbm>> -> memref<8x128xi32, #tpu.memory_space<hbm>>
        %dma_start3A_404 = tpu.memref_slice %arg14[%dma_start3A_401] : memref<2x!tpu.dma_semaphore, #tpu.memory_space<semaphore_mem>> -> memref<1x!tpu.dma_semaphore, #tpu.memory_space<semaphore_mem>>
        %dma_start3A_405 = tpu.memref_squeeze %dma_start3A_404 : memref<1x!tpu.dma_semaphore, #tpu.memory_space<semaphore_mem>> -> memref<!tpu.dma_semaphore, #tpu.memory_space<semaphore_mem>>
        %dma_start3A_406 = arith.constant 0 : i32
        %dma_start3A_407 = tpu.memref_slice %arg5[%mul3A_393, %dma_start3A_406] : memref<1536x128xi32, #tpu.memory_space<hbm>> -> memref<8x128xi32, #tpu.memory_space<hbm>>
        tpu.enqueue_dma source(%dma_start3A_407 : memref<8x128xi32, #tpu.memory_space<hbm>>) target(%arg11 : memref<8x128xi32, #tpu.memory_space<vmem>>) target_semaphore(%dma_start3A_405 : memref<!tpu.dma_semaphore, #tpu.memory_space<semaphore_mem>>)
      }
      %scan3A_46 = arith.constant 5 : i32
      %dma_wait3A = arith.constant 0 : i32
      %dma_wait3A_47 = arith.constant 0 : i32
      %dma_wait3A_48 = arith.constant 0 : i32
      %dma_wait3A_49 = tpu.memref_slice %arg4[%dma_wait3A_47, %dma_wait3A_48] : memref<1536x128xi32, #tpu.memory_space<hbm>> -> memref<8x128xi32, #tpu.memory_space<hbm>>
      %dma_wait3A_50 = tpu.memref_slice %arg14[%dma_wait3A] : memref<2x!tpu.dma_semaphore, #tpu.memory_space<semaphore_mem>> -> memref<1x!tpu.dma_semaphore, #tpu.memory_space<semaphore_mem>>
      %dma_wait3A_51 = tpu.memref_squeeze %dma_wait3A_50 : memref<1x!tpu.dma_semaphore, #tpu.memory_space<semaphore_mem>> -> memref<!tpu.dma_semaphore, #tpu.memory_space<semaphore_mem>>
      %dma_wait3A_52 = arith.constant 0 : i32
      %dma_wait3A_53 = arith.constant 0 : i32
      %dma_wait3A_54 = tpu.memref_slice %arg4[%dma_wait3A_52, %dma_wait3A_53] : memref<1536x128xi32, #tpu.memory_space<hbm>> -> memref<8x128xi32, #tpu.memory_space<hbm>>
      tpu.wait_dma2 semaphore(%dma_wait3A_51 : memref<!tpu.dma_semaphore, #tpu.memory_space<semaphore_mem>>) src(%dma_wait3A_54 : memref<8x128xi32, #tpu.memory_space<hbm>>) dst(%arg8 : memref<8x128xi32, #tpu.memory_space<vmem>>)
      %dma_wait3A_55 = arith.constant 0 : i32
      %dma_wait3A_56 = arith.constant 0 : i32
      %dma_wait3A_57 = arith.constant 0 : i32
      %dma_wait3A_58 = tpu.memref_slice %arg5[%dma_wait3A_56, %dma_wait3A_57] : memref<1536x128xi32, #tpu.memory_space<hbm>> -> memref<8x128xi32, #tpu.memory_space<hbm>>
      %dma_wait3A_59 = tpu.memref_slice %arg14[%dma_wait3A_55] : memref<2x!tpu.dma_semaphore, #tpu.memory_space<semaphore_mem>> -> memref<1x!tpu.dma_semaphore, #tpu.memory_space<semaphore_mem>>
      %dma_wait3A_60 = tpu.memref_squeeze %dma_wait3A_59 : memref<1x!tpu.dma_semaphore, #tpu.memory_space<semaphore_mem>> -> memref<!tpu.dma_semaphore, #tpu.memory_space<semaphore_mem>>
      %dma_wait3A_61 = arith.constant 0 : i32
      %dma_wait3A_62 = arith.constant 0 : i32
      %dma_wait3A_63 = tpu.memref_slice %arg5[%dma_wait3A_61, %dma_wait3A_62] : memref<1536x128xi32, #tpu.memory_space<hbm>> -> memref<8x128xi32, #tpu.memory_space<hbm>>
      tpu.wait_dma2 semaphore(%dma_wait3A_60 : memref<!tpu.dma_semaphore, #tpu.memory_space<semaphore_mem>>) src(%dma_wait3A_63 : memref<8x128xi32, #tpu.memory_space<hbm>>) dst(%arg9 : memref<8x128xi32, #tpu.memory_space<vmem>>)
      %dma_wait3A_64 = arith.constant 1 : i32
      %dma_wait3A_65 = arith.constant 0 : i32
      %dma_wait3A_66 = arith.constant 0 : i32
      %dma_wait3A_67 = tpu.memref_slice %arg4[%dma_wait3A_65, %dma_wait3A_66] : memref<1536x128xi32, #tpu.memory_space<hbm>> -> memref<8x128xi32, #tpu.memory_space<hbm>>
      %dma_wait3A_68 = tpu.memref_slice %arg14[%dma_wait3A_64] : memref<2x!tpu.dma_semaphore, #tpu.memory_space<semaphore_mem>> -> memref<1x!tpu.dma_semaphore, #tpu.memory_space<semaphore_mem>>
      %dma_wait3A_69 = tpu.memref_squeeze %dma_wait3A_68 : memref<1x!tpu.dma_semaphore, #tpu.memory_space<semaphore_mem>> -> memref<!tpu.dma_semaphore, #tpu.memory_space<semaphore_mem>>
      %dma_wait3A_70 = arith.constant 0 : i32
      %dma_wait3A_71 = arith.constant 0 : i32
      %dma_wait3A_72 = tpu.memref_slice %arg4[%dma_wait3A_70, %dma_wait3A_71] : memref<1536x128xi32, #tpu.memory_space<hbm>> -> memref<8x128xi32, #tpu.memory_space<hbm>>
      tpu.wait_dma2 semaphore(%dma_wait3A_69 : memref<!tpu.dma_semaphore, #tpu.memory_space<semaphore_mem>>) src(%dma_wait3A_72 : memref<8x128xi32, #tpu.memory_space<hbm>>) dst(%arg10 : memref<8x128xi32, #tpu.memory_space<vmem>>)
      %dma_wait3A_73 = arith.constant 1 : i32
      %dma_wait3A_74 = arith.constant 0 : i32
      %dma_wait3A_75 = arith.constant 0 : i32
      %dma_wait3A_76 = tpu.memref_slice %arg5[%dma_wait3A_74, %dma_wait3A_75] : memref<1536x128xi32, #tpu.memory_space<hbm>> -> memref<8x128xi32, #tpu.memory_space<hbm>>
      %dma_wait3A_77 = tpu.memref_slice %arg14[%dma_wait3A_73] : memref<2x!tpu.dma_semaphore, #tpu.memory_space<semaphore_mem>> -> memref<1x!tpu.dma_semaphore, #tpu.memory_space<semaphore_mem>>
      %dma_wait3A_78 = tpu.memref_squeeze %dma_wait3A_77 : memref<1x!tpu.dma_semaphore, #tpu.memory_space<semaphore_mem>> -> memref<!tpu.dma_semaphore, #tpu.memory_space<semaphore_mem>>
      %dma_wait3A_79 = arith.constant 0 : i32
      %dma_wait3A_80 = arith.constant 0 : i32
      %dma_wait3A_81 = tpu.memref_slice %arg5[%dma_wait3A_79, %dma_wait3A_80] : memref<1536x128xi32, #tpu.memory_space<hbm>> -> memref<8x128xi32, #tpu.memory_space<hbm>>
      tpu.wait_dma2 semaphore(%dma_wait3A_78 : memref<!tpu.dma_semaphore, #tpu.memory_space<semaphore_mem>>) src(%dma_wait3A_81 : memref<8x128xi32, #tpu.memory_space<hbm>>) dst(%arg11 : memref<8x128xi32, #tpu.memory_space<vmem>>)
    } else {
    }
    %barrier3A_8 = arith.constant 0 : index
    tpu.barrier barrier_id(%barrier3A_8)
    "tpu.region"() ({
      %run_scoped3A = tpu.sem_alloc : memref<!tpu.dma_semaphore, #tpu.memory_space<semaphore_mem>>
      %dma_start3A = arith.constant 0 : i32
      %dma_start3A_9 = tpu.memref_slice %arg7[%arg0, %mul3A_0, %dma_start3A] : memref<2x10240x128xf32, #tpu.memory_space<hbm>> -> memref<1x640x128xf32, #tpu.memory_space<hbm>>
      %dma_start3A_10 = tpu.memref_squeeze %dma_start3A_9 : memref<1x640x128xf32, #tpu.memory_space<hbm>> -> memref<640x128xf32, #tpu.memory_space<hbm>>
      %dma_start3A_11 = arith.constant 0 : i32
      %dma_start3A_12 = tpu.memref_slice %arg13[%mul3A_0, %dma_start3A_11] : memref<10240x128xf32, #tpu.memory_space<vmem_shared>> -> memref<640x128xf32, #tpu.memory_space<vmem_shared>>
      tpu.enqueue_dma source(%dma_start3A_12 : memref<640x128xf32, #tpu.memory_space<vmem_shared>>) target(%dma_start3A_10 : memref<640x128xf32, #tpu.memory_space<hbm>>) target_semaphore(%run_scoped3A : memref<!tpu.dma_semaphore, #tpu.memory_space<semaphore_mem>>)
      %dma_wait3A = arith.constant 0 : i32
      %dma_wait3A_13 = tpu.memref_slice %arg7[%arg0, %mul3A_0, %dma_wait3A] : memref<2x10240x128xf32, #tpu.memory_space<hbm>> -> memref<1x640x128xf32, #tpu.memory_space<hbm>>
      %dma_wait3A_14 = tpu.memref_squeeze %dma_wait3A_13 : memref<1x640x128xf32, #tpu.memory_space<hbm>> -> memref<640x128xf32, #tpu.memory_space<hbm>>
      %dma_wait3A_15 = arith.constant 0 : i32
      %dma_wait3A_16 = tpu.memref_slice %arg13[%mul3A_0, %dma_wait3A_15] : memref<10240x128xf32, #tpu.memory_space<vmem_shared>> -> memref<640x128xf32, #tpu.memory_space<vmem_shared>>
      tpu.wait_dma2 semaphore(%run_scoped3A : memref<!tpu.dma_semaphore, #tpu.memory_space<semaphore_mem>>) src(%dma_wait3A_16 : memref<640x128xf32, #tpu.memory_space<vmem_shared>>) dst(%dma_wait3A_14 : memref<640x128xf32, #tpu.memory_space<hbm>>)
      tpu.yield
    }) : () -> ()
    return
  }
}

module attributes {stable_mosaic.version = 14 : i64} {
  func.func @_tc_main_body(%arg0: i32, %arg1: memref<2x1000x16xf32, #tpu.memory_space<vmem>>, %arg2: memref<1000x256xf32, #tpu.memory_space<vmem>>, %arg3: memref<256x256xf32, #tpu.memory_space<vmem>>, %arg4: memref<1x256xf32, #tpu.memory_space<vmem>>, %arg5: memref<1x256xf32, #tpu.memory_space<vmem>>, %arg6: memref<1000x128xf32, #tpu.memory_space<vmem>>, %arg7: memref<1000x128xf32, #tpu.memory_space<vmem>>, %arg8: memref<1000x256xf32, #tpu.memory_space<vmem>>) attributes {dimension_semantics = [#tpu.dimension_semantics<arbitrary>], iteration_bounds = array<i64: 10>, scalar_prefetch = 0 : i64, scratch_operands = 0 : i64, tpu.core_type = #tpu.core_type<tc>, window_params = [{transform_indices = @transform_0, window_bounds = array<i64: 2, 1000, 16>}, {transform_indices = @transform_1, window_bounds = array<i64: 1000, 256>}, {pipeline_mode = #tpu.pipeline_mode<synchronous>, transform_indices = @transform_2, window_bounds = array<i64: 256, 256>}, {pipeline_mode = #tpu.pipeline_mode<synchronous>, transform_indices = @transform_3, window_bounds = array<i64: 1, 256>}, {pipeline_mode = #tpu.pipeline_mode<synchronous>, transform_indices = @transform_4, window_bounds = array<i64: 1, 256>}, {transform_indices = @transform_5, window_bounds = array<i64: 1000, 128>}, {transform_indices = @transform_6, window_bounds = array<i64: 1000, 128>}, {transform_indices = @transform_7, window_bounds = array<i64: 1000, 256>}]} {
    %get3A = arith.constant 0 : index
    %get3A_0 = arith.constant 0 : index
    %get3A_1 = arith.constant 0 : index
    %get3A_2 = vector.load %arg1[%get3A, %get3A_0, %get3A_1] : memref<2x1000x16xf32, #tpu.memory_space<vmem>>, vector<1x1000x1xf32>
    %get3A_3 = vector.shape_cast %get3A_2 : vector<1x1000x1xf32> to vector<1000x1xf32>
    %get3A_4 = arith.constant 1 : index
    %get3A_5 = arith.constant 0 : index
    %get3A_6 = arith.constant 0 : index
    %get3A_7 = vector.load %arg1[%get3A_4, %get3A_5, %get3A_6] : memref<2x1000x16xf32, #tpu.memory_space<vmem>>, vector<1x1000x1xf32>
    %get3A_8 = vector.shape_cast %get3A_7 : vector<1x1000x1xf32> to vector<1000x1xf32>
    %add3A = arith.addf %get3A_3, %get3A_8 : vector<1000x1xf32>
    %add3A_9 = arith.constant 1.000000e+00 : f32
    %add3A_10 = vector.broadcast %add3A_9 : f32 to vector<1000x1xf32>
    %add3A_11 = arith.addf %add3A, %add3A_10 : vector<1000x1xf32>
    %rsqrt3A = math.rsqrt %add3A_11 : vector<1000x1xf32>
    %get3A_12 = arith.constant 0 : index
    %get3A_13 = arith.constant 0 : index
    %get3A_14 = vector.load %arg2[%get3A_12, %get3A_13] : memref<1000x256xf32, #tpu.memory_space<vmem>>, vector<1000x256xf32>
    %get3A_15 = arith.constant 0 : index
    %get3A_16 = arith.constant 0 : index
    %get3A_17 = vector.load %arg3[%get3A_15, %get3A_16] : memref<256x256xf32, #tpu.memory_space<vmem>>, vector<256x256xf32>
    %dot_general3A = arith.constant dense<0.000000e+00> : vector<1000x256xf32>
    %dot_general3A_18 = tpu.matmul %get3A_14, %get3A_17, %dot_general3A {dimension_numbers = #tpu.dot_dimension_numbers<[1], [0], [0], [1], [0, 0, 1, 1], [], []>, transpose_lhs_hint = false} : vector<1000x256xf32>, vector<256x256xf32>, vector<1000x256xf32> -> vector<1000x256xf32>
    %get3A_19 = arith.constant 0 : index
    %get3A_20 = arith.constant 0 : index
    %get3A_21 = vector.load %arg4[%get3A_19, %get3A_20] : memref<1x256xf32, #tpu.memory_space<vmem>>, vector<1x256xf32>
    %add3A_22 = vector.broadcast %get3A_21 : vector<1x256xf32> to vector<1000x256xf32>
    %add3A_23 = arith.addf %dot_general3A_18, %add3A_22 : vector<1000x256xf32>
    %max3A = arith.constant 0.000000e+00 : f32
    %max3A_24 = vector.broadcast %max3A : f32 to vector<1000x256xf32>
    %max3A_25 = arith.maximumf %add3A_23, %max3A_24 : vector<1000x256xf32>
    %mul3A = vector.broadcast %rsqrt3A : vector<1000x1xf32> to vector<1000x256xf32>
    %mul3A_26 = arith.mulf %mul3A, %max3A_25 : vector<1000x256xf32>
    %slice3A = vector.extract_strided_slice %mul3A_26 {offsets = [0, 0], sizes = [1000, 128], strides = [1, 1]} : vector<1000x256xf32> to vector<1000x128xf32>
    %swap3A = arith.constant 0 : index
    %swap3A_27 = arith.constant 0 : index
    %swap3A_28 = vector.load %arg6[%swap3A, %swap3A_27] : memref<1000x128xf32, #tpu.memory_space<vmem>>, vector<1000x128xf32>
    tpu.vector_store %arg6[%swap3A, %swap3A_27], %slice3A {strides = array<i32>} : memref<1000x128xf32, #tpu.memory_space<vmem>>, vector<1000x128xf32>,
    %slice3A_29 = vector.extract_strided_slice %mul3A_26 {offsets = [0, 128], sizes = [1000, 128], strides = [1, 1]} : vector<1000x256xf32> to vector<1000x128xf32>
    %swap3A_30 = arith.constant 0 : index
    %swap3A_31 = arith.constant 0 : index
    %swap3A_32 = vector.load %arg7[%swap3A_30, %swap3A_31] : memref<1000x128xf32, #tpu.memory_space<vmem>>, vector<1000x128xf32>
    tpu.vector_store %arg7[%swap3A_30, %swap3A_31], %slice3A_29 {strides = array<i32>} : memref<1000x128xf32, #tpu.memory_space<vmem>>, vector<1000x128xf32>,
    %get3A_33 = arith.constant 0 : index
    %get3A_34 = arith.constant 0 : index
    %get3A_35 = vector.load %arg5[%get3A_33, %get3A_34] : memref<1x256xf32, #tpu.memory_space<vmem>>, vector<1x256xf32>
    %add3A_36 = vector.broadcast %get3A_35 : vector<1x256xf32> to vector<1000x256xf32>
    %add3A_37 = arith.addf %add3A_23, %add3A_36 : vector<1000x256xf32>
    %max3A_38 = arith.constant 0.000000e+00 : f32
    %max3A_39 = vector.broadcast %max3A_38 : f32 to vector<1000x256xf32>
    %max3A_40 = arith.maximumf %add3A_37, %max3A_39 : vector<1000x256xf32>
    %div3A = vector.broadcast %add3A_11 : vector<1000x1xf32> to vector<1000x256xf32>
    %div3A_41 = arith.divf %max3A_40, %div3A : vector<1000x256xf32>
    %swap3A_42 = arith.constant 0 : index
    %swap3A_43 = arith.constant 0 : index
    %swap3A_44 = vector.load %arg8[%swap3A_42, %swap3A_43] : memref<1000x256xf32, #tpu.memory_space<vmem>>, vector<1000x256xf32>
    tpu.vector_store %arg8[%swap3A_42, %swap3A_43], %div3A_41 {strides = array<i32>} : memref<1000x256xf32, #tpu.memory_space<vmem>>, vector<1000x256xf32>,
    return
  }
  func.func @transform_0(%arg0: i32) -> (i32, i32, i32) {
    %c0_i32 = arith.constant 0 : i32
    %c0_i32_0 = arith.constant 0 : i32
    %c0_i32_1 = arith.constant 0 : i32
    return %c0_i32, %arg0, %c0_i32_0 : i32, i32, i32
  }
  func.func @transform_1(%arg0: i32) -> (i32, i32) {
    %c0_i32 = arith.constant 0 : i32
    %c0_i32_0 = arith.constant 0 : i32
    return %arg0, %c0_i32 : i32, i32
  }
  func.func @transform_2(%arg0: i32) -> (i32, i32) {
    %c0_i32 = arith.constant 0 : i32
    %c0_i32_0 = arith.constant 0 : i32
    %c0_i32_1 = arith.constant 0 : i32
    return %c0_i32, %c0_i32_0 : i32, i32
  }
  func.func @transform_3(%arg0: i32) -> (i32, i32) {
    %c0_i32 = arith.constant 0 : i32
    %c0_i32_0 = arith.constant 0 : i32
    %c0_i32_1 = arith.constant 0 : i32
    return %c0_i32, %c0_i32_0 : i32, i32
  }
  func.func @transform_4(%arg0: i32) -> (i32, i32) {
    %c0_i32 = arith.constant 0 : i32
    %c0_i32_0 = arith.constant 0 : i32
    %c0_i32_1 = arith.constant 0 : i32
    return %c0_i32, %c0_i32_0 : i32, i32
  }
  func.func @transform_5(%arg0: i32) -> (i32, i32) {
    %c0_i32 = arith.constant 0 : i32
    %c0_i32_0 = arith.constant 0 : i32
    return %arg0, %c0_i32 : i32, i32
  }
  func.func @transform_6(%arg0: i32) -> (i32, i32) {
    %c0_i32 = arith.constant 0 : i32
    %c0_i32_0 = arith.constant 0 : i32
    return %arg0, %c0_i32 : i32, i32
  }
  func.func @transform_7(%arg0: i32) -> (i32, i32) {
    %c0_i32 = arith.constant 0 : i32
    %c0_i32_0 = arith.constant 0 : i32
    return %arg0, %c0_i32 : i32, i32
  }
}

module attributes {stable_mosaic.version = 14 : i64} {
  func.func @_tc_out_body(%arg0: i32, %arg1: memref<2x1000x16xf32, #tpu.memory_space<vmem>>, %arg2: memref<2x1000x128xf32, #tpu.memory_space<vmem>>, %arg3: memref<1000x256xf32, #tpu.memory_space<vmem>>, %arg4: memref<1000x256xf32, #tpu.memory_space<vmem>>) attributes {dimension_semantics = [#tpu.dimension_semantics<arbitrary>], iteration_bounds = array<i64: 10>, scalar_prefetch = 0 : i64, scratch_operands = 0 : i64, tpu.core_type = #tpu.core_type<tc>, window_params = [{transform_indices = @transform_0, window_bounds = array<i64: 2, 1000, 16>}, {transform_indices = @transform_1, window_bounds = array<i64: 2, 1000, 128>}, {transform_indices = @transform_2, window_bounds = array<i64: 1000, 256>}, {transform_indices = @transform_3, window_bounds = array<i64: 1000, 256>}]} {
    %get3A = arith.constant 0 : index
    %get3A_0 = arith.constant 0 : index
    %get3A_1 = arith.constant 0 : index
    %get3A_2 = vector.load %arg1[%get3A, %get3A_0, %get3A_1] : memref<2x1000x16xf32, #tpu.memory_space<vmem>>, vector<1x1000x1xf32>
    %get3A_3 = vector.shape_cast %get3A_2 : vector<1x1000x1xf32> to vector<1000x1xf32>
    %get3A_4 = arith.constant 1 : index
    %get3A_5 = arith.constant 0 : index
    %get3A_6 = arith.constant 0 : index
    %get3A_7 = vector.load %arg1[%get3A_4, %get3A_5, %get3A_6] : memref<2x1000x16xf32, #tpu.memory_space<vmem>>, vector<1x1000x1xf32>
    %get3A_8 = vector.shape_cast %get3A_7 : vector<1x1000x1xf32> to vector<1000x1xf32>
    %add3A = arith.addf %get3A_3, %get3A_8 : vector<1000x1xf32>
    %add3A_9 = arith.constant 1.000000e+00 : f32
    %add3A_10 = vector.broadcast %add3A_9 : f32 to vector<1000x1xf32>
    %add3A_11 = arith.addf %add3A, %add3A_10 : vector<1000x1xf32>
    %rsqrt3A = math.rsqrt %add3A_11 : vector<1000x1xf32>
    %get3A_12 = arith.constant 0 : index
    %get3A_13 = arith.constant 0 : index
    %get3A_14 = arith.constant 0 : index
    %get3A_15 = vector.load %arg2[%get3A_12, %get3A_13, %get3A_14] : memref<2x1000x128xf32, #tpu.memory_space<vmem>>, vector<1x1000x128xf32>
    %get3A_16 = vector.shape_cast %get3A_15 : vector<1x1000x128xf32> to vector<1000x128xf32>
    %get3A_17 = arith.constant 1 : index
    %get3A_18 = arith.constant 0 : index
    %get3A_19 = arith.constant 0 : index
    %get3A_20 = vector.load %arg2[%get3A_17, %get3A_18, %get3A_19] : memref<2x1000x128xf32, #tpu.memory_space<vmem>>, vector<1x1000x128xf32>
    %get3A_21 = vector.shape_cast %get3A_20 : vector<1x1000x128xf32> to vector<1000x128xf32>
    %concatenate3A = tpu.concatenate %get3A_16, %get3A_21 in 1 : vector<1000x128xf32>, vector<1000x128xf32> -> vector<1000x256xf32>
    %mul3A = vector.broadcast %rsqrt3A : vector<1000x1xf32> to vector<1000x256xf32>
    %mul3A_22 = arith.mulf %mul3A, %concatenate3A : vector<1000x256xf32>
    %get3A_23 = arith.constant 0 : index
    %get3A_24 = arith.constant 0 : index
    %get3A_25 = vector.load %arg3[%get3A_23, %get3A_24] : memref<1000x256xf32, #tpu.memory_space<vmem>>, vector<1000x256xf32>
    %add3A_26 = arith.addf %mul3A_22, %get3A_25 : vector<1000x256xf32>
    %swap3A = arith.constant 0 : index
    %swap3A_27 = arith.constant 0 : index
    %swap3A_28 = vector.load %arg4[%swap3A, %swap3A_27] : memref<1000x256xf32, #tpu.memory_space<vmem>>, vector<1000x256xf32>
    tpu.vector_store %arg4[%swap3A, %swap3A_27], %add3A_26 {strides = array<i32>} : memref<1000x256xf32, #tpu.memory_space<vmem>>, vector<1000x256xf32>,
    return
  }
  func.func @transform_0(%arg0: i32) -> (i32, i32, i32) {
    %c0_i32 = arith.constant 0 : i32
    %c0_i32_0 = arith.constant 0 : i32
    %c0_i32_1 = arith.constant 0 : i32
    return %c0_i32, %arg0, %c0_i32_0 : i32, i32, i32
  }
  func.func @transform_1(%arg0: i32) -> (i32, i32, i32) {
    %c0_i32 = arith.constant 0 : i32
    %c0_i32_0 = arith.constant 0 : i32
    %c0_i32_1 = arith.constant 0 : i32
    return %c0_i32, %arg0, %c0_i32_0 : i32, i32, i32
  }
  func.func @transform_2(%arg0: i32) -> (i32, i32) {
    %c0_i32 = arith.constant 0 : i32
    %c0_i32_0 = arith.constant 0 : i32
    return %arg0, %c0_i32 : i32, i32
  }
  func.func @transform_3(%arg0: i32) -> (i32, i32) {
    %c0_i32 = arith.constant 0 : i32
    %c0_i32_0 = arith.constant 0 : i32
    return %arg0, %c0_i32 : i32, i32
  }
}

</mosaic_0001>

<sc_bundles>
// kernel: kernel.6.cloned.1.call-start
scs
__scs_entry_jumppad:
0x0: {  	(pc) =	sbr.rel $0x88, $3  }
0x1: {  	(tag) =	ssettag $0x0;
	lr =	simm.s32 $0x1  }
0x2: {  	[smem:$0x3F9C] =	sst lr;
	_ =	strace $0xD0000000  }
0x3: {  	_ = 	snop  }
0x4: {  	_ = 	snop  }
0x5: {  	_ = 	snop  }
0x6: {  	_ = 	snop  }
0x7: {  	_ = 	snop  }
__scs_overlays_trampoline_lowered:
0x8: {  	[smem:$0x3FAB] =	sst s0  }
0x9: {  	[smem:$0x3FAC] =	sst s1  }
0xa: {  	[smem:$0x3FAD] =	sst s2  }
0xb: {  	[smem:$0x3FAE] =	sst s3  }
0xc: {  	[smem:$0x3FAF] =	sst s4  }
0xd: {  	[smem:$0x3FB0] =	sst s5  }
0xe: {  	[smem:$0x3FB1] =	sst s6  }
0xf: {  	[smem:$0x3FB2] =	sst s7  }
0x10: {  	[smem:$0x3FB3] =	sst s8  }
0x11: {  	[smem:$0x3FB4] =	sst s9;
	s0 =	simm.s32 @!p0 $0x0  }
0x12: {  	s1 =	sld [smem:$0x3F9A];
	s0 =	simm.s32 @p0 $0x1  }
0x13: {  	[smem:$0x3FB5] =	sst s0;
	s0 =	simm.s32 @!p1 $0x0  }
0x14: {  	s2 =	sld [smem:$0x3F99];
	s0 =	simm.s32 @p1 $0x1  }
0x15: {  	[smem:$0x3FB6] =	sst s0;
	s0 =	simm.s32 @!p2 $0x0  }
0x16: {  	s3 =	sld [smem:$0x3FDB];
	s0 =	simm.s32 @p2 $0x1  }
0x17: {  	s4 =	simm.s32 $0x1BF5;
	[smem:$0x3FB8] =	sst s0  }
0x18: {  	s0 =	sld [smem:$0x3F9B];
	_ =	swait.ge [sflag:s4], $0x0  }
0x19: {  	s7 =	sld [smem:$0x3F9C]  }
0x1a: {  	s8 =	sadd.s32 $0xFFFFE003, lr  }
0x1b: {  	s9 =	sadd.s32 $0xFFFFFEF7, lr;
	s5 =	simm.s32 $0xFFFFFFFF;
	p2 =	slt.u32 s8, $0xFFFFF086  }
0x1c: {  	p1 =	slt.u32 s9, $0xF7A;
	s5 =	simm.s32 @!p2 $0x0  }
0x1d: {  	s5 =	simm.s32 @p1 $0x1;
	p0 =	seq.s32 s7, s2  }
0x1e: {  	s7 =	smul.u32 @!p0 $0xF7A, s2;
	p2 =	seq.s32 @!p0 s5, $0x0  }
0x1f: {  	s9 =	smul.u32 $0xF7A, s1;
	s8 =	simm.s32 @!p0 $0x1BF5;
	p2 =	por !p2, p0  }
0x20: {  	[sflag:s8] =	ssyncset.s32 @!p0 $0xFFFFF086;
	s6 =	sadd.s32 @!p0 s3, s7;
	s7 =	simm.s32 @!p0 $0x108  }
0x21: {  	s3 =	sadd.s32 s3, s9;
	s6 =	sadd.s32 @!p0 $0x88, s6;
	s7 =	simm.s32 @p2 $0x1082  }
0x22: {  	[simem:s7], [sflag:s8] =	dma.local @!p0 [hbm:s6], $0xF7A  }
0x23: {  	s9 =	sor.u32 $0xD0000000, s2;
	s6 =	simm.s32 $0x108;
	_ =	swait.ge @!p0 [sflag:s8], $0x0  }
0x24: {  	s3 =	sadd.s32 $0x88, s3;
	s6 =	simm.s32 @!p1 $0x1082;
	[sflag:s4] =	ssyncset.s32 $0xFFFFF086  }
0x25: {  	[simem:s6], [sflag:s4] =	dma.local [hbm:s3], $0xF7A  }
0x26: {  	[smem:$0x3F9C] =	sst s1;
	(tag) =	ssettag s2;
	_ =	strace s9  }
0x27: {  	s1 =	sld [smem:$0x3FAC]  }
0x28: {  	s2 =	sld [smem:$0x3FAD]  }
0x29: {  	s4 =	sld [smem:$0x3FAF]  }
0x2a: {  	p0 =	seq.s32 s5, $0x0;
	s5 =	sld [smem:$0x3FB0]  }
0x2b: {  	s6 =	sld [smem:$0x3FB1]  }
0x2c: {  	s7 =	sld [smem:$0x3FB2]  }
0x2d: {  	s3 =	simm.s32 $0x108;
	s8 =	sld [smem:$0x3FB3]  }
0x2e: {  	s3 =	simm.s32 @!p0 $0x1082;
	s9 =	sld [smem:$0x3FB4]  }
0x2f: {  	lr =	sadd.s32 s0, s3;
	s0 =	sld [smem:$0x3FAB]  }
0x30: {  	s3 =	sld [smem:$0x3FAE]  }
0x31: {  	[smem:$0x3FB7] =	sst s10  }
0x32: {  	s10 =	sld [smem:$0x3FB5];
	_ =	sdelay $0x3  }
0x33: {  	p0 =	seq.s32 s10, $0x1;
	s10 =	sld [smem:$0x3FB7];
	_ =	sdelay $0x3  }
0x34: {  	[smem:$0x3FB7] =	sst s10  }
0x35: {  	s10 =	sld [smem:$0x3FB6];
	_ =	sdelay $0x3  }
0x36: {  	p1 =	seq.s32 s10, $0x1;
	s10 =	sld [smem:$0x3FB7];
	_ =	sdelay $0x3  }
0x37: {  	[smem:$0x3FB7] =	sst s10  }
0x38: {  	s10 =	sld [smem:$0x3FB8]  }
0x39: {  	_ = 	snop;
	(pc) =	sbr.ind lr, $3  }
0x3a: {  	_ = 	snop  }
0x3b: {  	_ = 	snop  }
0x3c: {  	p2 =	seq.s32 s10, $0x1;
	s10 =	sld [smem:$0x3FB7]  }
0x3d: {  	_ =	shalt  }
0x3e: {  	_ =	shalt  }
0x3f: {  	_ =	shalt  }
0x40: {  	_ =	shalt  }
0x41: {  	_ =	shalt  }
0x42: {  	_ =	shalt  }
0x43: {  	_ =	shalt  }
0x44: {  	_ =	shalt  }
0x45: {  	_ =	shalt  }
0x46: {  	_ =	shalt  }
0x47: {  	_ =	shalt  }
0x48: {  	_ =	shalt  }
0x49: {  	_ =	shalt  }
0x4a: {  	_ =	shalt  }
0x4b: {  	_ =	shalt  }
0x4c: {  	_ =	shalt  }
0x4d: {  	_ =	shalt  }
0x4e: {  	_ =	shalt  }
0x4f: {  	_ =	shalt  }
0x50: {  	_ =	shalt  }
0x51: {  	_ =	shalt  }
0x52: {  	_ =	shalt  }
0x53: {  	_ =	shalt  }
0x54: {  	_ =	shalt  }
0x55: {  	_ =	shalt  }
0x56: {  	_ =	shalt  }
0x57: {  	_ =	shalt  }
0x58: {  	_ =	shalt  }
0x59: {  	_ =	shalt  }
0x5a: {  	_ =	shalt  }
0x5b: {  	_ =	shalt  }
0x5c: {  	_ =	shalt  }
0x5d: {  	_ =	shalt  }
0x5e: {  	_ =	shalt  }
0x5f: {  	_ =	shalt  }
0x60: {  	_ =	shalt  }
0x61: {  	_ =	shalt  }
0x62: {  	_ =	shalt  }
0x63: {  	_ =	shalt  }
0x64: {  	_ =	shalt  }
0x65: {  	_ =	shalt  }
0x66: {  	_ =	shalt  }
0x67: {  	_ =	shalt  }
0x68: {  	_ =	shalt  }
0x69: {  	_ =	shalt  }
0x6a: {  	_ =	shalt  }
0x6b: {  	_ =	shalt  }
0x6c: {  	_ =	shalt  }
0x6d: {  	_ =	shalt  }
0x6e: {  	_ =	shalt  }
0x6f: {  	_ =	shalt  }
0x70: {  	_ =	shalt  }
0x71: {  	_ =	shalt  }
0x72: {  	_ =	shalt  }
0x73: {  	_ =	shalt  }
0x74: {  	_ =	shalt  }
0x75: {  	_ =	shalt  }
0x76: {  	_ =	shalt  }
0x77: {  	_ =	shalt  }
0x78: {  	_ =	shalt  }
0x79: {  	_ =	shalt  }
0x7a: {  	_ =	shalt  }
0x7b: {  	_ =	shalt  }
0x7c: {  	_ =	shalt  }
0x7d: {  	_ =	shalt  }
0x7e: {  	_ =	shalt  }
0x7f: {  	_ =	shalt  }
0x80: {  	_ =	shalt  }
0x81: {  	_ =	shalt  }
0x82: {  	_ =	shalt  }
0x83: {  	_ =	shalt  }
0x84: {  	_ =	shalt  }
0x85: {  	_ =	shalt  }
0x86: {  	_ =	shalt  }
0x87: {  	_ =	shalt  }
.Lfunc_end0:
.L_simem_size_0:
called_computation_lowered:
.L_overlay_start_0:
0x88: {  	s2 =	sld [smem:$0x3FD9]  }
0x89: {  	s3 =	sld [smem:$0x3FFE];
	_ =	sdelay $0x1  }
0x8a: {  	s1 =	srdreg.scid  }
0x8b: {  	s0 =	sand.u32 $0x1, s1  }
0x8c: {  	s17 =	sshll.u32 s0, $0xA;
	s2 =	sadd.s32 s3, s2  }
0x8d: {  	s2 =	sadd.s32 s2, s17  }
0x8e: {  	[smem:$0x3FC3] =	sst s2  }
0x8f: {  	_ = 	snop  }
0x90: {  	s2 =	sld [smem:$0x3FD0];
	(tm) =	ssettm $0x1  }
0x91: {  	s18 =	sld [smem:$0x3FFB];
	_ =	sdelay $0x3  }
0x92: {  	_ =	strace s18  }
0x93: {  	s3 =	sld [smem:$0x3FFC];
	_ =	sdelay $0x3  }
0x94: {  	_ =	strace s3  }
0x95: {  	s3 =	sld [smem:$0x3FFD];
	_ =	sdelay $0x3  }
0x96: {  	_ =	strace s3  }
0x97: {  	_ =	strace $0x8FFFFFFF  }
0x98: {  	s19 =	sld [smem:$0x3FDB];
	_ =	sdelay $0x1  }
0x99: {  	s4 =	simm.s32 $_scs_section_size  }
0x9a: {  	s5 =	simm.s32 $_size__tile_overlayer_lowered;
	s6 =	simm.s32 $_tile_overlayer_lowered  }
0x9b: {  	s22 =	simm.s32 $0x1BFF;
	s21 =	sshll.u32 s6, $0x1;
	s3 =	sadd.s32 s4, s19  }
0x9c: {  	s7 =	simm.s32 $0x0;
	s20 =	sshll.u32 s5, $0x1;
	s5 =	sadd.s32 s21, s3  }
0x9d: {  	[timem:s7], [sflag:s22] =	dma.local [hbm:s5], s20  }
0x9e: {  	_ =	swait.ge [sflag:s22], s20  }
0x9f: {  	s4 =	ssub.s32 $0x0, s20;
	[sflag:s22] =	ssyncset.done $0x0  }
0xa0: {  	[sflag:s22] =	ssyncadd.s32 s4;
	_ =	sdelay $0x1  }
0xa1: {  	s23 =	simm.s32 $0x1B8B  }
0xa2: {  	_ =	swait.ge [sflag:s23], $0x1  }
0xa3: {  	[sflag:s23] =	ssyncset.done $0x0  }
0xa4: {  	s25 =	simm.s32 $0x1B8E;
	s24 =	sld [smem:$0x3FFE];
	[sflag:s23] =	ssyncadd.s32 $0xFFFFFFFF  }
0xa5: {  	s26 =	simm.s32 $execute0_lowered;
	[smem:$0x3FD2] =	sst s25  }
0xa6: {  	s5 =	sshll.u32 s26, $0x1;
	_ =	strace $0x80000046;
	[dreg:$0x1] =	wrdreg $0xFFFFFFFF  }
0xa7: {  	s28 =	simm.s32 $_size_execute0_lowered;
	s3 =	sadd.s32 s3, s5;
	[dreg:$0x0] =	wrdreg $0x0  }
0xa8: {  	s5 =	sshll.u32 s28, $0x1;
	[dreg:$0x2] =	wrdreg s3  }
0xa9: {  	[dreg:$0x3] =	wrdreg s5  }
0xaa: {  	[dreg:$0x4] =	wrdreg $0xC0  }
0xab: {  	_ =	task [dreg:s7], $0x5FFFF  }
0xac: {  	[dreg:$0x1] =	wrdreg $0xFFFFFFFF  }
0xad: {  	[dreg:$0x0] =	wrdreg $0x60  }
0xae: {  	[dreg:$0x2] =	wrdreg s2  }
0xaf: {  	[dreg:$0x3] =	wrdreg s24  }
0xb0: {  	[dreg:$0x4] =	wrdreg $0x42000  }
0xb1: {  	[dreg:$0x5] =	wrdreg $0x9  }
0xb2: {  	_ =	task.clear_ibuf [dreg:s7], $0x6FFFF;
	_ =	strace $0x90000046  }
0xb3: {  	s29 =	simm.s32 $0x9;
	_ =	strace $0x80000048  }
0xb4: {  	_ =	swait.ge [sflag:s29], $0x1  }
0xb5: {  	[sflag:s29] =	ssyncadd.s32 $0xFFFFFFFF  }
0xb6: {  	_ =	strace $0x90000048  }
0xb7: {  	_ =	sfence  }
0xb8: {  	s30 =	sld [smem:$0x0];
	_ =	sdelay $0x2  }
0xb9: {  	s31 =	sshll.u32 s1, $0xD;
	s1 =	sshrl.u32 s1, $0x2  }
0xba: {  	s3 =	sand.u32 $0x4000, s31;
	s1 =	sadd.s32 s1, s30  }
0xbb: {  	s0 =	sor.u32 s3, s0;
	s1 =	sshll.u32 s1, $0x11  }
0xbc: {  	s0 =	sor.u32 s1, s0  }
0xbd: {  	s0 =	sadd.s32 $0x8F2B, s0  }
0xbe: {  	[sflag:s0] =	ssyncadd.remote.s32 $0x1  }
0xbf: {  	_ =	sfence.sel $0xFFFF  }
0xc0: {  	[dreg:$0x0] =	wrdreg $0xFFFFFFFF;
	(pc) =	sbr.abs _section_cstart, $3  }
0xc1: {  	[dreg:$0x1] =	wrdreg $0xFFFFFFFF  }
0xc2: {  	_ =	task.clear_ibuf [dreg:s7], $0x2FFFF;
	_ =	strace $0x9FFFFFFF  }
0xc3: {  	(tm) =	ssettm $0x7FFFFFFF  }
tec
execute0_lowered:
.L_overlay_start_1:
0x0: {  	(tag) =	ssettag $0x1  }
0x1: {  	s9 =	rddreg [dreg:$0x0]  }
0x2: {  	s6 =	rddreg [dreg:$0x1]  }
0x3: {  	s1 =	rddreg [dreg:$0x2];
	s2 =	srdreg.scid  }
0x4: {  	s0 =	rddreg [dreg:$0x3];
	s3 =	simm.s32 $0x0;
	s14 =	simm.s32 $0x100  }
0x5: {  	s15 =	simm.s32 $0x180;
	s16 =	simm.s32 $0x1;
	s17 =	simm.s32 $0x2  }
0x6: {  	s18 =	simm.s32 $0x3;
	s19 =	simm.s32 $0x4;
	s7 =	sand.u32 $0x1, s2  }
0x7: {  	s20 =	simm.s32 $0x0;
	s2 =	stileid.u32;
	s8 =	smul.u32 $0x140000, s7  }
0x8: {  	[smem:$0x7FF] =	sst s3;
	s4 =	sadd.s32 $0x8600, s6;
	s10 =	smul.u32 $0x14000, s2  }
0x9: {  	s5 =	sadd.s32 $0x7E00, s6;
	_ =	strace $0x80000047;
	s12 =	smul.u32 $0x50000, s2  }
0xa: {  	s25 =	ssub.s32 $0x2, s7;
	s7 =	smul.u32 $0x14000, s7;
	s28 =	sshll.u32 s2, $0x6  }
0xb: {  	s29 =	sshll.u32 s2, $0x9;
	s11 =	sshrl.u32 s25, $0x1;
	s8 =	sadd.s32 s10, s8  }
0xc: {  	s10 =	ssub.s32 s25, s11;
	s26 =	sshrl.u32 s12, $0x2;
	s30 =	sor.u32 s29, s7  }
0xd: {  	s11 =	simm.s32 $0x5;
	s12 =	simm.s32 $0x200;
	s8 =	sshrl.u32 s8, $0x3  }
0xe: {  	s13 =	sadd.s32 s26, s1;
	s31 =	sshrl.u32 s30, $0x3;
	s8 =	sadd.s32 s8, s6  }
0xf: {  	s6 =	sor.u32 $0x1C05, s28;
	s9 =	sadd.s32 s31, s9;
	s7 =	sadd.s32 $0xAE00, s8  }
0x10: {  	s8 =	smax.u32 s10, $0x1;
	s10 =	sshrl.u32 s13, $0x3;
	s13 =	simm.s32 $0x80  }
.LBB2_1:
0x11: {  	[spmem:s10], [sflag:s6] =	dma.local [hbm:s4], $0x2800  }
0x12: {  	_ =	swait.ge [sflag:s11], $0x2800  }
0x13: {  	[sflag:s11] =	ssyncset.done $0x0  }
0x14: {  	[sflag:s11] =	ssyncadd.s32 $0xFFFFD800  }
0x15: {  	[tilespmem:s12], [sflag:$0x5] =	stream.linear.gather [hbm4b:s5+s3], $0x4000, $0x38;
	[tilespmem:$0x6A00] =	vst v63  }
0x16: {  	_ =	swait.ge [sflag:s11], $0x4000  }
0x17: {  	[sflag:s11] =	ssyncset.done $0x0  }
0x18: {  	[sflag:s11] =	ssyncadd.s32 $0xFFFFC000  }
0x19: {  	s21 =	sadd.s32 $0x0, s9;
	[bflag:$0x0] =	sbarrier.arrive $0xFFFF  }
0x1a: {  	[tilespmem:s3], [sflag:$0x1] =	stream.linear.gather [hbm4b:s21+s3], $0x80, $0x38;
	[tilespmem:$0x6A00] =	vst v63  }
0x1b: {  	s22 =	sadd.s32 $0x10, s21  }
0x1c: {  	[tilespmem:s13], [sflag:$0x2] =	stream.linear.gather [hbm4b:s22+s3], $0x80, $0x38;
	[tilespmem:$0x6A00] =	vst v63  }
0x1d: {  	s31 =	sadd.s32 $0x20, s21  }
0x1e: {  	[tilespmem:s14], [sflag:$0x3] =	stream.linear.gather [hbm4b:s31+s3], $0x80, $0x38;
	[tilespmem:$0x6A00] =	vst v63  }
0x1f: {  	s21 =	sadd.s32 $0x30, s21  }
0x20: {  	[tilespmem:s15], [sflag:$0x4] =	stream.linear.gather [hbm4b:s21+s3], $0x80, $0x38;
	[tilespmem:$0x6A00] =	vst v63  }
0x21: {  	_ =	swait.ge [sflag:s16], $0x80  }
0x22: {  	[sflag:s16] =	ssyncset.done $0x0  }
0x23: {  	[sflag:s16] =	ssyncadd.s32 $0xFFFFFF80  }
0x24: {  	[spmem:s1] =	stream.indirect.scatter.add.f32 [tilespmem:s12], [sflag:$0x1], $0x10, s3, s13, $0xb8;
	[tilespmem:$0x6A00] =	vst v63  }
0x25: {  	_ =	swait.ge [sflag:s17], $0x80  }
0x26: {  	[sflag:s17] =	ssyncset.done $0x0  }
0x27: {  	[sflag:s17] =	ssyncadd.s32 $0xFFFFFF80  }
0x28: {  	[spmem:s1] =	stream.indirect.scatter.add.f32 [tilespmem:s12], [sflag:$0x2], $0x10, s13, s13, $0xb8;
	[tilespmem:$0x6A00] =	vst v63  }
0x29: {  	_ =	swait.ge [sflag:s18], $0x80  }
0x2a: {  	[sflag:s18] =	ssyncset.done $0x0  }
0x2b: {  	[sflag:s18] =	ssyncadd.s32 $0xFFFFFF80  }
0x2c: {  	[spmem:s1] =	stream.indirect.scatter.add.f32 [tilespmem:s12], [sflag:$0x3], $0x10, s14, s13, $0xb8;
	[tilespmem:$0x6A00] =	vst v63  }
0x2d: {  	_ =	swait.ge [sflag:s19], $0x80  }
0x2e: {  	[sflag:s19] =	ssyncset.done $0x0  }
0x2f: {  	[sflag:s19] =	ssyncadd.s32 $0xFFFFFF80  }
0x30: {  	[spmem:s1] =	stream.indirect.scatter.add.f32 [tilespmem:s12], [sflag:$0x4], $0x10, s15, s13, $0xb8;
	[tilespmem:$0x6A00] =	vst v63  }
0x31: {  	_ =	swait.ge [sflag:s16], $0x800  }
0x32: {  	[sflag:s16] =	ssyncset.done $0x0  }
0x33: {  	[sflag:s16] =	ssyncadd.s32 $0xFFFFF800  }
0x34: {  	_ =	swait.ge [sflag:s17], $0x800  }
0x35: {  	[sflag:s17] =	ssyncset.done $0x0  }
0x36: {  	[sflag:s17] =	ssyncadd.s32 $0xFFFFF800  }
0x37: {  	_ =	swait.ge [sflag:s18], $0x800  }
0x38: {  	[sflag:s18] =	ssyncset.done $0x0  }
0x39: {  	[sflag:s18] =	ssyncadd.s32 $0xFFFFF800  }
0x3a: {  	_ =	swait.ge [sflag:s19], $0x800  }
0x3b: {  	s23 =	simm.s32 $0x800;
	s21 =	simm.s32 $0x400;
	[sflag:s19] =	ssyncset.done $0x0  }
.LBB2_2:
0x3c: {  	s24 =	sadd.s32 s21, s9  }
0x3d: {  	[sflag:s19] =	ssyncadd.s32 $0xFFFFF800;
	s21 =	smov.u32 s23;
	s22 =	sadd.s32 $0x400, s23  }
0x3e: {  	[tilespmem:s3], [sflag:$0x1] =	stream.linear.gather [hbm4b:s24+s3], $0x80, $0x38;
	[tilespmem:$0x6A00] =	vst v63  }
0x3f: {  	p0 =	sne.s32 s23, $0x2400;
	s23 =	sadd.s32 $0x10, s24  }
0x40: {  	[tilespmem:s13], [sflag:$0x2] =	stream.linear.gather [hbm4b:s23+s3], $0x80, $0x38;
	[tilespmem:$0x6A00] =	vst v63  }
0x41: {  	s23 =	sadd.s32 $0x20, s24  }
0x42: {  	[tilespmem:s14], [sflag:$0x3] =	stream.linear.gather [hbm4b:s23+s3], $0x80, $0x38;
	[tilespmem:$0x6A00] =	vst v63  }
0x43: {  	s23 =	sadd.s32 $0x30, s24  }
0x44: {  	[tilespmem:s15], [sflag:$0x4] =	stream.linear.gather [hbm4b:s23+s3], $0x80, $0x38;
	[tilespmem:$0x6A00] =	vst v63  }
0x45: {  	_ =	swait.ge [sflag:s16], $0x80  }
0x46: {  	[sflag:s16] =	ssyncset.done $0x0  }
0x47: {  	[sflag:s16] =	ssyncadd.s32 $0xFFFFFF80  }
0x48: {  	[spmem:s1] =	stream.indirect.scatter.add.f32 [tilespmem:s12], [sflag:$0x1], $0x10, s3, s13, $0xb8;
	[tilespmem:$0x6A00] =	vst v63  }
0x49: {  	_ =	swait.ge [sflag:s17], $0x80  }
0x4a: {  	[sflag:s17] =	ssyncset.done $0x0  }
0x4b: {  	[sflag:s17] =	ssyncadd.s32 $0xFFFFFF80  }
0x4c: {  	[spmem:s1] =	stream.indirect.scatter.add.f32 [tilespmem:s12], [sflag:$0x2], $0x10, s13, s13, $0xb8;
	[tilespmem:$0x6A00] =	vst v63  }
0x4d: {  	_ =	swait.ge [sflag:s18], $0x80  }
0x4e: {  	[sflag:s18] =	ssyncset.done $0x0  }
0x4f: {  	[sflag:s18] =	ssyncadd.s32 $0xFFFFFF80  }
0x50: {  	[spmem:s1] =	stream.indirect.scatter.add.f32 [tilespmem:s12], [sflag:$0x3], $0x10, s14, s13, $0xb8;
	[tilespmem:$0x6A00] =	vst v63  }
0x51: {  	_ =	swait.ge [sflag:s19], $0x80  }
0x52: {  	[sflag:s19] =	ssyncset.done $0x0  }
0x53: {  	[sflag:s19] =	ssyncadd.s32 $0xFFFFFF80  }
0x54: {  	[spmem:s1] =	stream.indirect.scatter.add.f32 [tilespmem:s12], [sflag:$0x4], $0x10, s15, s13, $0xb8;
	[tilespmem:$0x6A00] =	vst v63  }
0x55: {  	_ =	swait.ge [sflag:s16], $0x800  }
0x56: {  	[sflag:s16] =	ssyncset.done $0x0  }
0x57: {  	[sflag:s16] =	ssyncadd.s32 $0xFFFFF800  }
0x58: {  	_ =	swait.ge [sflag:s17], $0x800  }
0x59: {  	[sflag:s17] =	ssyncset.done $0x0  }
0x5a: {  	[sflag:s17] =	ssyncadd.s32 $0xFFFFF800  }
.Ltmp0:
0x5b: {  	_ =	swait.ge [sflag:s18], $0x800;
	(pc) =	sbr.rel @p0 .LBB2_2-.Ltmp0, $4  }
0x5c: {  	[sflag:s18] =	ssyncset.done $0x0  }
0x5d: {  	[sflag:s18] =	ssyncadd.s32 $0xFFFFF800  }
0x5e: {  	_ =	swait.ge [sflag:s19], $0x800  }
0x5f: {  	s23 =	smov.u32 s22;
	[sflag:s19] =	ssyncset.done $0x0  }
0x60: {  	s21 =	sadd.s32 s21, s9;
	[sflag:s19] =	ssyncadd.s32 $0xFFFFF800  }
0x61: {  	[tilespmem:s3], [sflag:$0x1] =	stream.linear.gather [hbm4b:s21+s3], $0x80, $0x38;
	[tilespmem:$0x6A00] =	vst v63  }
0x62: {  	s22 =	sadd.s32 $0x10, s21  }
0x63: {  	[tilespmem:s13], [sflag:$0x2] =	stream.linear.gather [hbm4b:s22+s3], $0x80, $0x38;
	[tilespmem:$0x6A00] =	vst v63  }
0x64: {  	s31 =	sadd.s32 $0x20, s21  }
0x65: {  	[tilespmem:s14], [sflag:$0x3] =	stream.linear.gather [hbm4b:s31+s3], $0x80, $0x38;
	[tilespmem:$0x6A00] =	vst v63  }
0x66: {  	s21 =	sadd.s32 $0x30, s21  }
0x67: {  	[tilespmem:s15], [sflag:$0x4] =	stream.linear.gather [hbm4b:s21+s3], $0x80, $0x38;
	[tilespmem:$0x6A00] =	vst v63  }
0x68: {  	_ =	swait.ge [sflag:s16], $0x80  }
0x69: {  	[sflag:s16] =	ssyncset.done $0x0  }
0x6a: {  	[sflag:s16] =	ssyncadd.s32 $0xFFFFFF80  }
0x6b: {  	[spmem:s1] =	stream.indirect.scatter.add.f32 [tilespmem:s12], [sflag:$0x1], $0x10, s3, s13, $0xb8;
	[tilespmem:$0x6A00] =	vst v63  }
0x6c: {  	_ =	swait.ge [sflag:s17], $0x80  }
0x6d: {  	[sflag:s17] =	ssyncset.done $0x0  }
0x6e: {  	[sflag:s17] =	ssyncadd.s32 $0xFFFFFF80  }
0x6f: {  	[spmem:s1] =	stream.indirect.scatter.add.f32 [tilespmem:s12], [sflag:$0x2], $0x10, s13, s13, $0xb8;
	[tilespmem:$0x6A00] =	vst v63  }
0x70: {  	_ =	swait.ge [sflag:s18], $0x80  }
0x71: {  	[sflag:s18] =	ssyncset.done $0x0  }
0x72: {  	[sflag:s18] =	ssyncadd.s32 $0xFFFFFF80  }
0x73: {  	[spmem:s1] =	stream.indirect.scatter.add.f32 [tilespmem:s12], [sflag:$0x3], $0x10, s14, s13, $0xb8;
	[tilespmem:$0x6A00] =	vst v63  }
0x74: {  	_ =	swait.ge [sflag:s19], $0x80  }
0x75: {  	[sflag:s19] =	ssyncset.done $0x0  }
0x76: {  	[sflag:s19] =	ssyncadd.s32 $0xFFFFFF80  }
0x77: {  	[spmem:s1] =	stream.indirect.scatter.add.f32 [tilespmem:s12], [sflag:$0x4], $0x10, s15, s13, $0xb8;
	[tilespmem:$0x6A00] =	vst v63  }
0x78: {  	_ =	swait.ge [sflag:s16], $0x800  }
0x79: {  	[sflag:s16] =	ssyncset.done $0x0  }
0x7a: {  	[sflag:s16] =	ssyncadd.s32 $0xFFFFF800  }
0x7b: {  	_ =	swait.ge [sflag:s17], $0x800  }
0x7c: {  	[sflag:s17] =	ssyncset.done $0x0  }
0x7d: {  	[sflag:s17] =	ssyncadd.s32 $0xFFFFF800  }
0x7e: {  	_ =	swait.ge [sflag:s18], $0x800  }
0x7f: {  	[sflag:s18] =	ssyncset.done $0x0  }
0x80: {  	[sflag:s18] =	ssyncadd.s32 $0xFFFFF800  }
0x81: {  	_ =	swait.ge [sflag:s19], $0x800  }
0x82: {  	s20 =	sadd.s32 $0x1, s20;
	[sflag:s19] =	ssyncset.done $0x0  }
0x83: {  	p0 =	sne.s32 s20, s8;
	[sflag:s19] =	ssyncadd.s32 $0xFFFFF800  }
.Ltmp1:
0x84: {  	[bflag:$0x0] =	sbarrier.arrive $0xFFFF;
	(pc) =	sbr.rel @p0 .LBB2_1-.Ltmp1, $4  }
0x85: {  	[hbm:s7], [sflag:s6] =	dma.local [spmem:s10], $0x2800  }
0x86: {  	_ =	swait.ge [sflag:s11], $0x2800  }
0x87: {  	[sflag:s11] =	ssyncset.done $0x0  }
0x88: {  	[sflag:s11] =	ssyncadd.s32 $0xFFFFD800  }
0x89: {  	_ =	sfence.sel $0x180000  }
0x8a: {  	[bflag:$0x0] =	sbarrier.arrive $0xFFFF  }
0x8b: {  	p0 =	sne.s32 s2, $0x0;
	_ =	strace $0x90000047  }
0x8c: {  	s0 =	sadd.s32 @!p0 $0x100000, s0;
	[bflag:$0x2] =	sbarrier.arrive $0xFFFF  }
0x8d: {  	[sflag:s0] =	ssyncadd.tile.s32 @!p0 $0x1;
	_ =	shalt  }
.Lfunc_end2:
_tile_overlayer_lowered:
.L_overlay_start_2:
0x8e: {  	(tag) =	ssettag $0x2  }
0x8f: {  	s0 =	rddreg [dreg:$0x0];
	s2 =	stileid.u32  }
0x90: {  	s1 =	rddreg [dreg:$0x1];
	p0 =	sne.s32 s2, $0x0  }
0x91: {  	s3 =	rddreg [dreg:$0x2];
	[bflag:$0x3] =	sbarrier.arrive $0xFFFF;
	s2 =	simm.s32 @!p0 $0x1C05  }
0x92: {  	[timem:s3], [sflag:s2] =	dma.local @!p0 [hbm:s0], s1  }
0x93: {  	s0 =	simm.s32 @!p0 $0x5  }
0x94: {  	_ =	swait.ge @!p0 [sflag:s0], s1  }
0x95: {  	s1 =	ssub.s32 @!p0 $0x0, s1;
	[sflag:s0] =	ssyncset.done @!p0 $0x0  }
0x96: {  	[sflag:s0] =	ssyncadd.s32 @!p0 s1  }
0x97: {  	[bflag:$0x3] =	sbarrier.arrive $0xFFFF  }
0x98: {  	_ =	shalt  }

// kernel: kernel.9.cloned.1.call-start
scs
__scs_entry_jumppad:
0x0: {  	(pc) =	sbr.rel $0x88, $3  }
0x1: {  	(tag) =	ssettag $0x0;
	lr =	simm.s32 $0x1  }
0x2: {  	[smem:$0x3F9C] =	sst lr;
	_ =	strace $0xD0000000  }
0x3: {  	_ = 	snop  }
0x4: {  	_ = 	snop  }
0x5: {  	_ = 	snop  }
0x6: {  	_ = 	snop  }
0x7: {  	_ = 	snop  }
__scs_overlays_trampoline_lowered:
0x8: {  	[smem:$0x3FAB] =	sst s0  }
0x9: {  	[smem:$0x3FAC] =	sst s1  }
0xa: {  	[smem:$0x3FAD] =	sst s2  }
0xb: {  	[smem:$0x3FAE] =	sst s3  }
0xc: {  	[smem:$0x3FAF] =	sst s4  }
0xd: {  	[smem:$0x3FB0] =	sst s5  }
0xe: {  	[smem:$0x3FB1] =	sst s6  }
0xf: {  	[smem:$0x3FB2] =	sst s7  }
0x10: {  	[smem:$0x3FB3] =	sst s8  }
0x11: {  	[smem:$0x3FB4] =	sst s9;
	s0 =	simm.s32 @!p0 $0x0  }
0x12: {  	s1 =	sld [smem:$0x3F9A];
	s0 =	simm.s32 @p0 $0x1  }
0x13: {  	[smem:$0x3FB5] =	sst s0;
	s0 =	simm.s32 @!p1 $0x0  }
0x14: {  	s2 =	sld [smem:$0x3F99];
	s0 =	simm.s32 @p1 $0x1  }
0x15: {  	[smem:$0x3FB6] =	sst s0;
	s0 =	simm.s32 @!p2 $0x0  }
0x16: {  	s3 =	sld [smem:$0x3FDB];
	s0 =	simm.s32 @p2 $0x1  }
0x17: {  	s4 =	simm.s32 $0x1BF5;
	[smem:$0x3FB8] =	sst s0  }
0x18: {  	s0 =	sld [smem:$0x3F9B];
	_ =	swait.ge [sflag:s4], $0x0  }
0x19: {  	s7 =	sld [smem:$0x3F9C]  }
0x1a: {  	s8 =	sadd.s32 $0xFFFFE003, lr  }
0x1b: {  	s9 =	sadd.s32 $0xFFFFFEF7, lr;
	s5 =	simm.s32 $0xFFFFFFFF;
	p2 =	slt.u32 s8, $0xFFFFF086  }
0x1c: {  	p1 =	slt.u32 s9, $0xF7A;
	s5 =	simm.s32 @!p2 $0x0  }
0x1d: {  	s5 =	simm.s32 @p1 $0x1;
	p0 =	seq.s32 s7, s2  }
0x1e: {  	s7 =	smul.u32 @!p0 $0xF7A, s2;
	p2 =	seq.s32 @!p0 s5, $0x0  }
0x1f: {  	s9 =	smul.u32 $0xF7A, s1;
	s8 =	simm.s32 @!p0 $0x1BF5;
	p2 =	por !p2, p0  }
0x20: {  	[sflag:s8] =	ssyncset.s32 @!p0 $0xFFFFF086;
	s6 =	sadd.s32 @!p0 s3, s7;
	s7 =	simm.s32 @!p0 $0x108  }
0x21: {  	s3 =	sadd.s32 s3, s9;
	s6 =	sadd.s32 @!p0 $0x88, s6;
	s7 =	simm.s32 @p2 $0x1082  }
0x22: {  	[simem:s7], [sflag:s8] =	dma.local @!p0 [hbm:s6], $0xF7A  }
0x23: {  	s9 =	sor.u32 $0xD0000000, s2;
	s6 =	simm.s32 $0x108;
	_ =	swait.ge @!p0 [sflag:s8], $0x0  }
0x24: {  	s3 =	sadd.s32 $0x88, s3;
	s6 =	simm.s32 @!p1 $0x1082;
	[sflag:s4] =	ssyncset.s32 $0xFFFFF086  }
0x25: {  	[simem:s6], [sflag:s4] =	dma.local [hbm:s3], $0xF7A  }
0x26: {  	[smem:$0x3F9C] =	sst s1;
	(tag) =	ssettag s2;
	_ =	strace s9  }
0x27: {  	s1 =	sld [smem:$0x3FAC]  }
0x28: {  	s2 =	sld [smem:$0x3FAD]  }
0x29: {  	s4 =	sld [smem:$0x3FAF]  }
0x2a: {  	p0 =	seq.s32 s5, $0x0;
	s5 =	sld [smem:$0x3FB0]  }
0x2b: {  	s6 =	sld [smem:$0x3FB1]  }
0x2c: {  	s7 =	sld [smem:$0x3FB2]  }
0x2d: {  	s3 =	simm.s32 $0x108;
	s8 =	sld [smem:$0x3FB3]  }
0x2e: {  	s3 =	simm.s32 @!p0 $0x1082;
	s9 =	sld [smem:$0x3FB4]  }
0x2f: {  	lr =	sadd.s32 s0, s3;
	s0 =	sld [smem:$0x3FAB]  }
0x30: {  	s3 =	sld [smem:$0x3FAE]  }
0x31: {  	[smem:$0x3FB7] =	sst s10  }
0x32: {  	s10 =	sld [smem:$0x3FB5];
	_ =	sdelay $0x3  }
0x33: {  	p0 =	seq.s32 s10, $0x1;
	s10 =	sld [smem:$0x3FB7];
	_ =	sdelay $0x3  }
0x34: {  	[smem:$0x3FB7] =	sst s10  }
0x35: {  	s10 =	sld [smem:$0x3FB6];
	_ =	sdelay $0x3  }
0x36: {  	p1 =	seq.s32 s10, $0x1;
	s10 =	sld [smem:$0x3FB7];
	_ =	sdelay $0x3  }
0x37: {  	[smem:$0x3FB7] =	sst s10  }
0x38: {  	s10 =	sld [smem:$0x3FB8]  }
0x39: {  	_ = 	snop;
	(pc) =	sbr.ind lr, $3  }
0x3a: {  	_ = 	snop  }
0x3b: {  	_ = 	snop  }
0x3c: {  	p2 =	seq.s32 s10, $0x1;
	s10 =	sld [smem:$0x3FB7]  }
0x3d: {  	_ =	shalt  }
0x3e: {  	_ =	shalt  }
0x3f: {  	_ =	shalt  }
0x40: {  	_ =	shalt  }
0x41: {  	_ =	shalt  }
0x42: {  	_ =	shalt  }
0x43: {  	_ =	shalt  }
0x44: {  	_ =	shalt  }
0x45: {  	_ =	shalt  }
0x46: {  	_ =	shalt  }
0x47: {  	_ =	shalt  }
0x48: {  	_ =	shalt  }
0x49: {  	_ =	shalt  }
0x4a: {  	_ =	shalt  }
0x4b: {  	_ =	shalt  }
0x4c: {  	_ =	shalt  }
0x4d: {  	_ =	shalt  }
0x4e: {  	_ =	shalt  }
0x4f: {  	_ =	shalt  }
0x50: {  	_ =	shalt  }
0x51: {  	_ =	shalt  }
0x52: {  	_ =	shalt  }
0x53: {  	_ =	shalt  }
0x54: {  	_ =	shalt  }
0x55: {  	_ =	shalt  }
0x56: {  	_ =	shalt  }
0x57: {  	_ =	shalt  }
0x58: {  	_ =	shalt  }
0x59: {  	_ =	shalt  }
0x5a: {  	_ =	shalt  }
0x5b: {  	_ =	shalt  }
0x5c: {  	_ =	shalt  }
0x5d: {  	_ =	shalt  }
0x5e: {  	_ =	shalt  }
0x5f: {  	_ =	shalt  }
0x60: {  	_ =	shalt  }
0x61: {  	_ =	shalt  }
0x62: {  	_ =	shalt  }
0x63: {  	_ =	shalt  }
0x64: {  	_ =	shalt  }
0x65: {  	_ =	shalt  }
0x66: {  	_ =	shalt  }
0x67: {  	_ =	shalt  }
0x68: {  	_ =	shalt  }
0x69: {  	_ =	shalt  }
0x6a: {  	_ =	shalt  }
0x6b: {  	_ =	shalt  }
0x6c: {  	_ =	shalt  }
0x6d: {  	_ =	shalt  }
0x6e: {  	_ =	shalt  }
0x6f: {  	_ =	shalt  }
0x70: {  	_ =	shalt  }
0x71: {  	_ =	shalt  }
0x72: {  	_ =	shalt  }
0x73: {  	_ =	shalt  }
0x74: {  	_ =	shalt  }
0x75: {  	_ =	shalt  }
0x76: {  	_ =	shalt  }
0x77: {  	_ =	shalt  }
0x78: {  	_ =	shalt  }
0x79: {  	_ =	shalt  }
0x7a: {  	_ =	shalt  }
0x7b: {  	_ =	shalt  }
0x7c: {  	_ =	shalt  }
0x7d: {  	_ =	shalt  }
0x7e: {  	_ =	shalt  }
0x7f: {  	_ =	shalt  }
0x80: {  	_ =	shalt  }
0x81: {  	_ =	shalt  }
0x82: {  	_ =	shalt  }
0x83: {  	_ =	shalt  }
0x84: {  	_ =	shalt  }
0x85: {  	_ =	shalt  }
0x86: {  	_ =	shalt  }
0x87: {  	_ =	shalt  }
.Lfunc_end0:
.L_simem_size_0:
called_computation.1_lowered:
.L_overlay_start_0:
0x88: {  	s2 =	sld [smem:$0x3FD9]  }
0x89: {  	s3 =	sld [smem:$0x3FFE];
	_ =	sdelay $0x1  }
0x8a: {  	s1 =	srdreg.scid  }
0x8b: {  	s0 =	sand.u32 $0x1, s1  }
0x8c: {  	s16 =	sshll.u32 s0, $0xA;
	s2 =	sadd.s32 s3, s2  }
0x8d: {  	s2 =	sadd.s32 s2, s16  }
0x8e: {  	[smem:$0x3FC3] =	sst s2  }
0x8f: {  	_ = 	snop  }
0x90: {  	(tm) =	ssettm $0x1  }
0x91: {  	s17 =	sld [smem:$0x3FFB];
	_ =	sdelay $0x3  }
0x92: {  	_ =	strace s17  }
0x93: {  	s2 =	sld [smem:$0x3FFC];
	_ =	sdelay $0x3  }
0x94: {  	_ =	strace s2  }
0x95: {  	s2 =	sld [smem:$0x3FFD];
	_ =	sdelay $0x3  }
0x96: {  	_ =	strace s2  }
0x97: {  	_ =	strace $0x8FFFFFFF  }
0x98: {  	s18 =	sld [smem:$0x3FDB];
	_ =	sdelay $0x1  }
0x99: {  	s19 =	simm.s32 $_scs_section_size  }
0x9a: {  	s4 =	simm.s32 $_size__tile_overlayer_lowered;
	s5 =	simm.s32 $_tile_overlayer_lowered  }
0x9b: {  	s22 =	simm.s32 $0x1BFF;
	s21 =	sshll.u32 s5, $0x1;
	s2 =	sadd.s32 s19, s18  }
0x9c: {  	s6 =	simm.s32 $0x0;
	s20 =	sshll.u32 s4, $0x1;
	s4 =	sadd.s32 s21, s2  }
0x9d: {  	[timem:s6], [sflag:s22] =	dma.local [hbm:s4], s20  }
0x9e: {  	_ =	swait.ge [sflag:s22], s20  }
0x9f: {  	s3 =	ssub.s32 $0x0, s20;
	[sflag:s22] =	ssyncset.done $0x0  }
0xa0: {  	[sflag:s22] =	ssyncadd.s32 s3;
	_ =	sdelay $0x1  }
0xa1: {  	s23 =	simm.s32 $0x1B8B  }
0xa2: {  	_ =	swait.ge [sflag:s23], $0x1  }
0xa3: {  	[sflag:s23] =	ssyncset.done $0x0  }
0xa4: {  	s25 =	simm.s32 $0x1B8E;
	s24 =	sld [smem:$0x3FFE];
	[sflag:s23] =	ssyncadd.s32 $0xFFFFFFFF  }
0xa5: {  	s26 =	simm.s32 $execute0_lowered;
	[smem:$0x3FD2] =	sst s25  }
0xa6: {  	s4 =	sshll.u32 s26, $0x1;
	_ =	strace $0x80000049;
	[dreg:$0x1] =	wrdreg $0xFFFFFFFF  }
0xa7: {  	s28 =	simm.s32 $_size_execute0_lowered;
	s2 =	sadd.s32 s2, s4;
	[dreg:$0x0] =	wrdreg $0x0  }
0xa8: {  	s4 =	sshll.u32 s28, $0x1;
	[dreg:$0x2] =	wrdreg s2  }
0xa9: {  	[dreg:$0x3] =	wrdreg s4  }
0xaa: {  	[dreg:$0x4] =	wrdreg $0xC0  }
0xab: {  	_ =	task [dreg:s6], $0x5FFFF  }
0xac: {  	[dreg:$0x1] =	wrdreg $0xFFFFFFFF  }
0xad: {  	[dreg:$0x0] =	wrdreg $0x60  }
0xae: {  	[dreg:$0x2] =	wrdreg s24  }
0xaf: {  	[dreg:$0x3] =	wrdreg $0x50000  }
0xb0: {  	[dreg:$0x4] =	wrdreg $0x9  }
0xb1: {  	_ =	task.clear_ibuf [dreg:s6], $0x5FFFF;
	_ =	strace $0x90000049  }
0xb2: {  	s29 =	simm.s32 $0x9;
	_ =	strace $0x8000004B  }
0xb3: {  	_ =	swait.ge [sflag:s29], $0x1  }
0xb4: {  	[sflag:s29] =	ssyncadd.s32 $0xFFFFFFFF  }
0xb5: {  	_ =	strace $0x9000004B  }
0xb6: {  	_ =	sfence  }
0xb7: {  	s30 =	sld [smem:$0x0];
	_ =	sdelay $0x2  }
0xb8: {  	s31 =	sshll.u32 s1, $0xD;
	s1 =	sshrl.u32 s1, $0x2  }
0xb9: {  	s3 =	sand.u32 $0x4000, s31;
	s1 =	sadd.s32 s1, s30  }
0xba: {  	s0 =	sor.u32 s3, s0;
	s1 =	sshll.u32 s1, $0x11  }
0xbb: {  	s0 =	sor.u32 s1, s0  }
0xbc: {  	s0 =	sadd.s32 $0x8F2B, s0  }
0xbd: {  	[sflag:s0] =	ssyncadd.remote.s32 $0x1  }
0xbe: {  	_ =	sfence.sel $0xFFFF  }
0xbf: {  	[dreg:$0x0] =	wrdreg $0xFFFFFFFF;
	(pc) =	sbr.abs _section_cstart, $3  }
0xc0: {  	[dreg:$0x1] =	wrdreg $0xFFFFFFFF  }
0xc1: {  	_ =	task.clear_ibuf [dreg:s6], $0x2FFFF;
	_ =	strace $0x9FFFFFFF  }
0xc2: {  	(tm) =	ssettm $0x7FFFFFFF  }
0xc3: {  	_ =	shalt  }
tec
execute0_lowered:
.L_overlay_start_1:
0x0: {  	(tag) =	ssettag $0x1  }
0x1: {  	s0 =	rddreg [dreg:$0x0]  }
0x2: {  	s1 =	rddreg [dreg:$0x1];
	s3 =	simm.s32 $0x0  }
0x3: {  	s2 =	srdreg.scid;
	s9 =	stileid.u32;
	s15 =	simm.s32 $0x4  }
0x4: {  	s16 =	simm.s32 $0x400;
	s17 =	simm.s32 $0x800;
	s18 =	simm.s32 $0xC00  }
0x5: {  	s19 =	simm.s32 $0x1;
	s20 =	simm.s32 $0x80;
	s14 =	simm.s32 $0x100  }
0x6: {  	s28 =	simm.s32 $0x600;
	s29 =	simm.s32 $0x280;
	s30 =	simm.s32 $0x680  }
0x7: {  	s12 =	simm.s32 $0x2;
	s31 =	simm.s32 $0x0;
	[smem:$0x7FF] =	sst s3  }
0x8: {  	s2 =	sand.u32 $0x1, s2;
	s7 =	smul.u32 $0x14000, s9;
	s4 =	sadd.s32 $0x60E00, s0  }
0x9: {  	s5 =	sadd.s32 $0x88E00, s0;
	s10 =	sadd.s32 $0x1E00, s0;
	s11 =	sadd.s32 $0x5AE00, s0  }
0xa: {  	s21 =	smul.u32 $0x50000, s9;
	s8 =	sadd.s32 $0x7E00, s0;
	s24 =	sshll.u32 s9, $0x6  }
0xb: {  	s25 =	sshll.u32 s9, $0x7;
	s6 =	smul.u32 $0x140000, s2;
	_ =	strace $0x8000004A  }
0xc: {  	[dreg:$0x3] =	wrdreg s8;
	s22 =	ssub.s32 $0x2, s2;
	s13 =	sor.u32 $0x1C04, s24  }
0xd: {  	p0 =	seq.s32 s2, $0x1;
	s8 =	sadd.s32 s10, s25;
	s9 =	sadd.s32 s11, s25  }
0xe: {  	s2 =	sor.u32 $0x800, s25;
	s24 =	simm.s32 $0x180;
	s25 =	simm.s32 $0x580  }
0xf: {  	s23 =	sshrl.u32 s22, $0x1;
	s10 =	sadd.s32 s10, s2;
	[dreg:$0x4] =	wrdreg s13  }
0x10: {  	s2 =	sadd.s32 s11, s2;
	s11 =	simm.s32 $0x480;
	[dreg:$0x5] =	wrdreg s10  }
0x11: {  	s6 =	sadd.s32 s7, s6;
	s7 =	sshrl.u32 s21, $0x2;
	[dreg:$0x6] =	wrdreg s2  }
0x12: {  	s21 =	simm.s32 $0x1000;
	s2 =	simm.s32 $0x700;
	s6 =	sshrl.u32 s6, $0x3  }
.Ltmp0:
0x13: {  	s7 =	sadd.s32 s7, s1;
	s0 =	sadd.s32 s6, s0;
	(pc) =	sbr.rel .LBB2_1-.Ltmp0, $4  }
0x14: {  	s6 =	ssub.s32 s22, s23;
	s10 =	sshrl.u32 s7, $0x3;
	s22 =	simm.s32 $0x3  }
0x15: {  	s23 =	simm.s32 $0x500;
	s0 =	sadd.s32 $0xB0E00, s0;
	[dreg:$0x9] =	wrdreg s10  }
0x16: {  	s26 =	smax.u32 s6, $0x1;
	s6 =	simm.s32 $0x380;
	[dreg:$0x7] =	wrdreg s0  }
0x17: {  	[dreg:$0x8] =	wrdreg s26;
	s26 =	simm.s32 $0x200;
	s0 =	simm.s32 $0x300  }
.LBB2_7:
0x18: {  	[tilespmem:s18], [sflag:$0x2] =	stream.linear.gather [hbm4b:s11+s3], $0x400, $0x38;
	[tilespmem:$0x19000] =	vst v63  }
0x19: {  	s13 =	rddreg [dreg:$0x4]  }
0x1a: {  	s31 =	rddreg [dreg:$0xa]  }
.LBB2_8:
0x1b: {  	_ =	swait.ge [sflag:s19], $0x400  }
0x1c: {  	[sflag:s19] =	ssyncset.done $0x0  }
0x1d: {  	[sflag:s19] =	ssyncadd.s32 $0xFFFFFC00  }
0x1e: {  	_ =	swait.ge [sflag:s19], $0x400  }
0x1f: {  	[sflag:s19] =	ssyncset.done $0x0  }
0x20: {  	[sflag:s19] =	ssyncadd.s32 $0xFFFFFC00  }
0x21: {  	_ =	swait.ge [sflag:s12], $0x400  }
0x22: {  	[sflag:s12] =	ssyncset.done $0x0  }
0x23: {  	[sflag:s12] =	ssyncadd.s32 $0xFFFFFC00  }
0x24: {  	_ =	swait.ge [sflag:s12], $0x400  }
0x25: {  	[sflag:s12] =	ssyncset.done $0x0  }
0x26: {  	[sflag:s12] =	ssyncadd.s32 $0xFFFFFC00  }
0x27: {  	[bflag:$0x0] =	sbarrier.arrive $0xFFFF  }
0x28: {  	s7 =	rddreg [dreg:$0x7]  }
0x29: {  	s10 =	rddreg [dreg:$0x9]  }
0x2a: {  	[hbm:s7], [sflag:s13] =	dma.local [spmem:s10], $0x2800  }
0x2b: {  	_ =	swait.ge [sflag:s15], $0x2800  }
0x2c: {  	s31 =	sadd.s32 $0x1, s31;
	s26 =	rddreg [dreg:$0x8]  }
0x2d: {  	p1 =	sne.s32 s31, s26  }
.Ltmp1:
0x2e: {  	s11 =	simm.s32 $0x480;
	s14 =	simm.s32 $0x100;
	(pc) =	sbr.rel @!p1 .LBB2_9-.Ltmp1, $4  }
0x2f: {  	s23 =	simm.s32 $0x500;
	s24 =	simm.s32 $0x180;
	s25 =	simm.s32 $0x580  }
0x30: {  	s28 =	simm.s32 $0x600;
	s29 =	simm.s32 $0x280;
	s30 =	simm.s32 $0x680  }
0x31: {  	s0 =	simm.s32 $0x300;
	s2 =	simm.s32 $0x700;
	[sflag:s15] =	ssyncset.done $0x0  }
0x32: {  	s6 =	simm.s32 $0x380;
	[sflag:s15] =	ssyncadd.s32 $0xFFFFD800;
	s26 =	simm.s32 $0x200  }
.LBB2_1:
0x33: {  	[dreg:$0xa] =	wrdreg s31  }
0x34: {  	s7 =	rddreg [dreg:$0x3]  }
0x35: {  	[spmem:s10], [sflag:s13] =	dma.local [hbm:s7], $0x2800  }
0x36: {  	_ =	swait.ge [sflag:s15], $0x2800  }
0x37: {  	[sflag:s15] =	ssyncset.done $0x0  }
0x38: {  	[sflag:s15] =	ssyncadd.s32 $0xFFFFD800  }
0x39: {  	[bflag:$0x0] =	sbarrier.arrive $0xFFFF  }
0x3a: {  	[tilespmem:s3], [sflag:$0x1] =	stream.linear.gather [hbm4b:s8+s3], $0x400, $0x38;
	[tilespmem:$0x19000] =	vst v63  }
0x3b: {  	_ = 	snop  }
0x3c: {  	[tilespmem:s16], [sflag:$0x1] =	stream.linear.gather [hbm4b:s9+s3], $0x400, $0x38;
	[tilespmem:$0x19000] =	vst v63  }
.Ltmp2:
0x3d: {  	_ = 	snop;
	(pc) =	sbr.rel @!p0 .LBB2_2-.Ltmp2, $4  }
0x3e: {  	s13 =	rddreg [dreg:$0x5]  }
0x3f: {  	[tilespmem:s17], [sflag:$0x2] =	stream.linear.gather [hbm4b:s13+s3], $0x400, $0x38;
	[tilespmem:$0x19000] =	vst v63  }
0x40: {  	s31 =	rddreg [dreg:$0x6]  }
0x41: {  	[tilespmem:s18], [sflag:$0x2] =	stream.linear.gather [hbm4b:s31+s3], $0x400, $0x38;
	[tilespmem:$0x19000] =	vst v63  }
0x42: {  	_ =	swait.ge [sflag:s19], $0x400  }
0x43: {  	[sflag:s19] =	ssyncset.done $0x0  }
0x44: {  	[sflag:s19] =	ssyncadd.s32 $0xFFFFFC00  }
0x45: {  	_ =	swait.ge [sflag:s19], $0x400  }
0x46: {  	[sflag:s19] =	ssyncset.done $0x0  }
0x47: {  	[sflag:s19] =	ssyncadd.s32 $0xFFFFFC00  }
0x48: {  	[tilespmem:s21], [sflag:$0x3] =	stream.indirect.gather [hbm4b:s5+s20], $0x80, s3, s20, $0xb8;
	[tilespmem:$0x19000] =	vst v63  }
0x49: {  	_ =	swait.ge [sflag:s22], $0x4000  }
0x4a: {  	[sflag:s22] =	ssyncset.done $0x0  }
0x4b: {  	[sflag:s22] =	ssyncadd.s32 $0xFFFFC000  }
0x4c: {  	[spmem:s1] =	stream.indirect.scatter.add.f32 [tilespmem:s21], [sflag:$0x4], $0x80, s16, s20, $0xb8;
	[tilespmem:$0x19000] =	vst v63  }
0x4d: {  	_ =	swait.ge [sflag:s15], $0x4000  }
0x4e: {  	[sflag:s15] =	ssyncset.done $0x0  }
0x4f: {  	[sflag:s15] =	ssyncadd.s32 $0xFFFFC000  }
0x50: {  	[tilespmem:s21], [sflag:$0x3] =	stream.indirect.gather [hbm4b:s5+s20], $0x80, s20, s20, $0xb8;
	[tilespmem:$0x19000] =	vst v63  }
0x51: {  	_ =	swait.ge [sflag:s22], $0x4000  }
0x52: {  	[sflag:s22] =	ssyncset.done $0x0  }
0x53: {  	[sflag:s22] =	ssyncadd.s32 $0xFFFFC000  }
0x54: {  	[spmem:s1] =	stream.indirect.scatter.add.f32 [tilespmem:s21], [sflag:$0x4], $0x80, s11, s20, $0xb8;
	[tilespmem:$0x19000] =	vst v63  }
0x55: {  	_ =	swait.ge [sflag:s15], $0x4000  }
0x56: {  	[sflag:s15] =	ssyncset.done $0x0  }
0x57: {  	[sflag:s15] =	ssyncadd.s32 $0xFFFFC000  }
0x58: {  	[tilespmem:s21], [sflag:$0x3] =	stream.indirect.gather [hbm4b:s5+s20], $0x80, s14, s20, $0xb8;
	[tilespmem:$0x19000] =	vst v63  }
0x59: {  	_ =	swait.ge [sflag:s22], $0x4000  }
0x5a: {  	[sflag:s22] =	ssyncset.done $0x0  }
0x5b: {  	[sflag:s22] =	ssyncadd.s32 $0xFFFFC000  }
0x5c: {  	[spmem:s1] =	stream.indirect.scatter.add.f32 [tilespmem:s21], [sflag:$0x4], $0x80, s23, s20, $0xb8;
	[tilespmem:$0x19000] =	vst v63  }
0x5d: {  	_ =	swait.ge [sflag:s15], $0x4000  }
0x5e: {  	[sflag:s15] =	ssyncset.done $0x0  }
0x5f: {  	[sflag:s15] =	ssyncadd.s32 $0xFFFFC000  }
0x60: {  	[tilespmem:s21], [sflag:$0x3] =	stream.indirect.gather [hbm4b:s5+s20], $0x80, s24, s20, $0xb8;
	[tilespmem:$0x19000] =	vst v63  }
0x61: {  	_ =	swait.ge [sflag:s22], $0x4000  }
0x62: {  	[sflag:s22] =	ssyncset.done $0x0  }
0x63: {  	[sflag:s22] =	ssyncadd.s32 $0xFFFFC000  }
0x64: {  	[spmem:s1] =	stream.indirect.scatter.add.f32 [tilespmem:s21], [sflag:$0x4], $0x80, s25, s20, $0xb8;
	[tilespmem:$0x19000] =	vst v63  }
0x65: {  	_ =	swait.ge [sflag:s15], $0x4000  }
0x66: {  	[sflag:s15] =	ssyncset.done $0x0  }
0x67: {  	[sflag:s15] =	ssyncadd.s32 $0xFFFFC000  }
0x68: {  	[tilespmem:s21], [sflag:$0x3] =	stream.indirect.gather [hbm4b:s5+s20], $0x80, s26, s20, $0xb8;
	[tilespmem:$0x19000] =	vst v63  }
0x69: {  	_ =	swait.ge [sflag:s22], $0x4000  }
0x6a: {  	[sflag:s22] =	ssyncset.done $0x0  }
0x6b: {  	[sflag:s22] =	ssyncadd.s32 $0xFFFFC000  }
0x6c: {  	[spmem:s1] =	stream.indirect.scatter.add.f32 [tilespmem:s21], [sflag:$0x4], $0x80, s28, s20, $0xb8;
	[tilespmem:$0x19000] =	vst v63  }
0x6d: {  	_ =	swait.ge [sflag:s15], $0x4000  }
0x6e: {  	[sflag:s15] =	ssyncset.done $0x0  }
0x6f: {  	[sflag:s15] =	ssyncadd.s32 $0xFFFFC000  }
0x70: {  	[tilespmem:s21], [sflag:$0x3] =	stream.indirect.gather [hbm4b:s5+s20], $0x80, s29, s20, $0xb8;
	[tilespmem:$0x19000] =	vst v63  }
0x71: {  	_ =	swait.ge [sflag:s22], $0x4000  }
0x72: {  	[sflag:s22] =	ssyncset.done $0x0  }
0x73: {  	[sflag:s22] =	ssyncadd.s32 $0xFFFFC000  }
0x74: {  	[spmem:s1] =	stream.indirect.scatter.add.f32 [tilespmem:s21], [sflag:$0x4], $0x80, s30, s20, $0xb8;
	[tilespmem:$0x19000] =	vst v63  }
0x75: {  	_ =	swait.ge [sflag:s15], $0x4000  }
0x76: {  	[sflag:s15] =	ssyncset.done $0x0  }
0x77: {  	[sflag:s15] =	ssyncadd.s32 $0xFFFFC000  }
0x78: {  	[tilespmem:s21], [sflag:$0x3] =	stream.indirect.gather [hbm4b:s5+s20], $0x80, s0, s20, $0xb8;
	[tilespmem:$0x19000] =	vst v63  }
0x79: {  	_ =	swait.ge [sflag:s22], $0x4000  }
0x7a: {  	[sflag:s22] =	ssyncset.done $0x0  }
0x7b: {  	[sflag:s22] =	ssyncadd.s32 $0xFFFFC000  }
0x7c: {  	[spmem:s1] =	stream.indirect.scatter.add.f32 [tilespmem:s21], [sflag:$0x4], $0x80, s2, s20, $0xb8;
	[tilespmem:$0x19000] =	vst v63  }
0x7d: {  	_ =	swait.ge [sflag:s15], $0x4000  }
0x7e: {  	[sflag:s15] =	ssyncset.done $0x0  }
0x7f: {  	[sflag:s15] =	ssyncadd.s32 $0xFFFFC000  }
0x80: {  	[tilespmem:s21], [sflag:$0x3] =	stream.indirect.gather [hbm4b:s5+s20], $0x80, s6, s20, $0xb8;
	[tilespmem:$0x19000] =	vst v63  }
0x81: {  	_ =	swait.ge [sflag:s22], $0x4000  }
0x82: {  	[sflag:s22] =	ssyncset.done $0x0  }
0x83: {  	s26 =	simm.s32 $0x780;
	[sflag:s22] =	ssyncadd.s32 $0xFFFFC000  }
0x84: {  	[spmem:s1] =	stream.indirect.scatter.add.f32 [tilespmem:s21], [sflag:$0x4], $0x80, s26, s20, $0xb8;
	[tilespmem:$0x19000] =	vst v63  }
0x85: {  	_ =	swait.ge [sflag:s15], $0x4000  }
0x86: {  	s10 =	sadd.s32 $0xFFFFB000, s8;
	[sflag:s15] =	ssyncset.done $0x0  }
0x87: {  	s7 =	sadd.s32 $0x6000, s10;
	s11 =	sadd.s32 $0xFFFFB000, s9;
	[sflag:s15] =	ssyncadd.s32 $0xFFFFC000  }
0x88: {  	[tilespmem:s3], [sflag:$0x1] =	stream.linear.gather [hbm4b:s7+s3], $0x400, $0x38;
	[tilespmem:$0x19000] =	vst v63  }
0x89: {  	s2 =	sadd.s32 $0x6000, s11  }
0x8a: {  	[tilespmem:s16], [sflag:$0x1] =	stream.linear.gather [hbm4b:s2+s3], $0x400, $0x38;
	[tilespmem:$0x19000] =	vst v63  }
0x8b: {  	_ =	swait.ge [sflag:s12], $0x400  }
0x8c: {  	[sflag:s12] =	ssyncset.done $0x0  }
0x8d: {  	[sflag:s12] =	ssyncadd.s32 $0xFFFFFC00  }
0x8e: {  	_ =	swait.ge [sflag:s12], $0x400  }
0x8f: {  	[sflag:s12] =	ssyncset.done $0x0  }
0x90: {  	[sflag:s12] =	ssyncadd.s32 $0xFFFFFC00  }
0x91: {  	[tilespmem:s21], [sflag:$0x3] =	stream.indirect.gather [hbm4b:s5+s20], $0x80, s17, s20, $0xb8;
	[tilespmem:$0x19000] =	vst v63  }
0x92: {  	_ =	swait.ge [sflag:s22], $0x4000  }
0x93: {  	[sflag:s22] =	ssyncset.done $0x0  }
0x94: {  	[sflag:s22] =	ssyncadd.s32 $0xFFFFC000  }
0x95: {  	[spmem:s1] =	stream.indirect.scatter.add.f32 [tilespmem:s21], [sflag:$0x4], $0x80, s18, s20, $0xb8;
	[tilespmem:$0x19000] =	vst v63  }
0x96: {  	_ =	swait.ge [sflag:s15], $0x4000  }
0x97: {  	[sflag:s15] =	ssyncset.done $0x0  }
0x98: {  	s6 =	simm.s32 $0x880;
	[sflag:s15] =	ssyncadd.s32 $0xFFFFC000  }
0x99: {  	[tilespmem:s21], [sflag:$0x3] =	stream.indirect.gather [hbm4b:s5+s20], $0x80, s6, s20, $0xb8;
	[tilespmem:$0x19000] =	vst v63  }
0x9a: {  	_ =	swait.ge [sflag:s22], $0x4000  }
0x9b: {  	[sflag:s22] =	ssyncset.done $0x0  }
0x9c: {  	s7 =	simm.s32 $0xC80;
	[sflag:s22] =	ssyncadd.s32 $0xFFFFC000  }
0x9d: {  	[spmem:s1] =	stream.indirect.scatter.add.f32 [tilespmem:s21], [sflag:$0x4], $0x80, s7, s20, $0xb8;
	[tilespmem:$0x19000] =	vst v63  }
0x9e: {  	_ =	swait.ge [sflag:s15], $0x4000  }
0x9f: {  	[sflag:s15] =	ssyncset.done $0x0  }
0xa0: {  	s28 =	simm.s32 $0x900;
	[sflag:s15] =	ssyncadd.s32 $0xFFFFC000  }
0xa1: {  	[tilespmem:s21], [sflag:$0x3] =	stream.indirect.gather [hbm4b:s5+s20], $0x80, s28, s20, $0xb8;
	[tilespmem:$0x19000] =	vst v63  }
0xa2: {  	_ =	swait.ge [sflag:s22], $0x4000  }
0xa3: {  	[sflag:s22] =	ssyncset.done $0x0  }
0xa4: {  	s30 =	simm.s32 $0xD00;
	[sflag:s22] =	ssyncadd.s32 $0xFFFFC000  }
0xa5: {  	[spmem:s1] =	stream.indirect.scatter.add.f32 [tilespmem:s21], [sflag:$0x4], $0x80, s30, s20, $0xb8;
	[tilespmem:$0x19000] =	vst v63  }
0xa6: {  	_ =	swait.ge [sflag:s15], $0x4000  }
0xa7: {  	[sflag:s15] =	ssyncset.done $0x0  }
0xa8: {  	s14 =	simm.s32 $0x980;
	[sflag:s15] =	ssyncadd.s32 $0xFFFFC000  }
0xa9: {  	[tilespmem:s21], [sflag:$0x3] =	stream.indirect.gather [hbm4b:s5+s20], $0x80, s14, s20, $0xb8;
	[tilespmem:$0x19000] =	vst v63  }
0xaa: {  	_ =	swait.ge [sflag:s22], $0x4000  }
0xab: {  	[sflag:s22] =	ssyncset.done $0x0  }
0xac: {  	s24 =	simm.s32 $0xD80;
	[sflag:s22] =	ssyncadd.s32 $0xFFFFC000  }
0xad: {  	[spmem:s1] =	stream.indirect.scatter.add.f32 [tilespmem:s21], [sflag:$0x4], $0x80, s24, s20, $0xb8;
	[tilespmem:$0x19000] =	vst v63  }
0xae: {  	_ =	swait.ge [sflag:s15], $0x4000  }
0xaf: {  	[sflag:s15] =	ssyncset.done $0x0  }
0xb0: {  	s26 =	simm.s32 $0xA00;
	[sflag:s15] =	ssyncadd.s32 $0xFFFFC000  }
0xb1: {  	[tilespmem:s21], [sflag:$0x3] =	stream.indirect.gather [hbm4b:s5+s20], $0x80, s26, s20, $0xb8;
	[tilespmem:$0x19000] =	vst v63  }
0xb2: {  	_ =	swait.ge [sflag:s22], $0x4000  }
0xb3: {  	[sflag:s22] =	ssyncset.done $0x0  }
0xb4: {  	s29 =	simm.s32 $0xE00;
	[sflag:s22] =	ssyncadd.s32 $0xFFFFC000  }
0xb5: {  	[spmem:s1] =	stream.indirect.scatter.add.f32 [tilespmem:s21], [sflag:$0x4], $0x80, s29, s20, $0xb8;
	[tilespmem:$0x19000] =	vst v63  }
0xb6: {  	_ =	swait.ge [sflag:s15], $0x4000  }
0xb7: {  	[sflag:s15] =	ssyncset.done $0x0  }
0xb8: {  	s31 =	simm.s32 $0xA80;
	[sflag:s15] =	ssyncadd.s32 $0xFFFFC000  }
0xb9: {  	[tilespmem:s21], [sflag:$0x3] =	stream.indirect.gather [hbm4b:s5+s20], $0x80, s31, s20, $0xb8;
	[tilespmem:$0x19000] =	vst v63  }
0xba: {  	_ =	swait.ge [sflag:s22], $0x4000  }
0xbb: {  	[sflag:s22] =	ssyncset.done $0x0  }
0xbc: {  	s2 =	simm.s32 $0xE80;
	[sflag:s22] =	ssyncadd.s32 $0xFFFFC000  }
0xbd: {  	[spmem:s1] =	stream.indirect.scatter.add.f32 [tilespmem:s21], [sflag:$0x4], $0x80, s2, s20, $0xb8;
	[tilespmem:$0x19000] =	vst v63  }
0xbe: {  	_ =	swait.ge [sflag:s15], $0x4000  }
0xbf: {  	[sflag:s15] =	ssyncset.done $0x0  }
0xc0: {  	s6 =	simm.s32 $0xB00;
	[sflag:s15] =	ssyncadd.s32 $0xFFFFC000  }
0xc1: {  	[tilespmem:s21], [sflag:$0x3] =	stream.indirect.gather [hbm4b:s5+s20], $0x80, s6, s20, $0xb8;
	[tilespmem:$0x19000] =	vst v63  }
0xc2: {  	_ =	swait.ge [sflag:s22], $0x4000  }
0xc3: {  	[sflag:s22] =	ssyncset.done $0x0  }
0xc4: {  	s0 =	simm.s32 $0xF00;
	[sflag:s22] =	ssyncadd.s32 $0xFFFFC000  }
0xc5: {  	[spmem:s1] =	stream.indirect.scatter.add.f32 [tilespmem:s21], [sflag:$0x4], $0x80, s0, s20, $0xb8;
	[tilespmem:$0x19000] =	vst v63  }
0xc6: {  	_ =	swait.ge [sflag:s15], $0x4000  }
0xc7: {  	[sflag:s15] =	ssyncset.done $0x0  }
0xc8: {  	s23 =	simm.s32 $0xB80;
	[sflag:s15] =	ssyncadd.s32 $0xFFFFC000  }
0xc9: {  	[tilespmem:s21], [sflag:$0x3] =	stream.indirect.gather [hbm4b:s5+s20], $0x80, s23, s20, $0xb8;
	[tilespmem:$0x19000] =	vst v63  }
0xca: {  	_ =	swait.ge [sflag:s22], $0x4000  }
0xcb: {  	[sflag:s22] =	ssyncset.done $0x0  }
0xcc: {  	s25 =	simm.s32 $0xF80;
	[sflag:s22] =	ssyncadd.s32 $0xFFFFC000  }
0xcd: {  	[spmem:s1] =	stream.indirect.scatter.add.f32 [tilespmem:s21], [sflag:$0x4], $0x80, s25, s20, $0xb8;
	[tilespmem:$0x19000] =	vst v63  }
0xce: {  	_ =	swait.ge [sflag:s15], $0x4000  }
0xcf: {  	s13 =	sadd.s32 $0x6800, s10;
	[sflag:s15] =	ssyncset.done $0x0  }
0xd0: {  	s10 =	simm.s32 $0xFFFFC000;
	s11 =	sadd.s32 $0x6800, s11;
	[sflag:s15] =	ssyncadd.s32 $0xFFFFC000  }
0xd1: {  	[tilespmem:s17], [sflag:$0x2] =	stream.linear.gather [hbm4b:s13+s3], $0x400, $0x38;
	[tilespmem:$0x19000] =	vst v63  }
.LBB2_6:
0xd2: {  	[tilespmem:s18], [sflag:$0x2] =	stream.linear.gather [hbm4b:s11+s3], $0x400, $0x38;
	[tilespmem:$0x19000] =	vst v63  }
0xd3: {  	s13 =	smov.u32 s10  }
0xd4: {  	p1 =	sne.s32 s10, $0xFFFFF000;
	s10 =	sadd.s32 $0x1000, s10;
	_ =	swait.ge [sflag:s19], $0x400  }
0xd5: {  	[sflag:s19] =	ssyncset.done $0x0  }
0xd6: {  	[sflag:s19] =	ssyncadd.s32 $0xFFFFFC00  }
0xd7: {  	_ =	swait.ge [sflag:s19], $0x400  }
0xd8: {  	[sflag:s19] =	ssyncset.done $0x0  }
0xd9: {  	[sflag:s19] =	ssyncadd.s32 $0xFFFFFC00  }
0xda: {  	[tilespmem:s21], [sflag:$0x3] =	stream.indirect.gather [hbm4b:s5+s20], $0x80, s3, s20, $0xb8;
	[tilespmem:$0x19000] =	vst v63  }
0xdb: {  	_ =	swait.ge [sflag:s22], $0x4000  }
0xdc: {  	[sflag:s22] =	ssyncset.done $0x0  }
0xdd: {  	[sflag:s22] =	ssyncadd.s32 $0xFFFFC000  }
0xde: {  	[spmem:s1] =	stream.indirect.scatter.add.f32 [tilespmem:s21], [sflag:$0x4], $0x80, s16, s20, $0xb8;
	[tilespmem:$0x19000] =	vst v63  }
0xdf: {  	_ =	swait.ge [sflag:s15], $0x4000  }
0xe0: {  	[sflag:s15] =	ssyncset.done $0x0  }
0xe1: {  	[sflag:s15] =	ssyncadd.s32 $0xFFFFC000  }
0xe2: {  	[tilespmem:s21], [sflag:$0x3] =	stream.indirect.gather [hbm4b:s5+s20], $0x80, s20, s20, $0xb8;
	[tilespmem:$0x19000] =	vst v63  }
0xe3: {  	_ =	swait.ge [sflag:s22], $0x4000  }
0xe4: {  	[sflag:s22] =	ssyncset.done $0x0  }
0xe5: {  	s7 =	simm.s32 $0x480;
	[sflag:s22] =	ssyncadd.s32 $0xFFFFC000  }
0xe6: {  	[spmem:s1] =	stream.indirect.scatter.add.f32 [tilespmem:s21], [sflag:$0x4], $0x80, s7, s20, $0xb8;
	[tilespmem:$0x19000] =	vst v63  }
0xe7: {  	_ =	swait.ge [sflag:s15], $0x4000  }
0xe8: {  	[sflag:s15] =	ssyncset.done $0x0  }
0xe9: {  	s7 =	simm.s32 $0x100;
	[sflag:s15] =	ssyncadd.s32 $0xFFFFC000  }
0xea: {  	[tilespmem:s21], [sflag:$0x3] =	stream.indirect.gather [hbm4b:s5+s20], $0x80, s7, s20, $0xb8;
	[tilespmem:$0x19000] =	vst v63  }
0xeb: {  	_ =	swait.ge [sflag:s22], $0x4000  }
0xec: {  	[sflag:s22] =	ssyncset.done $0x0  }
0xed: {  	s7 =	simm.s32 $0x500;
	[sflag:s22] =	ssyncadd.s32 $0xFFFFC000  }
0xee: {  	[spmem:s1] =	stream.indirect.scatter.add.f32 [tilespmem:s21], [sflag:$0x4], $0x80, s7, s20, $0xb8;
	[tilespmem:$0x19000] =	vst v63  }
0xef: {  	_ =	swait.ge [sflag:s15], $0x4000  }
0xf0: {  	[sflag:s15] =	ssyncset.done $0x0  }
0xf1: {  	s7 =	simm.s32 $0x180;
	[sflag:s15] =	ssyncadd.s32 $0xFFFFC000  }
0xf2: {  	[tilespmem:s21], [sflag:$0x3] =	stream.indirect.gather [hbm4b:s5+s20], $0x80, s7, s20, $0xb8;
	[tilespmem:$0x19000] =	vst v63  }
0xf3: {  	_ =	swait.ge [sflag:s22], $0x4000  }
0xf4: {  	[sflag:s22] =	ssyncset.done $0x0  }
0xf5: {  	s7 =	simm.s32 $0x580;
	[sflag:s22] =	ssyncadd.s32 $0xFFFFC000  }
0xf6: {  	[spmem:s1] =	stream.indirect.scatter.add.f32 [tilespmem:s21], [sflag:$0x4], $0x80, s7, s20, $0xb8;
	[tilespmem:$0x19000] =	vst v63  }
0xf7: {  	_ =	swait.ge [sflag:s15], $0x4000  }
0xf8: {  	[sflag:s15] =	ssyncset.done $0x0  }
0xf9: {  	s7 =	simm.s32 $0x200;
	[sflag:s15] =	ssyncadd.s32 $0xFFFFC000  }
0xfa: {  	[tilespmem:s21], [sflag:$0x3] =	stream.indirect.gather [hbm4b:s5+s20], $0x80, s7, s20, $0xb8;
	[tilespmem:$0x19000] =	vst v63  }
0xfb: {  	_ =	swait.ge [sflag:s22], $0x4000  }
0xfc: {  	[sflag:s22] =	ssyncset.done $0x0  }
0xfd: {  	s7 =	simm.s32 $0x600;
	[sflag:s22] =	ssyncadd.s32 $0xFFFFC000  }
0xfe: {  	[spmem:s1] =	stream.indirect.scatter.add.f32 [tilespmem:s21], [sflag:$0x4], $0x80, s7, s20, $0xb8;
	[tilespmem:$0x19000] =	vst v63  }
0xff: {  	_ =	swait.ge [sflag:s15], $0x4000  }
0x100: {  	[sflag:s15] =	ssyncset.done $0x0  }
0x101: {  	s7 =	simm.s32 $0x280;
	[sflag:s15] =	ssyncadd.s32 $0xFFFFC000  }
0x102: {  	[tilespmem:s21], [sflag:$0x3] =	stream.indirect.gather [hbm4b:s5+s20], $0x80, s7, s20, $0xb8;
	[tilespmem:$0x19000] =	vst v63  }
0x103: {  	_ =	swait.ge [sflag:s22], $0x4000  }
0x104: {  	[sflag:s22] =	ssyncset.done $0x0  }
0x105: {  	s7 =	simm.s32 $0x680;
	[sflag:s22] =	ssyncadd.s32 $0xFFFFC000  }
0x106: {  	[spmem:s1] =	stream.indirect.scatter.add.f32 [tilespmem:s21], [sflag:$0x4], $0x80, s7, s20, $0xb8;
	[tilespmem:$0x19000] =	vst v63  }
0x107: {  	_ =	swait.ge [sflag:s15], $0x4000  }
0x108: {  	[sflag:s15] =	ssyncset.done $0x0  }
0x109: {  	s7 =	simm.s32 $0x300;
	[sflag:s15] =	ssyncadd.s32 $0xFFFFC000  }
0x10a: {  	[tilespmem:s21], [sflag:$0x3] =	stream.indirect.gather [hbm4b:s5+s20], $0x80, s7, s20, $0xb8;
	[tilespmem:$0x19000] =	vst v63  }
0x10b: {  	_ =	swait.ge [sflag:s22], $0x4000  }
0x10c: {  	[sflag:s22] =	ssyncset.done $0x0  }
0x10d: {  	s7 =	simm.s32 $0x700;
	[sflag:s22] =	ssyncadd.s32 $0xFFFFC000  }
0x10e: {  	[spmem:s1] =	stream.indirect.scatter.add.f32 [tilespmem:s21], [sflag:$0x4], $0x80, s7, s20, $0xb8;
	[tilespmem:$0x19000] =	vst v63  }
0x10f: {  	_ =	swait.ge [sflag:s15], $0x4000  }
0x110: {  	[sflag:s15] =	ssyncset.done $0x0  }
0x111: {  	s7 =	simm.s32 $0x380;
	[sflag:s15] =	ssyncadd.s32 $0xFFFFC000  }
0x112: {  	[tilespmem:s21], [sflag:$0x3] =	stream.indirect.gather [hbm4b:s5+s20], $0x80, s7, s20, $0xb8;
	[tilespmem:$0x19000] =	vst v63  }
0x113: {  	_ =	swait.ge [sflag:s22], $0x4000  }
0x114: {  	[sflag:s22] =	ssyncset.done $0x0  }
0x115: {  	s7 =	simm.s32 $0x780;
	[sflag:s22] =	ssyncadd.s32 $0xFFFFC000  }
0x116: {  	[spmem:s1] =	stream.indirect.scatter.add.f32 [tilespmem:s21], [sflag:$0x4], $0x80, s7, s20, $0xb8;
	[tilespmem:$0x19000] =	vst v63  }
0x117: {  	_ =	swait.ge [sflag:s15], $0x4000  }
0x118: {  	s11 =	sadd.s32 s13, s8;
	[sflag:s15] =	ssyncset.done $0x0  }
0x119: {  	s13 =	sadd.s32 s13, s9;
	s7 =	sadd.s32 $0x6000, s11;
	[sflag:s15] =	ssyncadd.s32 $0xFFFFC000  }
0x11a: {  	[tilespmem:s3], [sflag:$0x1] =	stream.linear.gather [hbm4b:s7+s3], $0x400, $0x38;
	[tilespmem:$0x19000] =	vst v63  }
0x11b: {  	s7 =	sadd.s32 $0x6000, s13  }
0x11c: {  	[tilespmem:s16], [sflag:$0x1] =	stream.linear.gather [hbm4b:s7+s3], $0x400, $0x38;
	[tilespmem:$0x19000] =	vst v63  }
0x11d: {  	_ =	swait.ge [sflag:s12], $0x400  }
0x11e: {  	[sflag:s12] =	ssyncset.done $0x0  }
0x11f: {  	[sflag:s12] =	ssyncadd.s32 $0xFFFFFC00  }
0x120: {  	_ =	swait.ge [sflag:s12], $0x400  }
0x121: {  	[sflag:s12] =	ssyncset.done $0x0  }
0x122: {  	[sflag:s12] =	ssyncadd.s32 $0xFFFFFC00  }
0x123: {  	[tilespmem:s21], [sflag:$0x3] =	stream.indirect.gather [hbm4b:s5+s20], $0x80, s17, s20, $0xb8;
	[tilespmem:$0x19000] =	vst v63  }
0x124: {  	_ =	swait.ge [sflag:s22], $0x4000  }
0x125: {  	[sflag:s22] =	ssyncset.done $0x0  }
0x126: {  	[sflag:s22] =	ssyncadd.s32 $0xFFFFC000  }
0x127: {  	[spmem:s1] =	stream.indirect.scatter.add.f32 [tilespmem:s21], [sflag:$0x4], $0x80, s18, s20, $0xb8;
	[tilespmem:$0x19000] =	vst v63  }
0x128: {  	_ =	swait.ge [sflag:s15], $0x4000  }
0x129: {  	[sflag:s15] =	ssyncset.done $0x0  }
0x12a: {  	s7 =	simm.s32 $0x880;
	[sflag:s15] =	ssyncadd.s32 $0xFFFFC000  }
0x12b: {  	[tilespmem:s21], [sflag:$0x3] =	stream.indirect.gather [hbm4b:s5+s20], $0x80, s7, s20, $0xb8;
	[tilespmem:$0x19000] =	vst v63  }
0x12c: {  	_ =	swait.ge [sflag:s22], $0x4000  }
0x12d: {  	[sflag:s22] =	ssyncset.done $0x0  }
0x12e: {  	s7 =	simm.s32 $0xC80;
	[sflag:s22] =	ssyncadd.s32 $0xFFFFC000  }
0x12f: {  	[spmem:s1] =	stream.indirect.scatter.add.f32 [tilespmem:s21], [sflag:$0x4], $0x80, s7, s20, $0xb8;
	[tilespmem:$0x19000] =	vst v63  }
0x130: {  	_ =	swait.ge [sflag:s15], $0x4000  }
0x131: {  	[sflag:s15] =	ssyncset.done $0x0  }
0x132: {  	[sflag:s15] =	ssyncadd.s32 $0xFFFFC000  }
0x133: {  	[tilespmem:s21], [sflag:$0x3] =	stream.indirect.gather [hbm4b:s5+s20], $0x80, s28, s20, $0xb8;
	[tilespmem:$0x19000] =	vst v63  }
0x134: {  	_ =	swait.ge [sflag:s22], $0x4000  }
0x135: {  	[sflag:s22] =	ssyncset.done $0x0  }
0x136: {  	[sflag:s22] =	ssyncadd.s32 $0xFFFFC000  }
0x137: {  	[spmem:s1] =	stream.indirect.scatter.add.f32 [tilespmem:s21], [sflag:$0x4], $0x80, s30, s20, $0xb8;
	[tilespmem:$0x19000] =	vst v63  }
0x138: {  	_ =	swait.ge [sflag:s15], $0x4000  }
0x139: {  	[sflag:s15] =	ssyncset.done $0x0  }
0x13a: {  	[sflag:s15] =	ssyncadd.s32 $0xFFFFC000  }
0x13b: {  	[tilespmem:s21], [sflag:$0x3] =	stream.indirect.gather [hbm4b:s5+s20], $0x80, s14, s20, $0xb8;
	[tilespmem:$0x19000] =	vst v63  }
0x13c: {  	_ =	swait.ge [sflag:s22], $0x4000  }
0x13d: {  	[sflag:s22] =	ssyncset.done $0x0  }
0x13e: {  	[sflag:s22] =	ssyncadd.s32 $0xFFFFC000  }
0x13f: {  	[spmem:s1] =	stream.indirect.scatter.add.f32 [tilespmem:s21], [sflag:$0x4], $0x80, s24, s20, $0xb8;
	[tilespmem:$0x19000] =	vst v63  }
0x140: {  	_ =	swait.ge [sflag:s15], $0x4000  }
0x141: {  	[sflag:s15] =	ssyncset.done $0x0  }
0x142: {  	[sflag:s15] =	ssyncadd.s32 $0xFFFFC000  }
0x143: {  	[tilespmem:s21], [sflag:$0x3] =	stream.indirect.gather [hbm4b:s5+s20], $0x80, s26, s20, $0xb8;
	[tilespmem:$0x19000] =	vst v63  }
0x144: {  	_ =	swait.ge [sflag:s22], $0x4000  }
0x145: {  	[sflag:s22] =	ssyncset.done $0x0  }
0x146: {  	[sflag:s22] =	ssyncadd.s32 $0xFFFFC000  }
0x147: {  	[spmem:s1] =	stream.indirect.scatter.add.f32 [tilespmem:s21], [sflag:$0x4], $0x80, s29, s20, $0xb8;
	[tilespmem:$0x19000] =	vst v63  }
0x148: {  	_ =	swait.ge [sflag:s15], $0x4000  }
0x149: {  	[sflag:s15] =	ssyncset.done $0x0  }
0x14a: {  	[sflag:s15] =	ssyncadd.s32 $0xFFFFC000  }
0x14b: {  	[tilespmem:s21], [sflag:$0x3] =	stream.indirect.gather [hbm4b:s5+s20], $0x80, s31, s20, $0xb8;
	[tilespmem:$0x19000] =	vst v63  }
0x14c: {  	_ =	swait.ge [sflag:s22], $0x4000  }
0x14d: {  	[sflag:s22] =	ssyncset.done $0x0  }
0x14e: {  	[sflag:s22] =	ssyncadd.s32 $0xFFFFC000  }
0x14f: {  	[spmem:s1] =	stream.indirect.scatter.add.f32 [tilespmem:s21], [sflag:$0x4], $0x80, s2, s20, $0xb8;
	[tilespmem:$0x19000] =	vst v63  }
0x150: {  	_ =	swait.ge [sflag:s15], $0x4000  }
0x151: {  	[sflag:s15] =	ssyncset.done $0x0  }
0x152: {  	[sflag:s15] =	ssyncadd.s32 $0xFFFFC000  }
0x153: {  	[tilespmem:s21], [sflag:$0x3] =	stream.indirect.gather [hbm4b:s5+s20], $0x80, s6, s20, $0xb8;
	[tilespmem:$0x19000] =	vst v63  }
0x154: {  	_ =	swait.ge [sflag:s22], $0x4000  }
0x155: {  	[sflag:s22] =	ssyncset.done $0x0  }
0x156: {  	[sflag:s22] =	ssyncadd.s32 $0xFFFFC000  }
0x157: {  	[spmem:s1] =	stream.indirect.scatter.add.f32 [tilespmem:s21], [sflag:$0x4], $0x80, s0, s20, $0xb8;
	[tilespmem:$0x19000] =	vst v63  }
0x158: {  	_ =	swait.ge [sflag:s15], $0x4000  }
0x159: {  	[sflag:s15] =	ssyncset.done $0x0  }
0x15a: {  	[sflag:s15] =	ssyncadd.s32 $0xFFFFC000  }
0x15b: {  	[tilespmem:s21], [sflag:$0x3] =	stream.indirect.gather [hbm4b:s5+s20], $0x80, s23, s20, $0xb8;
	[tilespmem:$0x19000] =	vst v63  }
0x15c: {  	_ =	swait.ge [sflag:s22], $0x4000  }
0x15d: {  	[sflag:s22] =	ssyncset.done $0x0  }
0x15e: {  	[sflag:s22] =	ssyncadd.s32 $0xFFFFC000  }
0x15f: {  	[spmem:s1] =	stream.indirect.scatter.add.f32 [tilespmem:s21], [sflag:$0x4], $0x80, s25, s20, $0xb8;
	[tilespmem:$0x19000] =	vst v63  }
.Ltmp3:
0x160: {  	_ =	swait.ge [sflag:s15], $0x4000;
	(pc) =	sbr.rel @p1 .LBB2_6-.Ltmp3, $4  }
0x161: {  	[sflag:s15] =	ssyncset.done $0x0  }
0x162: {  	s7 =	sadd.s32 $0x6800, s11;
	[sflag:s15] =	ssyncadd.s32 $0xFFFFC000  }
0x163: {  	[tilespmem:s17], [sflag:$0x2] =	stream.linear.gather [hbm4b:s7+s3], $0x400, $0x38;
	[tilespmem:$0x19000] =	vst v63  }
0x164: {  	s11 =	sadd.s32 $0x6800, s13  }
.Ltmp4:
0x165: {  	_ = 	snop;
	(pc) =	sbr.rel .LBB2_7-.Ltmp4, $1  }
0x166: {  	_ =	sdelay $0x3  }
.LBB2_2:
0x167: {  	_ =	swait.ge [sflag:s19], $0x400  }
0x168: {  	[sflag:s19] =	ssyncset.done $0x0  }
0x169: {  	[sflag:s19] =	ssyncadd.s32 $0xFFFFFC00  }
0x16a: {  	_ =	swait.ge [sflag:s19], $0x400  }
0x16b: {  	[sflag:s19] =	ssyncset.done $0x0  }
0x16c: {  	[sflag:s19] =	ssyncadd.s32 $0xFFFFFC00  }
0x16d: {  	[tilespmem:s21], [sflag:$0x3] =	stream.indirect.gather [hbm4b:s4+s20], $0x80, s3, s20, $0xb8;
	[tilespmem:$0x19000] =	vst v63  }
0x16e: {  	_ =	swait.ge [sflag:s22], $0x4000  }
0x16f: {  	[sflag:s22] =	ssyncset.done $0x0  }
0x170: {  	[sflag:s22] =	ssyncadd.s32 $0xFFFFC000  }
0x171: {  	[spmem:s1] =	stream.indirect.scatter.add.f32 [tilespmem:s21], [sflag:$0x4], $0x80, s16, s20, $0xb8;
	[tilespmem:$0x19000] =	vst v63  }
0x172: {  	_ =	swait.ge [sflag:s15], $0x4000  }
0x173: {  	[sflag:s15] =	ssyncset.done $0x0  }
0x174: {  	[sflag:s15] =	ssyncadd.s32 $0xFFFFC000  }
0x175: {  	[tilespmem:s21], [sflag:$0x3] =	stream.indirect.gather [hbm4b:s4+s20], $0x80, s20, s20, $0xb8;
	[tilespmem:$0x19000] =	vst v63  }
0x176: {  	_ =	swait.ge [sflag:s22], $0x4000  }
0x177: {  	[sflag:s22] =	ssyncset.done $0x0  }
0x178: {  	[sflag:s22] =	ssyncadd.s32 $0xFFFFC000  }
0x179: {  	[spmem:s1] =	stream.indirect.scatter.add.f32 [tilespmem:s21], [sflag:$0x4], $0x80, s11, s20, $0xb8;
	[tilespmem:$0x19000] =	vst v63  }
0x17a: {  	_ =	swait.ge [sflag:s15], $0x4000  }
0x17b: {  	[sflag:s15] =	ssyncset.done $0x0  }
0x17c: {  	[sflag:s15] =	ssyncadd.s32 $0xFFFFC000  }
0x17d: {  	[tilespmem:s21], [sflag:$0x3] =	stream.indirect.gather [hbm4b:s4+s20], $0x80, s14, s20, $0xb8;
	[tilespmem:$0x19000] =	vst v63  }
0x17e: {  	_ =	swait.ge [sflag:s22], $0x4000  }
0x17f: {  	[sflag:s22] =	ssyncset.done $0x0  }
0x180: {  	[sflag:s22] =	ssyncadd.s32 $0xFFFFC000  }
0x181: {  	[spmem:s1] =	stream.indirect.scatter.add.f32 [tilespmem:s21], [sflag:$0x4], $0x80, s23, s20, $0xb8;
	[tilespmem:$0x19000] =	vst v63  }
0x182: {  	_ =	swait.ge [sflag:s15], $0x4000  }
0x183: {  	[sflag:s15] =	ssyncset.done $0x0  }
0x184: {  	[sflag:s15] =	ssyncadd.s32 $0xFFFFC000  }
0x185: {  	[tilespmem:s21], [sflag:$0x3] =	stream.indirect.gather [hbm4b:s4+s20], $0x80, s24, s20, $0xb8;
	[tilespmem:$0x19000] =	vst v63  }
0x186: {  	_ =	swait.ge [sflag:s22], $0x4000  }
0x187: {  	[sflag:s22] =	ssyncset.done $0x0  }
0x188: {  	[sflag:s22] =	ssyncadd.s32 $0xFFFFC000  }
0x189: {  	[spmem:s1] =	stream.indirect.scatter.add.f32 [tilespmem:s21], [sflag:$0x4], $0x80, s25, s20, $0xb8;
	[tilespmem:$0x19000] =	vst v63  }
0x18a: {  	_ =	swait.ge [sflag:s15], $0x4000  }
0x18b: {  	[sflag:s15] =	ssyncset.done $0x0  }
0x18c: {  	[sflag:s15] =	ssyncadd.s32 $0xFFFFC000  }
0x18d: {  	[tilespmem:s21], [sflag:$0x3] =	stream.indirect.gather [hbm4b:s4+s20], $0x80, s26, s20, $0xb8;
	[tilespmem:$0x19000] =	vst v63  }
0x18e: {  	_ =	swait.ge [sflag:s22], $0x4000  }
0x18f: {  	[sflag:s22] =	ssyncset.done $0x0  }
0x190: {  	[sflag:s22] =	ssyncadd.s32 $0xFFFFC000  }
0x191: {  	[spmem:s1] =	stream.indirect.scatter.add.f32 [tilespmem:s21], [sflag:$0x4], $0x80, s28, s20, $0xb8;
	[tilespmem:$0x19000] =	vst v63  }
0x192: {  	_ =	swait.ge [sflag:s15], $0x4000  }
0x193: {  	[sflag:s15] =	ssyncset.done $0x0  }
0x194: {  	[sflag:s15] =	ssyncadd.s32 $0xFFFFC000  }
0x195: {  	[tilespmem:s21], [sflag:$0x3] =	stream.indirect.gather [hbm4b:s4+s20], $0x80, s29, s20, $0xb8;
	[tilespmem:$0x19000] =	vst v63  }
0x196: {  	_ =	swait.ge [sflag:s22], $0x4000  }
0x197: {  	[sflag:s22] =	ssyncset.done $0x0  }
0x198: {  	[sflag:s22] =	ssyncadd.s32 $0xFFFFC000  }
0x199: {  	[spmem:s1] =	stream.indirect.scatter.add.f32 [tilespmem:s21], [sflag:$0x4], $0x80, s30, s20, $0xb8;
	[tilespmem:$0x19000] =	vst v63  }
0x19a: {  	_ =	swait.ge [sflag:s15], $0x4000  }
0x19b: {  	[sflag:s15] =	ssyncset.done $0x0  }
0x19c: {  	[sflag:s15] =	ssyncadd.s32 $0xFFFFC000  }
0x19d: {  	[tilespmem:s21], [sflag:$0x3] =	stream.indirect.gather [hbm4b:s4+s20], $0x80, s0, s20, $0xb8;
	[tilespmem:$0x19000] =	vst v63  }
0x19e: {  	_ =	swait.ge [sflag:s22], $0x4000  }
0x19f: {  	[sflag:s22] =	ssyncset.done $0x0  }
0x1a0: {  	[sflag:s22] =	ssyncadd.s32 $0xFFFFC000  }
0x1a1: {  	[spmem:s1] =	stream.indirect.scatter.add.f32 [tilespmem:s21], [sflag:$0x4], $0x80, s2, s20, $0xb8;
	[tilespmem:$0x19000] =	vst v63  }
0x1a2: {  	_ =	swait.ge [sflag:s15], $0x4000  }
0x1a3: {  	[sflag:s15] =	ssyncset.done $0x0  }
0x1a4: {  	[sflag:s15] =	ssyncadd.s32 $0xFFFFC000  }
0x1a5: {  	[tilespmem:s21], [sflag:$0x3] =	stream.indirect.gather [hbm4b:s4+s20], $0x80, s6, s20, $0xb8;
	[tilespmem:$0x19000] =	vst v63  }
0x1a6: {  	_ =	swait.ge [sflag:s22], $0x4000  }
0x1a7: {  	[sflag:s22] =	ssyncset.done $0x0  }
0x1a8: {  	s6 =	simm.s32 $0x780;
	[sflag:s22] =	ssyncadd.s32 $0xFFFFC000  }
0x1a9: {  	[spmem:s1] =	stream.indirect.scatter.add.f32 [tilespmem:s21], [sflag:$0x4], $0x80, s6, s20, $0xb8;
	[tilespmem:$0x19000] =	vst v63  }
0x1aa: {  	_ =	swait.ge [sflag:s15], $0x4000  }
0x1ab: {  	s10 =	sadd.s32 $0xFFFFB000, s8;
	[sflag:s15] =	ssyncset.done $0x0  }
0x1ac: {  	s7 =	sadd.s32 $0xFFFFB000, s9;
	s13 =	sadd.s32 $0x6000, s10;
	[sflag:s15] =	ssyncadd.s32 $0xFFFFC000  }
0x1ad: {  	[tilespmem:s3], [sflag:$0x1] =	stream.linear.gather [hbm4b:s13+s3], $0x400, $0x38;
	[tilespmem:$0x19000] =	vst v63  }
0x1ae: {  	s24 =	sadd.s32 $0x6000, s7  }
0x1af: {  	[tilespmem:s16], [sflag:$0x1] =	stream.linear.gather [hbm4b:s24+s3], $0x400, $0x38;
	[tilespmem:$0x19000] =	vst v63  }
0x1b0: {  	_ =	swait.ge [sflag:s12], $0x400  }
0x1b1: {  	[sflag:s12] =	ssyncset.done $0x0  }
0x1b2: {  	[sflag:s12] =	ssyncadd.s32 $0xFFFFFC00  }
0x1b3: {  	_ =	swait.ge [sflag:s12], $0x400  }
0x1b4: {  	[sflag:s12] =	ssyncset.done $0x0  }
0x1b5: {  	[sflag:s12] =	ssyncadd.s32 $0xFFFFFC00  }
0x1b6: {  	[tilespmem:s21], [sflag:$0x3] =	stream.indirect.gather [hbm4b:s4+s20], $0x80, s17, s20, $0xb8;
	[tilespmem:$0x19000] =	vst v63  }
0x1b7: {  	_ =	swait.ge [sflag:s22], $0x4000  }
0x1b8: {  	[sflag:s22] =	ssyncset.done $0x0  }
0x1b9: {  	[sflag:s22] =	ssyncadd.s32 $0xFFFFC000  }
0x1ba: {  	[spmem:s1] =	stream.indirect.scatter.add.f32 [tilespmem:s21], [sflag:$0x4], $0x80, s18, s20, $0xb8;
	[tilespmem:$0x19000] =	vst v63  }
0x1bb: {  	_ =	swait.ge [sflag:s15], $0x4000  }
0x1bc: {  	[sflag:s15] =	ssyncset.done $0x0  }
0x1bd: {  	s25 =	simm.s32 $0x880;
	[sflag:s15] =	ssyncadd.s32 $0xFFFFC000  }
0x1be: {  	[tilespmem:s21], [sflag:$0x3] =	stream.indirect.gather [hbm4b:s4+s20], $0x80, s25, s20, $0xb8;
	[tilespmem:$0x19000] =	vst v63  }
0x1bf: {  	_ =	swait.ge [sflag:s22], $0x4000  }
0x1c0: {  	[sflag:s22] =	ssyncset.done $0x0  }
0x1c1: {  	s26 =	simm.s32 $0xC80;
	[sflag:s22] =	ssyncadd.s32 $0xFFFFC000  }
0x1c2: {  	[spmem:s1] =	stream.indirect.scatter.add.f32 [tilespmem:s21], [sflag:$0x4], $0x80, s26, s20, $0xb8;
	[tilespmem:$0x19000] =	vst v63  }
0x1c3: {  	_ =	swait.ge [sflag:s15], $0x4000  }
0x1c4: {  	[sflag:s15] =	ssyncset.done $0x0  }
0x1c5: {  	s28 =	simm.s32 $0x900;
	[sflag:s15] =	ssyncadd.s32 $0xFFFFC000  }
0x1c6: {  	[tilespmem:s21], [sflag:$0x3] =	stream.indirect.gather [hbm4b:s4+s20], $0x80, s28, s20, $0xb8;
	[tilespmem:$0x19000] =	vst v63  }
0x1c7: {  	_ =	swait.ge [sflag:s22], $0x4000  }
0x1c8: {  	[sflag:s22] =	ssyncset.done $0x0  }
0x1c9: {  	s30 =	simm.s32 $0xD00;
	[sflag:s22] =	ssyncadd.s32 $0xFFFFC000  }
0x1ca: {  	[spmem:s1] =	stream.indirect.scatter.add.f32 [tilespmem:s21], [sflag:$0x4], $0x80, s30, s20, $0xb8;
	[tilespmem:$0x19000] =	vst v63  }
0x1cb: {  	_ =	swait.ge [sflag:s15], $0x4000  }
0x1cc: {  	[sflag:s15] =	ssyncset.done $0x0  }
0x1cd: {  	s14 =	simm.s32 $0x980;
	[sflag:s15] =	ssyncadd.s32 $0xFFFFC000  }
0x1ce: {  	[tilespmem:s21], [sflag:$0x3] =	stream.indirect.gather [hbm4b:s4+s20], $0x80, s14, s20, $0xb8;
	[tilespmem:$0x19000] =	vst v63  }
0x1cf: {  	_ =	swait.ge [sflag:s22], $0x4000  }
0x1d0: {  	[sflag:s22] =	ssyncset.done $0x0  }
0x1d1: {  	s24 =	simm.s32 $0xD80;
	[sflag:s22] =	ssyncadd.s32 $0xFFFFC000  }
0x1d2: {  	[spmem:s1] =	stream.indirect.scatter.add.f32 [tilespmem:s21], [sflag:$0x4], $0x80, s24, s20, $0xb8;
	[tilespmem:$0x19000] =	vst v63  }
0x1d3: {  	_ =	swait.ge [sflag:s15], $0x4000  }
0x1d4: {  	[sflag:s15] =	ssyncset.done $0x0  }
0x1d5: {  	s26 =	simm.s32 $0xA00;
	[sflag:s15] =	ssyncadd.s32 $0xFFFFC000  }
0x1d6: {  	[tilespmem:s21], [sflag:$0x3] =	stream.indirect.gather [hbm4b:s4+s20], $0x80, s26, s20, $0xb8;
	[tilespmem:$0x19000] =	vst v63  }
0x1d7: {  	_ =	swait.ge [sflag:s22], $0x4000  }
0x1d8: {  	[sflag:s22] =	ssyncset.done $0x0  }
0x1d9: {  	s29 =	simm.s32 $0xE00;
	[sflag:s22] =	ssyncadd.s32 $0xFFFFC000  }
0x1da: {  	[spmem:s1] =	stream.indirect.scatter.add.f32 [tilespmem:s21], [sflag:$0x4], $0x80, s29, s20, $0xb8;
	[tilespmem:$0x19000] =	vst v63  }
0x1db: {  	_ =	swait.ge [sflag:s15], $0x4000  }
0x1dc: {  	[sflag:s15] =	ssyncset.done $0x0  }
0x1dd: {  	s31 =	simm.s32 $0xA80;
	[sflag:s15] =	ssyncadd.s32 $0xFFFFC000  }
0x1de: {  	[tilespmem:s21], [sflag:$0x3] =	stream.indirect.gather [hbm4b:s4+s20], $0x80, s31, s20, $0xb8;
	[tilespmem:$0x19000] =	vst v63  }
0x1df: {  	_ =	swait.ge [sflag:s22], $0x4000  }
0x1e0: {  	[sflag:s22] =	ssyncset.done $0x0  }
0x1e1: {  	s2 =	simm.s32 $0xE80;
	[sflag:s22] =	ssyncadd.s32 $0xFFFFC000  }
0x1e2: {  	[spmem:s1] =	stream.indirect.scatter.add.f32 [tilespmem:s21], [sflag:$0x4], $0x80, s2, s20, $0xb8;
	[tilespmem:$0x19000] =	vst v63  }
0x1e3: {  	_ =	swait.ge [sflag:s15], $0x4000  }
0x1e4: {  	[sflag:s15] =	ssyncset.done $0x0  }
0x1e5: {  	s6 =	simm.s32 $0xB00;
	[sflag:s15] =	ssyncadd.s32 $0xFFFFC000  }
0x1e6: {  	[tilespmem:s21], [sflag:$0x3] =	stream.indirect.gather [hbm4b:s4+s20], $0x80, s6, s20, $0xb8;
	[tilespmem:$0x19000] =	vst v63  }
0x1e7: {  	_ =	swait.ge [sflag:s22], $0x4000  }
0x1e8: {  	[sflag:s22] =	ssyncset.done $0x0  }
0x1e9: {  	s0 =	simm.s32 $0xF00;
	[sflag:s22] =	ssyncadd.s32 $0xFFFFC000  }
0x1ea: {  	[spmem:s1] =	stream.indirect.scatter.add.f32 [tilespmem:s21], [sflag:$0x4], $0x80, s0, s20, $0xb8;
	[tilespmem:$0x19000] =	vst v63  }
0x1eb: {  	_ =	swait.ge [sflag:s15], $0x4000  }
0x1ec: {  	[sflag:s15] =	ssyncset.done $0x0  }
0x1ed: {  	s23 =	simm.s32 $0xB80;
	[sflag:s15] =	ssyncadd.s32 $0xFFFFC000  }
0x1ee: {  	[tilespmem:s21], [sflag:$0x3] =	stream.indirect.gather [hbm4b:s4+s20], $0x80, s23, s20, $0xb8;
	[tilespmem:$0x19000] =	vst v63  }
0x1ef: {  	_ =	swait.ge [sflag:s22], $0x4000  }
0x1f0: {  	[sflag:s22] =	ssyncset.done $0x0  }
0x1f1: {  	s25 =	simm.s32 $0xF80;
	[sflag:s22] =	ssyncadd.s32 $0xFFFFC000  }
0x1f2: {  	[spmem:s1] =	stream.indirect.scatter.add.f32 [tilespmem:s21], [sflag:$0x4], $0x80, s25, s20, $0xb8;
	[tilespmem:$0x19000] =	vst v63  }
0x1f3: {  	_ =	swait.ge [sflag:s15], $0x4000  }
0x1f4: {  	[sflag:s15] =	ssyncset.done $0x0  }
0x1f5: {  	s10 =	sadd.s32 $0x6800, s10;
	[sflag:s15] =	ssyncadd.s32 $0xFFFFC000  }
0x1f6: {  	[tilespmem:s17], [sflag:$0x2] =	stream.linear.gather [hbm4b:s10+s3], $0x400, $0x38;
	[tilespmem:$0x19000] =	vst v63  }
0x1f7: {  	s11 =	sadd.s32 $0x6800, s7;
	s10 =	simm.s32 $0xFFFFC000  }
.LBB2_3:
0x1f8: {  	[tilespmem:s18], [sflag:$0x2] =	stream.linear.gather [hbm4b:s11+s3], $0x400, $0x38;
	[tilespmem:$0x19000] =	vst v63  }
0x1f9: {  	s13 =	smov.u32 s10  }
0x1fa: {  	p1 =	seq.s32 s10, $0xFFFFF000;
	s10 =	sadd.s32 $0x1000, s10;
	_ =	swait.ge [sflag:s19], $0x400  }
0x1fb: {  	[sflag:s19] =	ssyncset.done $0x0  }
0x1fc: {  	[sflag:s19] =	ssyncadd.s32 $0xFFFFFC00  }
0x1fd: {  	_ =	swait.ge [sflag:s19], $0x400  }
0x1fe: {  	[sflag:s19] =	ssyncset.done $0x0  }
0x1ff: {  	[sflag:s19] =	ssyncadd.s32 $0xFFFFFC00  }
0x200: {  	[tilespmem:s21], [sflag:$0x3] =	stream.indirect.gather [hbm4b:s4+s20], $0x80, s3, s20, $0xb8;
	[tilespmem:$0x19000] =	vst v63  }
0x201: {  	_ =	swait.ge [sflag:s22], $0x4000  }
0x202: {  	[sflag:s22] =	ssyncset.done $0x0  }
0x203: {  	[sflag:s22] =	ssyncadd.s32 $0xFFFFC000  }
0x204: {  	[spmem:s1] =	stream.indirect.scatter.add.f32 [tilespmem:s21], [sflag:$0x4], $0x80, s16, s20, $0xb8;
	[tilespmem:$0x19000] =	vst v63  }
0x205: {  	_ =	swait.ge [sflag:s15], $0x4000  }
0x206: {  	[sflag:s15] =	ssyncset.done $0x0  }
0x207: {  	[sflag:s15] =	ssyncadd.s32 $0xFFFFC000  }
0x208: {  	[tilespmem:s21], [sflag:$0x3] =	stream.indirect.gather [hbm4b:s4+s20], $0x80, s20, s20, $0xb8;
	[tilespmem:$0x19000] =	vst v63  }
0x209: {  	_ =	swait.ge [sflag:s22], $0x4000  }
0x20a: {  	[sflag:s22] =	ssyncset.done $0x0  }
0x20b: {  	s7 =	simm.s32 $0x480;
	[sflag:s22] =	ssyncadd.s32 $0xFFFFC000  }
0x20c: {  	[spmem:s1] =	stream.indirect.scatter.add.f32 [tilespmem:s21], [sflag:$0x4], $0x80, s7, s20, $0xb8;
	[tilespmem:$0x19000] =	vst v63  }
0x20d: {  	_ =	swait.ge [sflag:s15], $0x4000  }
0x20e: {  	[sflag:s15] =	ssyncset.done $0x0  }
0x20f: {  	s7 =	simm.s32 $0x100;
	[sflag:s15] =	ssyncadd.s32 $0xFFFFC000  }
0x210: {  	[tilespmem:s21], [sflag:$0x3] =	stream.indirect.gather [hbm4b:s4+s20], $0x80, s7, s20, $0xb8;
	[tilespmem:$0x19000] =	vst v63  }
0x211: {  	_ =	swait.ge [sflag:s22], $0x4000  }
0x212: {  	[sflag:s22] =	ssyncset.done $0x0  }
0x213: {  	s7 =	simm.s32 $0x500;
	[sflag:s22] =	ssyncadd.s32 $0xFFFFC000  }
0x214: {  	[spmem:s1] =	stream.indirect.scatter.add.f32 [tilespmem:s21], [sflag:$0x4], $0x80, s7, s20, $0xb8;
	[tilespmem:$0x19000] =	vst v63  }
0x215: {  	_ =	swait.ge [sflag:s15], $0x4000  }
0x216: {  	[sflag:s15] =	ssyncset.done $0x0  }
0x217: {  	s7 =	simm.s32 $0x180;
	[sflag:s15] =	ssyncadd.s32 $0xFFFFC000  }
0x218: {  	[tilespmem:s21], [sflag:$0x3] =	stream.indirect.gather [hbm4b:s4+s20], $0x80, s7, s20, $0xb8;
	[tilespmem:$0x19000] =	vst v63  }
0x219: {  	_ =	swait.ge [sflag:s22], $0x4000  }
0x21a: {  	[sflag:s22] =	ssyncset.done $0x0  }
0x21b: {  	s7 =	simm.s32 $0x580;
	[sflag:s22] =	ssyncadd.s32 $0xFFFFC000  }
0x21c: {  	[spmem:s1] =	stream.indirect.scatter.add.f32 [tilespmem:s21], [sflag:$0x4], $0x80, s7, s20, $0xb8;
	[tilespmem:$0x19000] =	vst v63  }
0x21d: {  	_ =	swait.ge [sflag:s15], $0x4000  }
0x21e: {  	[sflag:s15] =	ssyncset.done $0x0  }
0x21f: {  	s7 =	simm.s32 $0x200;
	[sflag:s15] =	ssyncadd.s32 $0xFFFFC000  }
0x220: {  	[tilespmem:s21], [sflag:$0x3] =	stream.indirect.gather [hbm4b:s4+s20], $0x80, s7, s20, $0xb8;
	[tilespmem:$0x19000] =	vst v63  }
0x221: {  	_ =	swait.ge [sflag:s22], $0x4000  }
0x222: {  	[sflag:s22] =	ssyncset.done $0x0  }
0x223: {  	s7 =	simm.s32 $0x600;
	[sflag:s22] =	ssyncadd.s32 $0xFFFFC000  }
0x224: {  	[spmem:s1] =	stream.indirect.scatter.add.f32 [tilespmem:s21], [sflag:$0x4], $0x80, s7, s20, $0xb8;
	[tilespmem:$0x19000] =	vst v63  }
0x225: {  	_ =	swait.ge [sflag:s15], $0x4000  }
0x226: {  	[sflag:s15] =	ssyncset.done $0x0  }
0x227: {  	s7 =	simm.s32 $0x280;
	[sflag:s15] =	ssyncadd.s32 $0xFFFFC000  }
0x228: {  	[tilespmem:s21], [sflag:$0x3] =	stream.indirect.gather [hbm4b:s4+s20], $0x80, s7, s20, $0xb8;
	[tilespmem:$0x19000] =	vst v63  }
0x229: {  	_ =	swait.ge [sflag:s22], $0x4000  }
0x22a: {  	[sflag:s22] =	ssyncset.done $0x0  }
0x22b: {  	s7 =	simm.s32 $0x680;
	[sflag:s22] =	ssyncadd.s32 $0xFFFFC000  }
0x22c: {  	[spmem:s1] =	stream.indirect.scatter.add.f32 [tilespmem:s21], [sflag:$0x4], $0x80, s7, s20, $0xb8;
	[tilespmem:$0x19000] =	vst v63  }
0x22d: {  	_ =	swait.ge [sflag:s15], $0x4000  }
0x22e: {  	[sflag:s15] =	ssyncset.done $0x0  }
0x22f: {  	s7 =	simm.s32 $0x300;
	[sflag:s15] =	ssyncadd.s32 $0xFFFFC000  }
0x230: {  	[tilespmem:s21], [sflag:$0x3] =	stream.indirect.gather [hbm4b:s4+s20], $0x80, s7, s20, $0xb8;
	[tilespmem:$0x19000] =	vst v63  }
0x231: {  	_ =	swait.ge [sflag:s22], $0x4000  }
0x232: {  	[sflag:s22] =	ssyncset.done $0x0  }
0x233: {  	s7 =	simm.s32 $0x700;
	[sflag:s22] =	ssyncadd.s32 $0xFFFFC000  }
0x234: {  	[spmem:s1] =	stream.indirect.scatter.add.f32 [tilespmem:s21], [sflag:$0x4], $0x80, s7, s20, $0xb8;
	[tilespmem:$0x19000] =	vst v63  }
0x235: {  	_ =	swait.ge [sflag:s15], $0x4000  }
0x236: {  	[sflag:s15] =	ssyncset.done $0x0  }
0x237: {  	s7 =	simm.s32 $0x380;
	[sflag:s15] =	ssyncadd.s32 $0xFFFFC000  }
0x238: {  	[tilespmem:s21], [sflag:$0x3] =	stream.indirect.gather [hbm4b:s4+s20], $0x80, s7, s20, $0xb8;
	[tilespmem:$0x19000] =	vst v63  }
0x239: {  	_ =	swait.ge [sflag:s22], $0x4000  }
0x23a: {  	[sflag:s22] =	ssyncset.done $0x0  }
0x23b: {  	s7 =	simm.s32 $0x780;
	[sflag:s22] =	ssyncadd.s32 $0xFFFFC000  }
0x23c: {  	[spmem:s1] =	stream.indirect.scatter.add.f32 [tilespmem:s21], [sflag:$0x4], $0x80, s7, s20, $0xb8;
	[tilespmem:$0x19000] =	vst v63  }
0x23d: {  	_ =	swait.ge [sflag:s15], $0x4000  }
0x23e: {  	s11 =	sadd.s32 s13, s8;
	[sflag:s15] =	ssyncset.done $0x0  }
0x23f: {  	s13 =	sadd.s32 s13, s9;
	s7 =	sadd.s32 $0x6000, s11;
	[sflag:s15] =	ssyncadd.s32 $0xFFFFC000  }
0x240: {  	[tilespmem:s3], [sflag:$0x1] =	stream.linear.gather [hbm4b:s7+s3], $0x400, $0x38;
	[tilespmem:$0x19000] =	vst v63  }
0x241: {  	s7 =	sadd.s32 $0x6000, s13  }
0x242: {  	[tilespmem:s16], [sflag:$0x1] =	stream.linear.gather [hbm4b:s7+s3], $0x400, $0x38;
	[tilespmem:$0x19000] =	vst v63  }
0x243: {  	_ =	swait.ge [sflag:s12], $0x400  }
0x244: {  	[sflag:s12] =	ssyncset.done $0x0  }
0x245: {  	[sflag:s12] =	ssyncadd.s32 $0xFFFFFC00  }
0x246: {  	_ =	swait.ge [sflag:s12], $0x400  }
0x247: {  	[sflag:s12] =	ssyncset.done $0x0  }
0x248: {  	[sflag:s12] =	ssyncadd.s32 $0xFFFFFC00  }
0x249: {  	[tilespmem:s21], [sflag:$0x3] =	stream.indirect.gather [hbm4b:s4+s20], $0x80, s17, s20, $0xb8;
	[tilespmem:$0x19000] =	vst v63  }
0x24a: {  	_ =	swait.ge [sflag:s22], $0x4000  }
0x24b: {  	[sflag:s22] =	ssyncset.done $0x0  }
0x24c: {  	[sflag:s22] =	ssyncadd.s32 $0xFFFFC000  }
0x24d: {  	[spmem:s1] =	stream.indirect.scatter.add.f32 [tilespmem:s21], [sflag:$0x4], $0x80, s18, s20, $0xb8;
	[tilespmem:$0x19000] =	vst v63  }
0x24e: {  	_ =	swait.ge [sflag:s15], $0x4000  }
0x24f: {  	[sflag:s15] =	ssyncset.done $0x0  }
0x250: {  	s7 =	simm.s32 $0x880;
	[sflag:s15] =	ssyncadd.s32 $0xFFFFC000  }
0x251: {  	[tilespmem:s21], [sflag:$0x3] =	stream.indirect.gather [hbm4b:s4+s20], $0x80, s7, s20, $0xb8;
	[tilespmem:$0x19000] =	vst v63  }
0x252: {  	_ =	swait.ge [sflag:s22], $0x4000  }
0x253: {  	[sflag:s22] =	ssyncset.done $0x0  }
0x254: {  	s7 =	simm.s32 $0xC80;
	[sflag:s22] =	ssyncadd.s32 $0xFFFFC000  }
0x255: {  	[spmem:s1] =	stream.indirect.scatter.add.f32 [tilespmem:s21], [sflag:$0x4], $0x80, s7, s20, $0xb8;
	[tilespmem:$0x19000] =	vst v63  }
0x256: {  	_ =	swait.ge [sflag:s15], $0x4000  }
0x257: {  	[sflag:s15] =	ssyncset.done $0x0  }
0x258: {  	[sflag:s15] =	ssyncadd.s32 $0xFFFFC000  }
0x259: {  	[tilespmem:s21], [sflag:$0x3] =	stream.indirect.gather [hbm4b:s4+s20], $0x80, s28, s20, $0xb8;
	[tilespmem:$0x19000] =	vst v63  }
0x25a: {  	_ =	swait.ge [sflag:s22], $0x4000  }
0x25b: {  	[sflag:s22] =	ssyncset.done $0x0  }
0x25c: {  	[sflag:s22] =	ssyncadd.s32 $0xFFFFC000  }
0x25d: {  	[spmem:s1] =	stream.indirect.scatter.add.f32 [tilespmem:s21], [sflag:$0x4], $0x80, s30, s20, $0xb8;
	[tilespmem:$0x19000] =	vst v63  }
0x25e: {  	_ =	swait.ge [sflag:s15], $0x4000  }
0x25f: {  	[sflag:s15] =	ssyncset.done $0x0  }
0x260: {  	[sflag:s15] =	ssyncadd.s32 $0xFFFFC000  }
0x261: {  	[tilespmem:s21], [sflag:$0x3] =	stream.indirect.gather [hbm4b:s4+s20], $0x80, s14, s20, $0xb8;
	[tilespmem:$0x19000] =	vst v63  }
0x262: {  	_ =	swait.ge [sflag:s22], $0x4000  }
0x263: {  	[sflag:s22] =	ssyncset.done $0x0  }
0x264: {  	[sflag:s22] =	ssyncadd.s32 $0xFFFFC000  }
0x265: {  	[spmem:s1] =	stream.indirect.scatter.add.f32 [tilespmem:s21], [sflag:$0x4], $0x80, s24, s20, $0xb8;
	[tilespmem:$0x19000] =	vst v63  }
0x266: {  	_ =	swait.ge [sflag:s15], $0x4000  }
0x267: {  	[sflag:s15] =	ssyncset.done $0x0  }
0x268: {  	[sflag:s15] =	ssyncadd.s32 $0xFFFFC000  }
0x269: {  	[tilespmem:s21], [sflag:$0x3] =	stream.indirect.gather [hbm4b:s4+s20], $0x80, s26, s20, $0xb8;
	[tilespmem:$0x19000] =	vst v63  }
0x26a: {  	_ =	swait.ge [sflag:s22], $0x4000  }
0x26b: {  	[sflag:s22] =	ssyncset.done $0x0  }
0x26c: {  	[sflag:s22] =	ssyncadd.s32 $0xFFFFC000  }
0x26d: {  	[spmem:s1] =	stream.indirect.scatter.add.f32 [tilespmem:s21], [sflag:$0x4], $0x80, s29, s20, $0xb8;
	[tilespmem:$0x19000] =	vst v63  }
0x26e: {  	_ =	swait.ge [sflag:s15], $0x4000  }
0x26f: {  	[sflag:s15] =	ssyncset.done $0x0  }
0x270: {  	[sflag:s15] =	ssyncadd.s32 $0xFFFFC000  }
0x271: {  	[tilespmem:s21], [sflag:$0x3] =	stream.indirect.gather [hbm4b:s4+s20], $0x80, s31, s20, $0xb8;
	[tilespmem:$0x19000] =	vst v63  }
0x272: {  	_ =	swait.ge [sflag:s22], $0x4000  }
0x273: {  	[sflag:s22] =	ssyncset.done $0x0  }
0x274: {  	[sflag:s22] =	ssyncadd.s32 $0xFFFFC000  }
0x275: {  	[spmem:s1] =	stream.indirect.scatter.add.f32 [tilespmem:s21], [sflag:$0x4], $0x80, s2, s20, $0xb8;
	[tilespmem:$0x19000] =	vst v63  }
0x276: {  	_ =	swait.ge [sflag:s15], $0x4000  }
0x277: {  	[sflag:s15] =	ssyncset.done $0x0  }
0x278: {  	[sflag:s15] =	ssyncadd.s32 $0xFFFFC000  }
0x279: {  	[tilespmem:s21], [sflag:$0x3] =	stream.indirect.gather [hbm4b:s4+s20], $0x80, s6, s20, $0xb8;
	[tilespmem:$0x19000] =	vst v63  }
0x27a: {  	_ =	swait.ge [sflag:s22], $0x4000  }
0x27b: {  	[sflag:s22] =	ssyncset.done $0x0  }
0x27c: {  	[sflag:s22] =	ssyncadd.s32 $0xFFFFC000  }
0x27d: {  	[spmem:s1] =	stream.indirect.scatter.add.f32 [tilespmem:s21], [sflag:$0x4], $0x80, s0, s20, $0xb8;
	[tilespmem:$0x19000] =	vst v63  }
0x27e: {  	_ =	swait.ge [sflag:s15], $0x4000  }
0x27f: {  	[sflag:s15] =	ssyncset.done $0x0  }
0x280: {  	[sflag:s15] =	ssyncadd.s32 $0xFFFFC000  }
0x281: {  	[tilespmem:s21], [sflag:$0x3] =	stream.indirect.gather [hbm4b:s4+s20], $0x80, s23, s20, $0xb8;
	[tilespmem:$0x19000] =	vst v63  }
0x282: {  	_ =	swait.ge [sflag:s22], $0x4000  }
0x283: {  	[sflag:s22] =	ssyncset.done $0x0  }
0x284: {  	[sflag:s22] =	ssyncadd.s32 $0xFFFFC000  }
0x285: {  	[spmem:s1] =	stream.indirect.scatter.add.f32 [tilespmem:s21], [sflag:$0x4], $0x80, s25, s20, $0xb8;
	[tilespmem:$0x19000] =	vst v63  }
.Ltmp5:
0x286: {  	_ =	swait.ge [sflag:s15], $0x4000;
	(pc) =	sbr.rel @!p1 .LBB2_3-.Ltmp5, $4  }
0x287: {  	[sflag:s15] =	ssyncset.done $0x0  }
0x288: {  	s7 =	sadd.s32 $0x6800, s11;
	[sflag:s15] =	ssyncadd.s32 $0xFFFFC000  }
0x289: {  	[tilespmem:s17], [sflag:$0x2] =	stream.linear.gather [hbm4b:s7+s3], $0x400, $0x38;
	[tilespmem:$0x19000] =	vst v63  }
0x28a: {  	s11 =	sadd.s32 $0x6800, s13  }
.Ltmp6:
0x28b: {  	(pc) =	sbr.rel .LBB2_8-.Ltmp6, $4  }
0x28c: {  	_ = 	snop  }
0x28d: {  	[tilespmem:s18], [sflag:$0x2] =	stream.linear.gather [hbm4b:s11+s3], $0x400, $0x38;
	[tilespmem:$0x19000] =	vst v63  }
0x28e: {  	s13 =	rddreg [dreg:$0x4]  }
0x28f: {  	s31 =	rddreg [dreg:$0xa]  }
.LBB2_9:
0x290: {  	_ =	sfence.sel $0x180000  }
0x291: {  	[bflag:$0x0] =	sbarrier.arrive $0xFFFF  }
0x292: {  	_ =	strace $0x9000004A  }
0x293: {  	s0 =	stileid.u32;
	[bflag:$0x2] =	sbarrier.arrive $0xFFFF  }
0x294: {  	p0 =	sne.s32 s0, $0x0;
	s0 =	rddreg [dreg:$0x2]  }
0x295: {  	s0 =	sadd.s32 @!p0 $0x100000, s0  }
0x296: {  	[sflag:s0] =	ssyncadd.tile.s32 @!p0 $0x1;
	_ =	shalt  }
.Lfunc_end2:
_tile_overlayer_lowered:
.L_overlay_start_2:
0x297: {  	(tag) =	ssettag $0x2  }
0x298: {  	s0 =	rddreg [dreg:$0x0];
	s2 =	stileid.u32  }
0x299: {  	s1 =	rddreg [dreg:$0x1];
	p0 =	sne.s32 s2, $0x0  }
0x29a: {  	s3 =	rddreg [dreg:$0x2];
	[bflag:$0x3] =	sbarrier.arrive $0xFFFF;
	s2 =	simm.s32 @!p0 $0x1C04  }
0x29b: {  	[timem:s3], [sflag:s2] =	dma.local @!p0 [hbm:s0], s1  }
0x29c: {  	s0 =	simm.s32 @!p0 $0x4  }
0x29d: {  	_ =	swait.ge @!p0 [sflag:s0], s1  }
0x29e: {  	s1 =	ssub.s32 @!p0 $0x0, s1;
	[sflag:s0] =	ssyncset.done @!p0 $0x0  }
0x29f: {  	[sflag:s0] =	ssyncadd.s32 @!p0 s1  }
0x2a0: {  	[bflag:$0x3] =	sbarrier.arrive $0xFFFF  }
0x2a1: {  	_ =	shalt  }

</sc_bundles>
